<compile_context>
chip_gen: v7x
topology: tpu7x:2x2x1
jax: 0.10.2.dev20260603
libtpu: 0.0.44.dev20260713+nightly
codegen_flags: <defaults>
</compile_context>

<pallas_src>
import functools

import jax
import jax.numpy as jnp
import numpy as np
from jax import lax
from jax.experimental import pallas as pl
from jax.experimental.pallas import tpu as pltpu
from jax.experimental.pallas import tpu_sc as plsc

N = 10000
E = 320000
D = 128
K = 16

NC = 2
NS = 16
NW = NC * NS
EPT = E // NW
CH = 128
NFULL = EPT // CH
TAIL = EPT - NFULL * CH
WB_A = 624
WB_OFF = WB_A * (NS - 1)
WB_B = N - WB_OFF
ZCH = 104

SELU_ALPHA = 1.6732632423543772
SELU_SCALE = 1.0507009873554805


def _sc_mesh():
    return plsc.VectorSubcoreMesh(
        core_axis_name="c", subcore_axis_name="s", num_cores=NC, num_subcores=NS
    )


def _zero_my_slice(zbuf, table, s):
    zeros = jnp.zeros((16,), jnp.float32)

    def zb(i, carry):
        zbuf[i // 8, pl.ds((i % 8) * 16, 16)] = zeros
        return carry

    lax.fori_loop(0, ZCH * 8, zb, 0)
    base = s * WB_A
    for j in range(6):
        pltpu.sync_copy(zbuf, table.at[pl.ds(base + j * ZCH, ZCH)])

    @pl.when(s == NS - 1)
    def _():
        pltpu.sync_copy(zbuf.at[pl.ds(0, 16)], table.at[pl.ds(N - 16, 16)])


def _write_back(table, out_hbm, c, s):
    base = s * WB_A
    for j in range(2):
        pltpu.sync_copy(table.at[pl.ds(base + j * 312, 312)],
                        out_hbm.at[c, pl.ds(base + j * 312, 312)])

    @pl.when(s == NS - 1)
    def _():
        pltpu.sync_copy(table.at[pl.ds(N - 16, 16)],
                        out_hbm.at[c, pl.ds(N - 16, 16)])


@functools.partial(
    pl.kernel,
    out_type=jax.ShapeDtypeStruct((NC, N, D), jnp.float32),
    mesh=_sc_mesh(),
    scratch_types=[
        pltpu.VMEM((CH,), jnp.int32),
        pltpu.VMEM((CH,), jnp.int32),
        pltpu.VMEM((CH,), jnp.int32),
        pltpu.VMEM((CH,), jnp.int32),
        pltpu.VMEM((TAIL,), jnp.int32),
        pltpu.VMEM((TAIL,), jnp.int32),
        pltpu.VMEM((CH, D), jnp.float32),
        pltpu.VMEM((CH, D), jnp.float32),
        pltpu.VMEM((ZCH, D), jnp.float32),
        pltpu.VMEM_SHARED((N, D), jnp.float32),
        pltpu.SemaphoreType.DMA,
        pltpu.SemaphoreType.DMA,
        pltpu.SemaphoreType.DMA,
        pltpu.SemaphoreType.DMA,
    ],
)
def _deg_sc_kernel(srci_hbm, dsti_hbm, h_out,
                   sbuf0, dbuf0, sbuf1, dbuf1, sbuf_t, dbuf_t, e0, e1,
                   zbuf, htab, semA, semB, semC, semD):
    c = lax.axis_index("c")
    s = lax.axis_index("s")
    wid = s * NC + c
    ones = jnp.ones((16,), jnp.float32)
    zeros = jnp.zeros((16,), jnp.float32)

    def fill(i, carry):
        r = i // 8
        col = (i % 8) * 16
        e0[r, pl.ds(col, 16)] = zeros
        e1[r, pl.ds(col, 16)] = zeros
        return carry

    lax.fori_loop(0, CH * 8, fill, 0)

    def mark(i, carry):
        e0[i, pl.ds(0, 16)] = ones
        e1[i, pl.ds(64, 16)] = ones
        return carry

    lax.fori_loop(0, CH, mark, 0)
    _zero_my_slice(zbuf, htab, s)
    plsc.subcore_barrier()

    base = wid * EPT

    def load_idx(k, sb, db):
        off = base + k * CH
        pltpu.sync_copy(srci_hbm.at[pl.ds(off, CH)], sb)
        pltpu.sync_copy(dsti_hbm.at[pl.ds(off, CH)], db)

    load_idx(0, sbuf0, dbuf0)
    pltpu.async_copy(e0, htab.at[sbuf0], semA, add=True)
    pltpu.async_copy(e1, htab.at[dbuf0], semB, add=True)

    def chunk(i, carry):
        load_idx(2 * i + 1, sbuf1, dbuf1)
        pltpu.async_copy(e0, htab.at[sbuf1], semC, add=True)
        pltpu.async_copy(e1, htab.at[dbuf1], semD, add=True)
        pltpu.make_async_copy(e0, htab.at[sbuf0], semA).wait()
        pltpu.make_async_copy(e1, htab.at[dbuf0], semB).wait()

        @pl.when(i < NFULL // 2 - 1)
        def _():
            load_idx(2 * i + 2, sbuf0, dbuf0)
            pltpu.async_copy(e0, htab.at[sbuf0], semA, add=True)
            pltpu.async_copy(e1, htab.at[dbuf0], semB, add=True)

        pltpu.make_async_copy(e0, htab.at[sbuf1], semC).wait()
        pltpu.make_async_copy(e1, htab.at[dbuf1], semD).wait()
        return carry

    lax.fori_loop(0, NFULL // 2, chunk, 0)

    offt = base + NFULL * CH
    pltpu.sync_copy(srci_hbm.at[pl.ds(offt, TAIL)], sbuf_t)
    pltpu.sync_copy(dsti_hbm.at[pl.ds(offt, TAIL)], dbuf_t)
    pltpu.sync_copy(e0.at[pl.ds(0, TAIL)], htab.at[sbuf_t], add=True)
    pltpu.sync_copy(e1.at[pl.ds(0, TAIL)], htab.at[dbuf_t], add=True)

    plsc.subcore_barrier()
    _write_back(htab, h_out, c, s)


def _sup_body(h0_ref, h1_ref, x_ref, w_ref, b_ref,
              sup_ref, rs_dr_ref, dc_ref):
    dr = h0_ref[:, 0:1] + h1_ref[:, 0:1]
    dc = h0_ref[:, 64:65] + h1_ref[:, 64:65]
    rs_dc = lax.rsqrt(jnp.maximum(dc, 1.0))
    rs_dr_ref[...] = lax.rsqrt(jnp.maximum(dr, 1.0))
    dc_ref[...] = dc
    acc = jnp.dot(x_ref[...], w_ref[...], preferred_element_type=jnp.float32)
    sup_ref[...] = (acc + b_ref[...]) * rs_dc


_sup_call = pl.pallas_call(
    _sup_body,
    out_shape=(
        jax.ShapeDtypeStruct((N, D), jnp.float32),
        jax.ShapeDtypeStruct((N, 1), jnp.float32),
        jax.ShapeDtypeStruct((N, 1), jnp.float32),
    ),
)


@functools.partial(
    pl.kernel,
    out_type=jax.ShapeDtypeStruct((NC, N, D), jnp.float32),
    mesh=_sc_mesh(),
    scratch_types=[
        pltpu.VMEM((CH,), jnp.int32),
        pltpu.VMEM((CH,), jnp.int32),
        pltpu.VMEM((CH, D), jnp.float32),
        pltpu.VMEM((CH,), jnp.int32),
        pltpu.VMEM((CH,), jnp.int32),
        pltpu.VMEM((CH, D), jnp.float32),
        pltpu.VMEM((TAIL,), jnp.int32),
        pltpu.VMEM((TAIL,), jnp.int32),
        pltpu.VMEM((TAIL, D), jnp.float32),
        pltpu.VMEM((ZCH, D), jnp.float32),
        pltpu.VMEM_SHARED((N, D), jnp.float32),
        pltpu.SemaphoreType.DMA,
        pltpu.SemaphoreType.DMA,
    ],
)
def _spmm_kernel(tab_hbm, dsti_hbm, srci_hbm, z_out,
                 dbuf0, sbuf0, rows0, dbuf1, sbuf1, rows1,
                 dbuf_t, sbuf_t, rows_t, zbuf, zacc, sem0, sem1):
    c = lax.axis_index("c")
    s = lax.axis_index("s")
    wid = s * NC + c
    _zero_my_slice(zbuf, zacc, s)
    plsc.subcore_barrier()

    base = wid * EPT

    def load_idx(k, dbuf, sbuf):
        off = base + k * CH
        pltpu.sync_copy(dsti_hbm.at[pl.ds(off, CH)], dbuf)
        pltpu.sync_copy(srci_hbm.at[pl.ds(off, CH)], sbuf)

    load_idx(0, dbuf0, sbuf0)
    pltpu.async_copy(tab_hbm.at[dbuf0], rows0, sem0)

    def body(i, carry):
        load_idx(2 * i + 1, dbuf1, sbuf1)
        pltpu.async_copy(tab_hbm.at[dbuf1], rows1, sem1)
        pltpu.make_async_copy(tab_hbm.at[dbuf0], rows0, sem0).wait()
        pltpu.sync_copy(rows0, zacc.at[sbuf0], add=True)

        @pl.when(i < NFULL // 2 - 1)
        def _():
            load_idx(2 * i + 2, dbuf0, sbuf0)
            pltpu.async_copy(tab_hbm.at[dbuf0], rows0, sem0)

        pltpu.make_async_copy(tab_hbm.at[dbuf1], rows1, sem1).wait()
        pltpu.sync_copy(rows1, zacc.at[sbuf1], add=True)
        return carry

    lax.fori_loop(0, NFULL // 2, body, 0)

    offt = base + NFULL * CH
    pltpu.sync_copy(dsti_hbm.at[pl.ds(offt, TAIL)], dbuf_t)
    pltpu.sync_copy(srci_hbm.at[pl.ds(offt, TAIL)], sbuf_t)
    pltpu.async_copy(tab_hbm.at[dbuf_t], rows_t, sem0).wait()
    pltpu.sync_copy(rows_t, zacc.at[sbuf_t], add=True)

    plsc.subcore_barrier()
    _write_back(zacc, z_out, c, s)


def _assign_body(z0_ref, z1_ref, rs_ref, wt_ref, bt_ref, dc_ref,
                 apad_ref, cs_ref, nl_ref):
    z = (z0_ref[...] + z1_ref[...]) * rs_ref[...]
    g = SELU_SCALE * jnp.where(z > 0, z, SELU_ALPHA * (jnp.exp(z) - 1.0))
    logits = jnp.dot(g, wt_ref[...], preferred_element_type=jnp.float32) + bt_ref[...]
    m = jnp.max(logits, axis=1, keepdims=True)
    e = jnp.exp(logits - m)
    a = e / jnp.sum(e, axis=1, keepdims=True)
    apad_ref[...] = jnp.concatenate(
        [a, jnp.zeros((N, D - K), jnp.float32)], axis=1
    )
    cs_ref[...] = jnp.sum(a, axis=0, keepdims=True)
    nl_ref[...] = jnp.sum(dc_ref[...] * a, axis=0, keepdims=True)


_assign_call = pl.pallas_call(
    _assign_body,
    out_shape=(
        jax.ShapeDtypeStruct((N, D), jnp.float32),
        jax.ShapeDtypeStruct((1, K), jnp.float32),
        jax.ShapeDtypeStruct((1, K), jnp.float32),
    ),
)


def _loss_body(as0_ref, as1_ref, apad_ref, cs_ref, nl_ref, loss_ref):
    tp = jnp.sum((as0_ref[...] + as1_ref[...]) * apad_ref[...])
    nl = nl_ref[...]
    cs = cs_ref[...]
    e_f = jnp.float32(E)
    tn = jnp.sum(nl * nl) / 2.0 / e_f
    spectral = -(tp - tn) / 2.0 / e_f
    cluster = jnp.sqrt(jnp.sum(cs * cs)) / jnp.float32(N) * np.sqrt(float(K)) - 1.0
    loss_ref[...] = jnp.full((1, 1), spectral + cluster, jnp.float32)


_loss_call = pl.pallas_call(
    _loss_body,
    out_shape=jax.ShapeDtypeStruct((1, 1), jnp.float32),
)


def kernel(edge_index, features, W_gcn, b_gcn, W_t, b_t):
    src = edge_index[0].astype(jnp.int32)
    dst = edge_index[1].astype(jnp.int32)

    h = _deg_sc_kernel(src, dst)
    support2, rs_dr, dc_col = _sup_call(
        h[0], h[1], features, W_gcn, b_gcn.reshape(1, D)
    )
    zp = _spmm_kernel(support2, dst, src)
    apad, cs, nl = _assign_call(
        zp[0], zp[1], rs_dr, W_t, b_t.reshape(1, K), dc_col
    )
    asp = _spmm_kernel(apad, dst, src)
    loss = _loss_call(asp[0], asp[1], apad, cs, nl)
    return loss[0, 0]

# --- scband reference (transcript-rebuilt; emitter-appended) ---
"""Pipeline reference for scband-cat-1460288881350 (READ-ONLY COPY).

The authoritative reference and input builder live on the scoring server;
editing this copy changes nothing except your own understanding.
"""

import jax, jax.numpy as jnp
import numpy as np

N = 10000
E = 320000
D_FEAT = 128
D_HID = 128
K = 16
CLUSTER_REG = 1.0


def setup_inputs(seed: int = 0) -> dict:
    key = jax.random.key(seed)
    k1, k2, k3, k4 = jax.random.split(key, 4)
    edge_index = jax.random.randint(k1, (2, E), 0, N, dtype=jnp.int64)
    features = jax.random.normal(k2, (N, D_FEAT), dtype=jnp.float32)
    # GCN layer weight (n_features -> architecture)
    W_gcn = jax.random.normal(k3, (D_FEAT, D_HID), dtype=jnp.float32) / np.sqrt(D_FEAT)
    b_gcn = jnp.zeros((D_HID,), dtype=jnp.float32)
    # transform: Linear(architecture -> n_clusters), orthogonal-like init gain sqrt(2)
    W_t = jax.random.normal(k4, (D_HID, K), dtype=jnp.float32) * np.sqrt(2.0 / D_HID)
    b_t = jnp.zeros((K,), dtype=jnp.float32)
    return {"edge_index": edge_index, "features": features, "W_gcn": W_gcn,
            "b_gcn": b_gcn, "W_t": W_t, "b_t": b_t}


def reference(edge_index, features, W_gcn, b_gcn, W_t, b_t):
    src = edge_index[0]
    dst = edge_index[1]
    ones_e = jnp.ones((E,), dtype=jnp.float32)
    # degrees of the (binary) adjacency: row sums and column sums
    deg_row = jax.ops.segment_sum(ones_e, src, num_segments=N)
    deg_col = jax.ops.segment_sum(ones_e, dst, num_segments=N)
    dr = jnp.maximum(deg_row, 1.0)
    dc = jnp.maximum(deg_col, 1.0)
    # symmetric normalized adjacency values: D^-1/2 A D^-1/2
    norm_vals = 1.0 / jnp.sqrt(dr[src] * dc[dst])
    # GCN layer: selu(A_norm @ (X W) + b)
    support = features @ W_gcn + b_gcn
    agg = jax.ops.segment_sum(norm_vals[:, None] * support[dst], src, num_segments=N)
    gcn_out = jax.nn.selu(agg)
    # transform + softmax assignments (dropout rate 0.0 -> identity)
    assignments = jax.nn.softmax(gcn_out @ W_t + b_t, axis=1)
    n_edges = float(E)
    # degrees = torch.sparse.sum(graph, dim=0) -> column sums
    degrees = deg_col[:, None]
    # graph_pooled = (A @ S).T @ S, A binary with value 1 per edge
    AS = jax.ops.segment_sum(assignments[dst], src, num_segments=N)
    graph_pooled = AS.T @ assignments
    normalizer_left = assignments.T @ degrees  # [K, 1]
    normalizer_right = normalizer_left.T       # [1, K]
    normalizer = (normalizer_left @ normalizer_right) / 2.0 / n_edges
    spectral_loss = -jnp.trace(graph_pooled - normalizer) / 2.0 / n_edges
    loss = spectral_loss
    cluster_sizes = jnp.sum(assignments, axis=0)
    cluster_loss = jnp.linalg.norm(cluster_sizes) / N * np.sqrt(float(K)) - 1.0
    cluster_loss = cluster_loss * CLUSTER_REG
    loss = loss + cluster_loss
    return loss

if __name__ == "__main__":
    import jax
    _d = setup_inputs()
    print(jax.jit(kernel)(*tuple(_d.values())))

</pallas_src>

<mosaic_0001>
#map = affine_map<(d0, d1) -> (0, 0)>
#map1 = affine_map<(d0, d1) -> (0)>
#map2 = affine_map<(d0, d1) -> (0, 0, 0)>
module attributes {stable_mosaic.version = 14 : i64} {
  func.func @_spmm_kernel(%arg0: i32, %arg1: i32, %arg2: memref<10000x128xf32, #tpu.memory_space<hbm>>, %arg3: memref<320000xi32, #tpu.memory_space<hbm>>, %arg4: memref<320000xi32, #tpu.memory_space<hbm>>, %arg5: memref<2x10000x128xf32, #tpu.memory_space<hbm>>, %arg6: memref<128xi32, #tpu.memory_space<vmem>>, %arg7: memref<128xi32, #tpu.memory_space<vmem>>, %arg8: memref<128x128xf32, #tpu.memory_space<vmem>>, %arg9: memref<128xi32, #tpu.memory_space<vmem>>, %arg10: memref<128xi32, #tpu.memory_space<vmem>>, %arg11: memref<128x128xf32, #tpu.memory_space<vmem>>, %arg12: memref<16xi32, #tpu.memory_space<vmem>>, %arg13: memref<16xi32, #tpu.memory_space<vmem>>, %arg14: memref<16x128xf32, #tpu.memory_space<vmem>>, %arg15: memref<104x128xf32, #tpu.memory_space<vmem>>, %arg16: memref<10000x128xf32, #tpu.memory_space<vmem_shared>>, %arg17: memref<!tpu.dma_semaphore, #tpu.memory_space<semaphore_mem>>, %arg18: memref<!tpu.dma_semaphore, #tpu.memory_space<semaphore_mem>>) attributes {dimension_semantics = [#tpu.dimension_semantics<core_parallel>, #tpu.dimension_semantics<subcore_parallel>], iteration_bounds = array<i64: 2, 16>, scalar_prefetch = 0 : i64, scratch_operands = 13 : i64, tpu.core_type = #tpu.core_type<sc_vector_subcore>, window_params = [{transform_indices = #map}, {transform_indices = #map1}, {transform_indices = #map1}, {transform_indices = #map2}]} {
    %mul3A = arith.constant 2 : i32
    %mul3A_0 = arith.muli %arg1, %mul3A : i32
    %add3A = arith.addi %mul3A_0, %arg0 : i32
    %broadcast_in_dim3A = arith.constant 0.000000e+00 : f32
    %broadcast_in_dim3A_1 = vector.broadcast %broadcast_in_dim3A : f32 to vector<16xf32>
    %scan3A = arith.constant 0 : i32
    %scan3A_2 = arith.constant 0 : i32
    %scan3A_3 = arith.constant 832 : i32
    %scan3A_4 = arith.addi %scan3A_2, %scan3A_3 : i32
    %scan3A_5 = arith.constant 1 : i32
    scf.for %scan3A_58 = %scan3A_2 to %scan3A_4 step %scan3A_5  : i32 {
      %jit3A = arith.constant 8 : i32
      %div3A = arith.divsi %scan3A_58, %jit3A : i32
      %sign3A = arith.constant 0 : i32
      %sign3A_59 = arith.cmpi sgt, %scan3A_58, %sign3A : i32
      %sign3A_60 = arith.extui %sign3A_59 : i1 to i32
      %sign3A_61 = arith.constant 0 : i32
      %sign3A_62 = arith.cmpi slt, %scan3A_58, %sign3A_61 : i32
      %sign3A_63 = arith.extui %sign3A_62 : i1 to i32
      %sign3A_64 = arith.subi %sign3A_60, %sign3A_63 : i32
      %sign3A_65 = arith.constant 0 : i32
      %sign3A_66 = arith.cmpi sgt, %jit3A, %sign3A_65 : i32
      %sign3A_67 = arith.extui %sign3A_66 : i1 to i32
      %sign3A_68 = arith.constant 0 : i32
      %sign3A_69 = arith.cmpi slt, %jit3A, %sign3A_68 : i32
      %sign3A_70 = arith.extui %sign3A_69 : i1 to i32
      %sign3A_71 = arith.subi %sign3A_67, %sign3A_70 : i32
      %ne3A = arith.cmpi ne, %sign3A_64, %sign3A_71 : i32
      %rem3A = arith.remsi %scan3A_58, %jit3A : i32
      %ne3A_72 = arith.constant 0 : i32
      %ne3A_73 = arith.cmpi ne, %rem3A, %ne3A_72 : i32
      %and3A = arith.andi %ne3A, %ne3A_73 : i1
      %sub3A = arith.constant 1 : i32
      %sub3A_74 = arith.subi %div3A, %sub3A : i32
      %select_n3A = arith.select %and3A, %sub3A_74, %div3A : i32
      %jit3A_75 = arith.constant 8 : i32
      %eq3A_76 = arith.constant 0 : i32
      %eq3A_77 = arith.cmpi eq, %jit3A_75, %eq3A_76 : i32
      %jit3A_78 = arith.constant 1 : i32
      %select_n3A_79 = arith.select %eq3A_77, %jit3A_78, %jit3A_75 : i32
      %rem3A_80 = arith.remsi %scan3A_58, %select_n3A_79 : i32
      %ne3A_81 = arith.constant 0 : i32
      %ne3A_82 = arith.cmpi ne, %rem3A_80, %ne3A_81 : i32
      %lt3A = arith.constant 0 : i32
      %lt3A_83 = arith.cmpi slt, %rem3A_80, %lt3A : i32
      %lt3A_84 = arith.constant 0 : i32
      %lt3A_85 = arith.cmpi slt, %select_n3A_79, %lt3A_84 : i32
      %ne3A_86 = arith.xori %lt3A_83, %lt3A_85 : i1
      %and3A_87 = arith.andi %ne3A_86, %ne3A_82 : i1
      %add3A_88 = arith.addi %rem3A_80, %select_n3A_79 : i32
      %select_n3A_89 = arith.select %and3A_87, %add3A_88, %rem3A_80 : i32
      %mul3A_90 = arith.constant 16 : i32
      %mul3A_91 = arith.muli %select_n3A_89, %mul3A_90 : i32
      %swap3A = arith.index_cast %select_n3A : i32 to index
      %swap3A_92 = arith.index_cast %mul3A_91 : i32 to index
      %swap3A_93 = tpu.vector_load %arg15[%swap3A, %swap3A_92] {strides = array<i32>} : memref<104x128xf32, #tpu.memory_space<vmem>>, vector<1x16xf32>,
      %swap3A_94 = vector.shape_cast %swap3A_93 : vector<1x16xf32> to vector<16xf32>
      %swap3A_95 = vector.shape_cast %broadcast_in_dim3A_1 : vector<16xf32> to vector<1x16xf32>
      tpu.vector_store %arg15[%swap3A, %swap3A_92], %swap3A_95 {strides = array<i32>} : memref<104x128xf32, #tpu.memory_space<vmem>>, vector<1x16xf32>,
    }
    %scan3A_6 = arith.constant 832 : i32
    %mul3A_7 = arith.constant 624 : i32
    %mul3A_8 = arith.muli %arg1, %mul3A_7 : i32
    %add3A_9 = arith.constant 0 : i32
    %add3A_10 = arith.addi %mul3A_8, %add3A_9 : i32
    "tpu.region"() ({
      %run_scoped3A = tpu.sem_alloc : memref<!tpu.dma_semaphore, #tpu.memory_space<semaphore_mem>>
      %dma_start3A_58 = arith.constant 0 : i32
      %dma_start3A_59 = tpu.memref_slice %arg16[%add3A_10, %dma_start3A_58] : memref<10000x128xf32, #tpu.memory_space<vmem_shared>> -> memref<104x128xf32, #tpu.memory_space<vmem_shared>>
      %dma_start3A_60 = arith.constant 0 : i32
      %dma_start3A_61 = tpu.memref_slice %arg16[%add3A_10, %dma_start3A_60] : memref<10000x128xf32, #tpu.memory_space<vmem_shared>> -> memref<104x128xf32, #tpu.memory_space<vmem_shared>>
      tpu.enqueue_dma source(%arg15 : memref<104x128xf32, #tpu.memory_space<vmem>>) target(%dma_start3A_61 : memref<104x128xf32, #tpu.memory_space<vmem_shared>>) target_semaphore(%run_scoped3A : memref<!tpu.dma_semaphore, #tpu.memory_space<semaphore_mem>>)
      %dma_wait3A_62 = arith.constant 0 : i32
      %dma_wait3A_63 = tpu.memref_slice %arg16[%add3A_10, %dma_wait3A_62] : memref<10000x128xf32, #tpu.memory_space<vmem_shared>> -> memref<104x128xf32, #tpu.memory_space<vmem_shared>>
      %dma_wait3A_64 = arith.constant 0 : i32
      %dma_wait3A_65 = tpu.memref_slice %arg16[%add3A_10, %dma_wait3A_64] : memref<10000x128xf32, #tpu.memory_space<vmem_shared>> -> memref<104x128xf32, #tpu.memory_space<vmem_shared>>
      tpu.wait_dma2 semaphore(%run_scoped3A : memref<!tpu.dma_semaphore, #tpu.memory_space<semaphore_mem>>) src(%arg15 : memref<104x128xf32, #tpu.memory_space<vmem>>) dst(%dma_wait3A_65 : memref<104x128xf32, #tpu.memory_space<vmem_shared>>)
      tpu.yield
    }) : () -> ()
    %add3A_11 = arith.constant 104 : i32
    %add3A_12 = arith.addi %mul3A_8, %add3A_11 : i32
    "tpu.region"() ({
      %run_scoped3A = tpu.sem_alloc : memref<!tpu.dma_semaphore, #tpu.memory_space<semaphore_mem>>
      %dma_start3A_58 = arith.constant 0 : i32
      %dma_start3A_59 = tpu.memref_slice %arg16[%add3A_12, %dma_start3A_58] : memref<10000x128xf32, #tpu.memory_space<vmem_shared>> -> memref<104x128xf32, #tpu.memory_space<vmem_shared>>
      %dma_start3A_60 = arith.constant 0 : i32
      %dma_start3A_61 = tpu.memref_slice %arg16[%add3A_12, %dma_start3A_60] : memref<10000x128xf32, #tpu.memory_space<vmem_shared>> -> memref<104x128xf32, #tpu.memory_space<vmem_shared>>
      tpu.enqueue_dma source(%arg15 : memref<104x128xf32, #tpu.memory_space<vmem>>) target(%dma_start3A_61 : memref<104x128xf32, #tpu.memory_space<vmem_shared>>) target_semaphore(%run_scoped3A : memref<!tpu.dma_semaphore, #tpu.memory_space<semaphore_mem>>)
      %dma_wait3A_62 = arith.constant 0 : i32
      %dma_wait3A_63 = tpu.memref_slice %arg16[%add3A_12, %dma_wait3A_62] : memref<10000x128xf32, #tpu.memory_space<vmem_shared>> -> memref<104x128xf32, #tpu.memory_space<vmem_shared>>
      %dma_wait3A_64 = arith.constant 0 : i32
      %dma_wait3A_65 = tpu.memref_slice %arg16[%add3A_12, %dma_wait3A_64] : memref<10000x128xf32, #tpu.memory_space<vmem_shared>> -> memref<104x128xf32, #tpu.memory_space<vmem_shared>>
      tpu.wait_dma2 semaphore(%run_scoped3A : memref<!tpu.dma_semaphore, #tpu.memory_space<semaphore_mem>>) src(%arg15 : memref<104x128xf32, #tpu.memory_space<vmem>>) dst(%dma_wait3A_65 : memref<104x128xf32, #tpu.memory_space<vmem_shared>>)
      tpu.yield
    }) : () -> ()
    %add3A_13 = arith.constant 208 : i32
    %add3A_14 = arith.addi %mul3A_8, %add3A_13 : i32
    "tpu.region"() ({
      %run_scoped3A = tpu.sem_alloc : memref<!tpu.dma_semaphore, #tpu.memory_space<semaphore_mem>>
      %dma_start3A_58 = arith.constant 0 : i32
      %dma_start3A_59 = tpu.memref_slice %arg16[%add3A_14, %dma_start3A_58] : memref<10000x128xf32, #tpu.memory_space<vmem_shared>> -> memref<104x128xf32, #tpu.memory_space<vmem_shared>>
      %dma_start3A_60 = arith.constant 0 : i32
      %dma_start3A_61 = tpu.memref_slice %arg16[%add3A_14, %dma_start3A_60] : memref<10000x128xf32, #tpu.memory_space<vmem_shared>> -> memref<104x128xf32, #tpu.memory_space<vmem_shared>>
      tpu.enqueue_dma source(%arg15 : memref<104x128xf32, #tpu.memory_space<vmem>>) target(%dma_start3A_61 : memref<104x128xf32, #tpu.memory_space<vmem_shared>>) target_semaphore(%run_scoped3A : memref<!tpu.dma_semaphore, #tpu.memory_space<semaphore_mem>>)
      %dma_wait3A_62 = arith.constant 0 : i32
      %dma_wait3A_63 = tpu.memref_slice %arg16[%add3A_14, %dma_wait3A_62] : memref<10000x128xf32, #tpu.memory_space<vmem_shared>> -> memref<104x128xf32, #tpu.memory_space<vmem_shared>>
      %dma_wait3A_64 = arith.constant 0 : i32
      %dma_wait3A_65 = tpu.memref_slice %arg16[%add3A_14, %dma_wait3A_64] : memref<10000x128xf32, #tpu.memory_space<vmem_shared>> -> memref<104x128xf32, #tpu.memory_space<vmem_shared>>
      tpu.wait_dma2 semaphore(%run_scoped3A : memref<!tpu.dma_semaphore, #tpu.memory_space<semaphore_mem>>) src(%arg15 : memref<104x128xf32, #tpu.memory_space<vmem>>) dst(%dma_wait3A_65 : memref<104x128xf32, #tpu.memory_space<vmem_shared>>)
      tpu.yield
    }) : () -> ()
    %add3A_15 = arith.constant 312 : i32
    %add3A_16 = arith.addi %mul3A_8, %add3A_15 : i32
    "tpu.region"() ({
      %run_scoped3A = tpu.sem_alloc : memref<!tpu.dma_semaphore, #tpu.memory_space<semaphore_mem>>
      %dma_start3A_58 = arith.constant 0 : i32
      %dma_start3A_59 = tpu.memref_slice %arg16[%add3A_16, %dma_start3A_58] : memref<10000x128xf32, #tpu.memory_space<vmem_shared>> -> memref<104x128xf32, #tpu.memory_space<vmem_shared>>
      %dma_start3A_60 = arith.constant 0 : i32
      %dma_start3A_61 = tpu.memref_slice %arg16[%add3A_16, %dma_start3A_60] : memref<10000x128xf32, #tpu.memory_space<vmem_shared>> -> memref<104x128xf32, #tpu.memory_space<vmem_shared>>
      tpu.enqueue_dma source(%arg15 : memref<104x128xf32, #tpu.memory_space<vmem>>) target(%dma_start3A_61 : memref<104x128xf32, #tpu.memory_space<vmem_shared>>) target_semaphore(%run_scoped3A : memref<!tpu.dma_semaphore, #tpu.memory_space<semaphore_mem>>)
      %dma_wait3A_62 = arith.constant 0 : i32
      %dma_wait3A_63 = tpu.memref_slice %arg16[%add3A_16, %dma_wait3A_62] : memref<10000x128xf32, #tpu.memory_space<vmem_shared>> -> memref<104x128xf32, #tpu.memory_space<vmem_shared>>
      %dma_wait3A_64 = arith.constant 0 : i32
      %dma_wait3A_65 = tpu.memref_slice %arg16[%add3A_16, %dma_wait3A_64] : memref<10000x128xf32, #tpu.memory_space<vmem_shared>> -> memref<104x128xf32, #tpu.memory_space<vmem_shared>>
      tpu.wait_dma2 semaphore(%run_scoped3A : memref<!tpu.dma_semaphore, #tpu.memory_space<semaphore_mem>>) src(%arg15 : memref<104x128xf32, #tpu.memory_space<vmem>>) dst(%dma_wait3A_65 : memref<104x128xf32, #tpu.memory_space<vmem_shared>>)
      tpu.yield
    }) : () -> ()
    %add3A_17 = arith.constant 416 : i32
    %add3A_18 = arith.addi %mul3A_8, %add3A_17 : i32
    "tpu.region"() ({
      %run_scoped3A = tpu.sem_alloc : memref<!tpu.dma_semaphore, #tpu.memory_space<semaphore_mem>>
      %dma_start3A_58 = arith.constant 0 : i32
      %dma_start3A_59 = tpu.memref_slice %arg16[%add3A_18, %dma_start3A_58] : memref<10000x128xf32, #tpu.memory_space<vmem_shared>> -> memref<104x128xf32, #tpu.memory_space<vmem_shared>>
      %dma_start3A_60 = arith.constant 0 : i32
      %dma_start3A_61 = tpu.memref_slice %arg16[%add3A_18, %dma_start3A_60] : memref<10000x128xf32, #tpu.memory_space<vmem_shared>> -> memref<104x128xf32, #tpu.memory_space<vmem_shared>>
      tpu.enqueue_dma source(%arg15 : memref<104x128xf32, #tpu.memory_space<vmem>>) target(%dma_start3A_61 : memref<104x128xf32, #tpu.memory_space<vmem_shared>>) target_semaphore(%run_scoped3A : memref<!tpu.dma_semaphore, #tpu.memory_space<semaphore_mem>>)
      %dma_wait3A_62 = arith.constant 0 : i32
      %dma_wait3A_63 = tpu.memref_slice %arg16[%add3A_18, %dma_wait3A_62] : memref<10000x128xf32, #tpu.memory_space<vmem_shared>> -> memref<104x128xf32, #tpu.memory_space<vmem_shared>>
      %dma_wait3A_64 = arith.constant 0 : i32
      %dma_wait3A_65 = tpu.memref_slice %arg16[%add3A_18, %dma_wait3A_64] : memref<10000x128xf32, #tpu.memory_space<vmem_shared>> -> memref<104x128xf32, #tpu.memory_space<vmem_shared>>
      tpu.wait_dma2 semaphore(%run_scoped3A : memref<!tpu.dma_semaphore, #tpu.memory_space<semaphore_mem>>) src(%arg15 : memref<104x128xf32, #tpu.memory_space<vmem>>) dst(%dma_wait3A_65 : memref<104x128xf32, #tpu.memory_space<vmem_shared>>)
      tpu.yield
    }) : () -> ()
    %add3A_19 = arith.constant 520 : i32
    %add3A_20 = arith.addi %mul3A_8, %add3A_19 : i32
    "tpu.region"() ({
      %run_scoped3A = tpu.sem_alloc : memref<!tpu.dma_semaphore, #tpu.memory_space<semaphore_mem>>
      %dma_start3A_58 = arith.constant 0 : i32
      %dma_start3A_59 = tpu.memref_slice %arg16[%add3A_20, %dma_start3A_58] : memref<10000x128xf32, #tpu.memory_space<vmem_shared>> -> memref<104x128xf32, #tpu.memory_space<vmem_shared>>
      %dma_start3A_60 = arith.constant 0 : i32
      %dma_start3A_61 = tpu.memref_slice %arg16[%add3A_20, %dma_start3A_60] : memref<10000x128xf32, #tpu.memory_space<vmem_shared>> -> memref<104x128xf32, #tpu.memory_space<vmem_shared>>
      tpu.enqueue_dma source(%arg15 : memref<104x128xf32, #tpu.memory_space<vmem>>) target(%dma_start3A_61 : memref<104x128xf32, #tpu.memory_space<vmem_shared>>) target_semaphore(%run_scoped3A : memref<!tpu.dma_semaphore, #tpu.memory_space<semaphore_mem>>)
      %dma_wait3A_62 = arith.constant 0 : i32
      %dma_wait3A_63 = tpu.memref_slice %arg16[%add3A_20, %dma_wait3A_62] : memref<10000x128xf32, #tpu.memory_space<vmem_shared>> -> memref<104x128xf32, #tpu.memory_space<vmem_shared>>
      %dma_wait3A_64 = arith.constant 0 : i32
      %dma_wait3A_65 = tpu.memref_slice %arg16[%add3A_20, %dma_wait3A_64] : memref<10000x128xf32, #tpu.memory_space<vmem_shared>> -> memref<104x128xf32, #tpu.memory_space<vmem_shared>>
      tpu.wait_dma2 semaphore(%run_scoped3A : memref<!tpu.dma_semaphore, #tpu.memory_space<semaphore_mem>>) src(%arg15 : memref<104x128xf32, #tpu.memory_space<vmem>>) dst(%dma_wait3A_65 : memref<104x128xf32, #tpu.memory_space<vmem_shared>>)
      tpu.yield
    }) : () -> ()
    %eq3A = arith.constant 15 : i32
    %eq3A_21 = arith.cmpi eq, %arg1, %eq3A : i32
    %convert_element_type3A = arith.extui %eq3A_21 : i1 to i32
    %cond3A = arith.constant 0 : i32
    %cond3A_22 = arith.cmpi ne, %convert_element_type3A, %cond3A : i32
    scf.if %cond3A_22 {
      "tpu.region"() ({
        %run_scoped3A = tpu.sem_alloc : memref<!tpu.dma_semaphore, #tpu.memory_space<semaphore_mem>>
        %dma_start3A_58 = arith.constant 0 : i32
        %dma_start3A_59 = arith.constant 0 : i32
        %dma_start3A_60 = tpu.memref_slice %arg15[%dma_start3A_58, %dma_start3A_59] : memref<104x128xf32, #tpu.memory_space<vmem>> -> memref<16x128xf32, #tpu.memory_space<vmem>>
        %dma_start3A_61 = arith.constant 9984 : i32
        %dma_start3A_62 = arith.constant 0 : i32
        %dma_start3A_63 = tpu.memref_slice %arg16[%dma_start3A_61, %dma_start3A_62] : memref<10000x128xf32, #tpu.memory_space<vmem_shared>> -> memref<16x128xf32, #tpu.memory_space<vmem_shared>>
        %dma_start3A_64 = arith.constant 9984 : i32
        %dma_start3A_65 = arith.constant 0 : i32
        %dma_start3A_66 = tpu.memref_slice %arg16[%dma_start3A_64, %dma_start3A_65] : memref<10000x128xf32, #tpu.memory_space<vmem_shared>> -> memref<16x128xf32, #tpu.memory_space<vmem_shared>>
        %dma_start3A_67 = arith.constant 0 : i32
        %dma_start3A_68 = arith.constant 0 : i32
        %dma_start3A_69 = tpu.memref_slice %arg15[%dma_start3A_67, %dma_start3A_68] : memref<104x128xf32, #tpu.memory_space<vmem>> -> memref<16x128xf32, #tpu.memory_space<vmem>>
        tpu.enqueue_dma source(%dma_start3A_69 : memref<16x128xf32, #tpu.memory_space<vmem>>) target(%dma_start3A_66 : memref<16x128xf32, #tpu.memory_space<vmem_shared>>) target_semaphore(%run_scoped3A : memref<!tpu.dma_semaphore, #tpu.memory_space<semaphore_mem>>)
        %dma_wait3A_70 = arith.constant 0 : i32
        %dma_wait3A_71 = arith.constant 0 : i32
        %dma_wait3A_72 = tpu.memref_slice %arg15[%dma_wait3A_70, %dma_wait3A_71] : memref<104x128xf32, #tpu.memory_space<vmem>> -> memref<16x128xf32, #tpu.memory_space<vmem>>
        %dma_wait3A_73 = arith.constant 9984 : i32
        %dma_wait3A_74 = arith.constant 0 : i32
        %dma_wait3A_75 = tpu.memref_slice %arg16[%dma_wait3A_73, %dma_wait3A_74] : memref<10000x128xf32, #tpu.memory_space<vmem_shared>> -> memref<16x128xf32, #tpu.memory_space<vmem_shared>>
        %dma_wait3A_76 = arith.constant 9984 : i32
        %dma_wait3A_77 = arith.constant 0 : i32
        %dma_wait3A_78 = tpu.memref_slice %arg16[%dma_wait3A_76, %dma_wait3A_77] : memref<10000x128xf32, #tpu.memory_space<vmem_shared>> -> memref<16x128xf32, #tpu.memory_space<vmem_shared>>
        %dma_wait3A_79 = arith.constant 0 : i32
        %dma_wait3A_80 = arith.constant 0 : i32
        %dma_wait3A_81 = tpu.memref_slice %arg15[%dma_wait3A_79, %dma_wait3A_80] : memref<104x128xf32, #tpu.memory_space<vmem>> -> memref<16x128xf32, #tpu.memory_space<vmem>>
        tpu.wait_dma2 semaphore(%run_scoped3A : memref<!tpu.dma_semaphore, #tpu.memory_space<semaphore_mem>>) src(%dma_wait3A_81 : memref<16x128xf32, #tpu.memory_space<vmem>>) dst(%dma_wait3A_78 : memref<16x128xf32, #tpu.memory_space<vmem_shared>>)
        tpu.yield
      }) : () -> ()
    } else {
    }
    %barrier3A = arith.constant 0 : index
    tpu.barrier barrier_id(%barrier3A)
    %mul3A_23 = arith.constant 10000 : i32
    %mul3A_24 = arith.muli %add3A, %mul3A_23 : i32
    %add3A_25 = arith.constant 0 : i32
    %add3A_26 = arith.addi %mul3A_24, %add3A_25 : i32
    "tpu.region"() ({
      %run_scoped3A = tpu.sem_alloc : memref<!tpu.dma_semaphore, #tpu.memory_space<semaphore_mem>>
      %dma_start3A_58 = tpu.memref_slice %arg3[%add3A_26] : memref<320000xi32, #tpu.memory_space<hbm>> -> memref<128xi32, #tpu.memory_space<hbm>>
      %dma_start3A_59 = tpu.memref_slice %arg3[%add3A_26] : memref<320000xi32, #tpu.memory_space<hbm>> -> memref<128xi32, #tpu.memory_space<hbm>>
      tpu.enqueue_dma source(%dma_start3A_59 : memref<128xi32, #tpu.memory_space<hbm>>) target(%arg6 : memref<128xi32, #tpu.memory_space<vmem>>) target_semaphore(%run_scoped3A : memref<!tpu.dma_semaphore, #tpu.memory_space<semaphore_mem>>)
      %dma_wait3A_60 = tpu.memref_slice %arg3[%add3A_26] : memref<320000xi32, #tpu.memory_space<hbm>> -> memref<128xi32, #tpu.memory_space<hbm>>
      %dma_wait3A_61 = tpu.memref_slice %arg3[%add3A_26] : memref<320000xi32, #tpu.memory_space<hbm>> -> memref<128xi32, #tpu.memory_space<hbm>>
      tpu.wait_dma2 semaphore(%run_scoped3A : memref<!tpu.dma_semaphore, #tpu.memory_space<semaphore_mem>>) src(%dma_wait3A_61 : memref<128xi32, #tpu.memory_space<hbm>>) dst(%arg6 : memref<128xi32, #tpu.memory_space<vmem>>)
      tpu.yield
    }) : () -> ()
    "tpu.region"() ({
      %run_scoped3A = tpu.sem_alloc : memref<!tpu.dma_semaphore, #tpu.memory_space<semaphore_mem>>
      %dma_start3A_58 = tpu.memref_slice %arg4[%add3A_26] : memref<320000xi32, #tpu.memory_space<hbm>> -> memref<128xi32, #tpu.memory_space<hbm>>
      %dma_start3A_59 = tpu.memref_slice %arg4[%add3A_26] : memref<320000xi32, #tpu.memory_space<hbm>> -> memref<128xi32, #tpu.memory_space<hbm>>
      tpu.enqueue_dma source(%dma_start3A_59 : memref<128xi32, #tpu.memory_space<hbm>>) target(%arg7 : memref<128xi32, #tpu.memory_space<vmem>>) target_semaphore(%run_scoped3A : memref<!tpu.dma_semaphore, #tpu.memory_space<semaphore_mem>>)
      %dma_wait3A_60 = tpu.memref_slice %arg4[%add3A_26] : memref<320000xi32, #tpu.memory_space<hbm>> -> memref<128xi32, #tpu.memory_space<hbm>>
      %dma_wait3A_61 = tpu.memref_slice %arg4[%add3A_26] : memref<320000xi32, #tpu.memory_space<hbm>> -> memref<128xi32, #tpu.memory_space<hbm>>
      tpu.wait_dma2 semaphore(%run_scoped3A : memref<!tpu.dma_semaphore, #tpu.memory_space<semaphore_mem>>) src(%dma_wait3A_61 : memref<128xi32, #tpu.memory_space<hbm>>) dst(%arg7 : memref<128xi32, #tpu.memory_space<vmem>>)
      tpu.yield
    }) : () -> ()
    %dma_start3A = arith.constant 0 : i32
    %dma_start3A_27 = arith.constant 0 : i32
    %dma_start3A_28 = tpu.memref_slice %arg2[%dma_start3A, %dma_start3A_27] : memref<10000x128xf32, #tpu.memory_space<hbm>> -> memref<10000x128xf32, #tpu.memory_space<hbm>>
    tpu.enqueue_indirect_dma source(%dma_start3A_28 : memref<10000x128xf32, #tpu.memory_space<hbm>>) target(%arg8 : memref<128x128xf32, #tpu.memory_space<vmem>>) offsets(%arg6 : memref<128xi32, #tpu.memory_space<vmem>>) semaphore(%arg17 : memref<!tpu.dma_semaphore, #tpu.memory_space<semaphore_mem>>)
    %scan3A_29 = arith.constant 0 : i32
    %scan3A_30 = arith.constant 0 : i32
    %scan3A_31 = arith.constant 39 : i32
    %scan3A_32 = arith.addi %scan3A_30, %scan3A_31 : i32
    %scan3A_33 = arith.constant 1 : i32
    scf.for %scan3A_58 = %scan3A_30 to %scan3A_32 step %scan3A_33  : i32 {
      %mul3A_59 = arith.constant 2 : i32
      %mul3A_60 = arith.muli %mul3A_59, %scan3A_58 : i32
      %add3A_61 = arith.constant 1 : i32
      %add3A_62 = arith.addi %mul3A_60, %add3A_61 : i32
      %mul3A_63 = arith.constant 128 : i32
      %mul3A_64 = arith.muli %add3A_62, %mul3A_63 : i32
      %add3A_65 = arith.addi %mul3A_24, %mul3A_64 : i32
      "tpu.region"() ({
        %run_scoped3A = tpu.sem_alloc : memref<!tpu.dma_semaphore, #tpu.memory_space<semaphore_mem>>
        %dma_start3A_79 = tpu.memref_slice %arg3[%add3A_65] : memref<320000xi32, #tpu.memory_space<hbm>> -> memref<128xi32, #tpu.memory_space<hbm>>
        %dma_start3A_80 = tpu.memref_slice %arg3[%add3A_65] : memref<320000xi32, #tpu.memory_space<hbm>> -> memref<128xi32, #tpu.memory_space<hbm>>
        tpu.enqueue_dma source(%dma_start3A_80 : memref<128xi32, #tpu.memory_space<hbm>>) target(%arg9 : memref<128xi32, #tpu.memory_space<vmem>>) target_semaphore(%run_scoped3A : memref<!tpu.dma_semaphore, #tpu.memory_space<semaphore_mem>>)
        %dma_wait3A_81 = tpu.memref_slice %arg3[%add3A_65] : memref<320000xi32, #tpu.memory_space<hbm>> -> memref<128xi32, #tpu.memory_space<hbm>>
        %dma_wait3A_82 = tpu.memref_slice %arg3[%add3A_65] : memref<320000xi32, #tpu.memory_space<hbm>> -> memref<128xi32, #tpu.memory_space<hbm>>
        tpu.wait_dma2 semaphore(%run_scoped3A : memref<!tpu.dma_semaphore, #tpu.memory_space<semaphore_mem>>) src(%dma_wait3A_82 : memref<128xi32, #tpu.memory_space<hbm>>) dst(%arg9 : memref<128xi32, #tpu.memory_space<vmem>>)
        tpu.yield
      }) : () -> ()
      "tpu.region"() ({
        %run_scoped3A = tpu.sem_alloc : memref<!tpu.dma_semaphore, #tpu.memory_space<semaphore_mem>>
        %dma_start3A_79 = tpu.memref_slice %arg4[%add3A_65] : memref<320000xi32, #tpu.memory_space<hbm>> -> memref<128xi32, #tpu.memory_space<hbm>>
        %dma_start3A_80 = tpu.memref_slice %arg4[%add3A_65] : memref<320000xi32, #tpu.memory_space<hbm>> -> memref<128xi32, #tpu.memory_space<hbm>>
        tpu.enqueue_dma source(%dma_start3A_80 : memref<128xi32, #tpu.memory_space<hbm>>) target(%arg10 : memref<128xi32, #tpu.memory_space<vmem>>) target_semaphore(%run_scoped3A : memref<!tpu.dma_semaphore, #tpu.memory_space<semaphore_mem>>)
        %dma_wait3A_81 = tpu.memref_slice %arg4[%add3A_65] : memref<320000xi32, #tpu.memory_space<hbm>> -> memref<128xi32, #tpu.memory_space<hbm>>
        %dma_wait3A_82 = tpu.memref_slice %arg4[%add3A_65] : memref<320000xi32, #tpu.memory_space<hbm>> -> memref<128xi32, #tpu.memory_space<hbm>>
        tpu.wait_dma2 semaphore(%run_scoped3A : memref<!tpu.dma_semaphore, #tpu.memory_space<semaphore_mem>>) src(%dma_wait3A_82 : memref<128xi32, #tpu.memory_space<hbm>>) dst(%arg10 : memref<128xi32, #tpu.memory_space<vmem>>)
        tpu.yield
      }) : () -> ()
      %dma_start3A_66 = arith.constant 0 : i32
      %dma_start3A_67 = arith.constant 0 : i32
      %dma_start3A_68 = tpu.memref_slice %arg2[%dma_start3A_66, %dma_start3A_67] : memref<10000x128xf32, #tpu.memory_space<hbm>> -> memref<10000x128xf32, #tpu.memory_space<hbm>>
      tpu.enqueue_indirect_dma source(%dma_start3A_68 : memref<10000x128xf32, #tpu.memory_space<hbm>>) target(%arg11 : memref<128x128xf32, #tpu.memory_space<vmem>>) offsets(%arg9 : memref<128xi32, #tpu.memory_space<vmem>>) semaphore(%arg18 : memref<!tpu.dma_semaphore, #tpu.memory_space<semaphore_mem>>)
      %dma_wait3A_69 = arith.constant 0 : i32
      %dma_wait3A_70 = arith.constant 0 : i32
      %dma_wait3A_71 = tpu.memref_slice %arg2[%dma_wait3A_69, %dma_wait3A_70] : memref<10000x128xf32, #tpu.memory_space<hbm>> -> memref<10000x128xf32, #tpu.memory_space<hbm>>
      tpu.wait_indirect_dma semaphore(%arg17 : memref<!tpu.dma_semaphore, #tpu.memory_space<semaphore_mem>>) src(%dma_wait3A_71 : memref<10000x128xf32, #tpu.memory_space<hbm>>) dst(%arg8 : memref<128x128xf32, #tpu.memory_space<vmem>>)
      "tpu.region"() ({
        %run_scoped3A = tpu.sem_alloc : memref<!tpu.dma_semaphore, #tpu.memory_space<semaphore_mem>>
        %dma_start3A_79 = arith.constant 0 : i32
        %dma_start3A_80 = arith.constant 0 : i32
        %dma_start3A_81 = tpu.memref_slice %arg16[%dma_start3A_79, %dma_start3A_80] : memref<10000x128xf32, #tpu.memory_space<vmem_shared>> -> memref<10000x128xf32, #tpu.memory_space<vmem_shared>>
        tpu.enqueue_indirect_dma source(%arg8 : memref<128x128xf32, #tpu.memory_space<vmem>>) target(%dma_start3A_81 : memref<10000x128xf32, #tpu.memory_space<vmem_shared>>) offsets(%arg7 : memref<128xi32, #tpu.memory_space<vmem>>) semaphore(%run_scoped3A : memref<!tpu.dma_semaphore, #tpu.memory_space<semaphore_mem>>) {add = true}
        %dma_wait3A_82 = arith.constant 0 : i32
        %dma_wait3A_83 = arith.constant 0 : i32
        %dma_wait3A_84 = tpu.memref_slice %arg16[%dma_wait3A_82, %dma_wait3A_83] : memref<10000x128xf32, #tpu.memory_space<vmem_shared>> -> memref<10000x128xf32, #tpu.memory_space<vmem_shared>>
        tpu.wait_indirect_dma semaphore(%run_scoped3A : memref<!tpu.dma_semaphore, #tpu.memory_space<semaphore_mem>>) src(%arg8 : memref<128x128xf32, #tpu.memory_space<vmem>>) dst(%dma_wait3A_84 : memref<10000x128xf32, #tpu.memory_space<vmem_shared>>)
        tpu.yield
      }) : () -> ()
      %lt3A = arith.constant 38 : i32
      %lt3A_72 = arith.cmpi slt, %scan3A_58, %lt3A : i32
      %convert_element_type3A_73 = arith.extui %lt3A_72 : i1 to i32
      %cond3A_74 = arith.constant 0 : i32
      %cond3A_75 = arith.cmpi ne, %convert_element_type3A_73, %cond3A_74 : i32
      scf.if %cond3A_75 {
        %mul3A_79 = arith.constant 2 : i32
        %mul3A_80 = arith.muli %mul3A_79, %scan3A_58 : i32
        %add3A_81 = arith.constant 2 : i32
        %add3A_82 = arith.addi %mul3A_80, %add3A_81 : i32
        %mul3A_83 = arith.constant 128 : i32
        %mul3A_84 = arith.muli %add3A_82, %mul3A_83 : i32
        %add3A_85 = arith.addi %mul3A_24, %mul3A_84 : i32
        "tpu.region"() ({
          %run_scoped3A = tpu.sem_alloc : memref<!tpu.dma_semaphore, #tpu.memory_space<semaphore_mem>>
          %dma_start3A_89 = tpu.memref_slice %arg3[%add3A_85] : memref<320000xi32, #tpu.memory_space<hbm>> -> memref<128xi32, #tpu.memory_space<hbm>>
          %dma_start3A_90 = tpu.memref_slice %arg3[%add3A_85] : memref<320000xi32, #tpu.memory_space<hbm>> -> memref<128xi32, #tpu.memory_space<hbm>>
          tpu.enqueue_dma source(%dma_start3A_90 : memref<128xi32, #tpu.memory_space<hbm>>) target(%arg6 : memref<128xi32, #tpu.memory_space<vmem>>) target_semaphore(%run_scoped3A : memref<!tpu.dma_semaphore, #tpu.memory_space<semaphore_mem>>)
          %dma_wait3A_91 = tpu.memref_slice %arg3[%add3A_85] : memref<320000xi32, #tpu.memory_space<hbm>> -> memref<128xi32, #tpu.memory_space<hbm>>
          %dma_wait3A_92 = tpu.memref_slice %arg3[%add3A_85] : memref<320000xi32, #tpu.memory_space<hbm>> -> memref<128xi32, #tpu.memory_space<hbm>>
          tpu.wait_dma2 semaphore(%run_scoped3A : memref<!tpu.dma_semaphore, #tpu.memory_space<semaphore_mem>>) src(%dma_wait3A_92 : memref<128xi32, #tpu.memory_space<hbm>>) dst(%arg6 : memref<128xi32, #tpu.memory_space<vmem>>)
          tpu.yield
        }) : () -> ()
        "tpu.region"() ({
          %run_scoped3A = tpu.sem_alloc : memref<!tpu.dma_semaphore, #tpu.memory_space<semaphore_mem>>
          %dma_start3A_89 = tpu.memref_slice %arg4[%add3A_85] : memref<320000xi32, #tpu.memory_space<hbm>> -> memref<128xi32, #tpu.memory_space<hbm>>
          %dma_start3A_90 = tpu.memref_slice %arg4[%add3A_85] : memref<320000xi32, #tpu.memory_space<hbm>> -> memref<128xi32, #tpu.memory_space<hbm>>
          tpu.enqueue_dma source(%dma_start3A_90 : memref<128xi32, #tpu.memory_space<hbm>>) target(%arg7 : memref<128xi32, #tpu.memory_space<vmem>>) target_semaphore(%run_scoped3A : memref<!tpu.dma_semaphore, #tpu.memory_space<semaphore_mem>>)
          %dma_wait3A_91 = tpu.memref_slice %arg4[%add3A_85] : memref<320000xi32, #tpu.memory_space<hbm>> -> memref<128xi32, #tpu.memory_space<hbm>>
          %dma_wait3A_92 = tpu.memref_slice %arg4[%add3A_85] : memref<320000xi32, #tpu.memory_space<hbm>> -> memref<128xi32, #tpu.memory_space<hbm>>
          tpu.wait_dma2 semaphore(%run_scoped3A : memref<!tpu.dma_semaphore, #tpu.memory_space<semaphore_mem>>) src(%dma_wait3A_92 : memref<128xi32, #tpu.memory_space<hbm>>) dst(%arg7 : memref<128xi32, #tpu.memory_space<vmem>>)
          tpu.yield
        }) : () -> ()
        %dma_start3A_86 = arith.constant 0 : i32
        %dma_start3A_87 = arith.constant 0 : i32
        %dma_start3A_88 = tpu.memref_slice %arg2[%dma_start3A_86, %dma_start3A_87] : memref<10000x128xf32, #tpu.memory_space<hbm>> -> memref<10000x128xf32, #tpu.memory_space<hbm>>
        tpu.enqueue_indirect_dma source(%dma_start3A_88 : memref<10000x128xf32, #tpu.memory_space<hbm>>) target(%arg8 : memref<128x128xf32, #tpu.memory_space<vmem>>) offsets(%arg6 : memref<128xi32, #tpu.memory_space<vmem>>) semaphore(%arg17 : memref<!tpu.dma_semaphore, #tpu.memory_space<semaphore_mem>>)
      } else {
      }
      %dma_wait3A_76 = arith.constant 0 : i32
      %dma_wait3A_77 = arith.constant 0 : i32
      %dma_wait3A_78 = tpu.memref_slice %arg2[%dma_wait3A_76, %dma_wait3A_77] : memref<10000x128xf32, #tpu.memory_space<hbm>> -> memref<10000x128xf32, #tpu.memory_space<hbm>>
      tpu.wait_indirect_dma semaphore(%arg18 : memref<!tpu.dma_semaphore, #tpu.memory_space<semaphore_mem>>) src(%dma_wait3A_78 : memref<10000x128xf32, #tpu.memory_space<hbm>>) dst(%arg11 : memref<128x128xf32, #tpu.memory_space<vmem>>)
      "tpu.region"() ({
        %run_scoped3A = tpu.sem_alloc : memref<!tpu.dma_semaphore, #tpu.memory_space<semaphore_mem>>
        %dma_start3A_79 = arith.constant 0 : i32
        %dma_start3A_80 = arith.constant 0 : i32
        %dma_start3A_81 = tpu.memref_slice %arg16[%dma_start3A_79, %dma_start3A_80] : memref<10000x128xf32, #tpu.memory_space<vmem_shared>> -> memref<10000x128xf32, #tpu.memory_space<vmem_shared>>
        tpu.enqueue_indirect_dma source(%arg11 : memref<128x128xf32, #tpu.memory_space<vmem>>) target(%dma_start3A_81 : memref<10000x128xf32, #tpu.memory_space<vmem_shared>>) offsets(%arg10 : memref<128xi32, #tpu.memory_space<vmem>>) semaphore(%run_scoped3A : memref<!tpu.dma_semaphore, #tpu.memory_space<semaphore_mem>>) {add = true}
        %dma_wait3A_82 = arith.constant 0 : i32
        %dma_wait3A_83 = arith.constant 0 : i32
        %dma_wait3A_84 = tpu.memref_slice %arg16[%dma_wait3A_82, %dma_wait3A_83] : memref<10000x128xf32, #tpu.memory_space<vmem_shared>> -> memref<10000x128xf32, #tpu.memory_space<vmem_shared>>
        tpu.wait_indirect_dma semaphore(%run_scoped3A : memref<!tpu.dma_semaphore, #tpu.memory_space<semaphore_mem>>) src(%arg11 : memref<128x128xf32, #tpu.memory_space<vmem>>) dst(%dma_wait3A_84 : memref<10000x128xf32, #tpu.memory_space<vmem_shared>>)
        tpu.yield
      }) : () -> ()
    }
    %scan3A_34 = arith.constant 39 : i32
    %add3A_35 = arith.constant 9984 : i32
    %add3A_36 = arith.addi %mul3A_24, %add3A_35 : i32
    "tpu.region"() ({
      %run_scoped3A = tpu.sem_alloc : memref<!tpu.dma_semaphore, #tpu.memory_space<semaphore_mem>>
      %dma_start3A_58 = tpu.memref_slice %arg3[%add3A_36] : memref<320000xi32, #tpu.memory_space<hbm>> -> memref<16xi32, #tpu.memory_space<hbm>>
      %dma_start3A_59 = tpu.memref_slice %arg3[%add3A_36] : memref<320000xi32, #tpu.memory_space<hbm>> -> memref<16xi32, #tpu.memory_space<hbm>>
      tpu.enqueue_dma source(%dma_start3A_59 : memref<16xi32, #tpu.memory_space<hbm>>) target(%arg12 : memref<16xi32, #tpu.memory_space<vmem>>) target_semaphore(%run_scoped3A : memref<!tpu.dma_semaphore, #tpu.memory_space<semaphore_mem>>)
      %dma_wait3A_60 = tpu.memref_slice %arg3[%add3A_36] : memref<320000xi32, #tpu.memory_space<hbm>> -> memref<16xi32, #tpu.memory_space<hbm>>
      %dma_wait3A_61 = tpu.memref_slice %arg3[%add3A_36] : memref<320000xi32, #tpu.memory_space<hbm>> -> memref<16xi32, #tpu.memory_space<hbm>>
      tpu.wait_dma2 semaphore(%run_scoped3A : memref<!tpu.dma_semaphore, #tpu.memory_space<semaphore_mem>>) src(%dma_wait3A_61 : memref<16xi32, #tpu.memory_space<hbm>>) dst(%arg12 : memref<16xi32, #tpu.memory_space<vmem>>)
      tpu.yield
    }) : () -> ()
    "tpu.region"() ({
      %run_scoped3A = tpu.sem_alloc : memref<!tpu.dma_semaphore, #tpu.memory_space<semaphore_mem>>
      %dma_start3A_58 = tpu.memref_slice %arg4[%add3A_36] : memref<320000xi32, #tpu.memory_space<hbm>> -> memref<16xi32, #tpu.memory_space<hbm>>
      %dma_start3A_59 = tpu.memref_slice %arg4[%add3A_36] : memref<320000xi32, #tpu.memory_space<hbm>> -> memref<16xi32, #tpu.memory_space<hbm>>
      tpu.enqueue_dma source(%dma_start3A_59 : memref<16xi32, #tpu.memory_space<hbm>>) target(%arg13 : memref<16xi32, #tpu.memory_space<vmem>>) target_semaphore(%run_scoped3A : memref<!tpu.dma_semaphore, #tpu.memory_space<semaphore_mem>>)
      %dma_wait3A_60 = tpu.memref_slice %arg4[%add3A_36] : memref<320000xi32, #tpu.memory_space<hbm>> -> memref<16xi32, #tpu.memory_space<hbm>>
      %dma_wait3A_61 = tpu.memref_slice %arg4[%add3A_36] : memref<320000xi32, #tpu.memory_space<hbm>> -> memref<16xi32, #tpu.memory_space<hbm>>
      tpu.wait_dma2 semaphore(%run_scoped3A : memref<!tpu.dma_semaphore, #tpu.memory_space<semaphore_mem>>) src(%dma_wait3A_61 : memref<16xi32, #tpu.memory_space<hbm>>) dst(%arg13 : memref<16xi32, #tpu.memory_space<vmem>>)
      tpu.yield
    }) : () -> ()
    %dma_start3A_37 = arith.constant 0 : i32
    %dma_start3A_38 = arith.constant 0 : i32
    %dma_start3A_39 = tpu.memref_slice %arg2[%dma_start3A_37, %dma_start3A_38] : memref<10000x128xf32, #tpu.memory_space<hbm>> -> memref<10000x128xf32, #tpu.memory_space<hbm>>
    tpu.enqueue_indirect_dma source(%dma_start3A_39 : memref<10000x128xf32, #tpu.memory_space<hbm>>) target(%arg14 : memref<16x128xf32, #tpu.memory_space<vmem>>) offsets(%arg12 : memref<16xi32, #tpu.memory_space<vmem>>) semaphore(%arg17 : memref<!tpu.dma_semaphore, #tpu.memory_space<semaphore_mem>>)
    %dma_wait3A = arith.constant 0 : i32
    %dma_wait3A_40 = arith.constant 0 : i32
    %dma_wait3A_41 = tpu.memref_slice %arg2[%dma_wait3A, %dma_wait3A_40] : memref<10000x128xf32, #tpu.memory_space<hbm>> -> memref<10000x128xf32, #tpu.memory_space<hbm>>
    tpu.wait_indirect_dma semaphore(%arg17 : memref<!tpu.dma_semaphore, #tpu.memory_space<semaphore_mem>>) src(%dma_wait3A_41 : memref<10000x128xf32, #tpu.memory_space<hbm>>) dst(%arg14 : memref<16x128xf32, #tpu.memory_space<vmem>>)
    "tpu.region"() ({
      %run_scoped3A = tpu.sem_alloc : memref<!tpu.dma_semaphore, #tpu.memory_space<semaphore_mem>>
      %dma_start3A_58 = arith.constant 0 : i32
      %dma_start3A_59 = arith.constant 0 : i32
      %dma_start3A_60 = tpu.memref_slice %arg16[%dma_start3A_58, %dma_start3A_59] : memref<10000x128xf32, #tpu.memory_space<vmem_shared>> -> memref<10000x128xf32, #tpu.memory_space<vmem_shared>>
      tpu.enqueue_indirect_dma source(%arg14 : memref<16x128xf32, #tpu.memory_space<vmem>>) target(%dma_start3A_60 : memref<10000x128xf32, #tpu.memory_space<vmem_shared>>) offsets(%arg13 : memref<16xi32, #tpu.memory_space<vmem>>) semaphore(%run_scoped3A : memref<!tpu.dma_semaphore, #tpu.memory_space<semaphore_mem>>) {add = true}
      %dma_wait3A_61 = arith.constant 0 : i32
      %dma_wait3A_62 = arith.constant 0 : i32
      %dma_wait3A_63 = tpu.memref_slice %arg16[%dma_wait3A_61, %dma_wait3A_62] : memref<10000x128xf32, #tpu.memory_space<vmem_shared>> -> memref<10000x128xf32, #tpu.memory_space<vmem_shared>>
      tpu.wait_indirect_dma semaphore(%run_scoped3A : memref<!tpu.dma_semaphore, #tpu.memory_space<semaphore_mem>>) src(%arg14 : memref<16x128xf32, #tpu.memory_space<vmem>>) dst(%dma_wait3A_63 : memref<10000x128xf32, #tpu.memory_space<vmem_shared>>)
      tpu.yield
    }) : () -> ()
    %barrier3A_42 = arith.constant 0 : index
    tpu.barrier barrier_id(%barrier3A_42)
    %mul3A_43 = arith.constant 624 : i32
    %mul3A_44 = arith.muli %arg1, %mul3A_43 : i32
    %add3A_45 = arith.constant 0 : i32
    %add3A_46 = arith.addi %mul3A_44, %add3A_45 : i32
    %add3A_47 = arith.constant 0 : i32
    %add3A_48 = arith.addi %mul3A_44, %add3A_47 : i32
    "tpu.region"() ({
      %run_scoped3A = tpu.sem_alloc : memref<!tpu.dma_semaphore, #tpu.memory_space<semaphore_mem>>
      %dma_start3A_58 = arith.constant 0 : i32
      %dma_start3A_59 = tpu.memref_slice %arg5[%arg0, %add3A_48, %dma_start3A_58] : memref<2x10000x128xf32, #tpu.memory_space<hbm>> -> memref<1x312x128xf32, #tpu.memory_space<hbm>>
      %dma_start3A_60 = tpu.memref_squeeze %dma_start3A_59 : memref<1x312x128xf32, #tpu.memory_space<hbm>> -> memref<312x128xf32, #tpu.memory_space<hbm>>
      %dma_start3A_61 = arith.constant 0 : i32
      %dma_start3A_62 = tpu.memref_slice %arg16[%add3A_46, %dma_start3A_61] : memref<10000x128xf32, #tpu.memory_space<vmem_shared>> -> memref<312x128xf32, #tpu.memory_space<vmem_shared>>
      tpu.enqueue_dma source(%dma_start3A_62 : memref<312x128xf32, #tpu.memory_space<vmem_shared>>) target(%dma_start3A_60 : memref<312x128xf32, #tpu.memory_space<hbm>>) target_semaphore(%run_scoped3A : memref<!tpu.dma_semaphore, #tpu.memory_space<semaphore_mem>>)
      %dma_wait3A_63 = arith.constant 0 : i32
      %dma_wait3A_64 = tpu.memref_slice %arg5[%arg0, %add3A_48, %dma_wait3A_63] : memref<2x10000x128xf32, #tpu.memory_space<hbm>> -> memref<1x312x128xf32, #tpu.memory_space<hbm>>
      %dma_wait3A_65 = tpu.memref_squeeze %dma_wait3A_64 : memref<1x312x128xf32, #tpu.memory_space<hbm>> -> memref<312x128xf32, #tpu.memory_space<hbm>>
      %dma_wait3A_66 = arith.constant 0 : i32
      %dma_wait3A_67 = tpu.memref_slice %arg16[%add3A_46, %dma_wait3A_66] : memref<10000x128xf32, #tpu.memory_space<vmem_shared>> -> memref<312x128xf32, #tpu.memory_space<vmem_shared>>
      tpu.wait_dma2 semaphore(%run_scoped3A : memref<!tpu.dma_semaphore, #tpu.memory_space<semaphore_mem>>) src(%dma_wait3A_67 : memref<312x128xf32, #tpu.memory_space<vmem_shared>>) dst(%dma_wait3A_65 : memref<312x128xf32, #tpu.memory_space<hbm>>)
      tpu.yield
    }) : () -> ()
    %add3A_49 = arith.constant 312 : i32
    %add3A_50 = arith.addi %mul3A_44, %add3A_49 : i32
    %add3A_51 = arith.constant 312 : i32
    %add3A_52 = arith.addi %mul3A_44, %add3A_51 : i32
    "tpu.region"() ({
      %run_scoped3A = tpu.sem_alloc : memref<!tpu.dma_semaphore, #tpu.memory_space<semaphore_mem>>
      %dma_start3A_58 = arith.constant 0 : i32
      %dma_start3A_59 = tpu.memref_slice %arg5[%arg0, %add3A_52, %dma_start3A_58] : memref<2x10000x128xf32, #tpu.memory_space<hbm>> -> memref<1x312x128xf32, #tpu.memory_space<hbm>>
      %dma_start3A_60 = tpu.memref_squeeze %dma_start3A_59 : memref<1x312x128xf32, #tpu.memory_space<hbm>> -> memref<312x128xf32, #tpu.memory_space<hbm>>
      %dma_start3A_61 = arith.constant 0 : i32
      %dma_start3A_62 = tpu.memref_slice %arg16[%add3A_50, %dma_start3A_61] : memref<10000x128xf32, #tpu.memory_space<vmem_shared>> -> memref<312x128xf32, #tpu.memory_space<vmem_shared>>
      tpu.enqueue_dma source(%dma_start3A_62 : memref<312x128xf32, #tpu.memory_space<vmem_shared>>) target(%dma_start3A_60 : memref<312x128xf32, #tpu.memory_space<hbm>>) target_semaphore(%run_scoped3A : memref<!tpu.dma_semaphore, #tpu.memory_space<semaphore_mem>>)
      %dma_wait3A_63 = arith.constant 0 : i32
      %dma_wait3A_64 = tpu.memref_slice %arg5[%arg0, %add3A_52, %dma_wait3A_63] : memref<2x10000x128xf32, #tpu.memory_space<hbm>> -> memref<1x312x128xf32, #tpu.memory_space<hbm>>
      %dma_wait3A_65 = tpu.memref_squeeze %dma_wait3A_64 : memref<1x312x128xf32, #tpu.memory_space<hbm>> -> memref<312x128xf32, #tpu.memory_space<hbm>>
      %dma_wait3A_66 = arith.constant 0 : i32
      %dma_wait3A_67 = tpu.memref_slice %arg16[%add3A_50, %dma_wait3A_66] : memref<10000x128xf32, #tpu.memory_space<vmem_shared>> -> memref<312x128xf32, #tpu.memory_space<vmem_shared>>
      tpu.wait_dma2 semaphore(%run_scoped3A : memref<!tpu.dma_semaphore, #tpu.memory_space<semaphore_mem>>) src(%dma_wait3A_67 : memref<312x128xf32, #tpu.memory_space<vmem_shared>>) dst(%dma_wait3A_65 : memref<312x128xf32, #tpu.memory_space<hbm>>)
      tpu.yield
    }) : () -> ()
    %eq3A_53 = arith.constant 15 : i32
    %eq3A_54 = arith.cmpi eq, %arg1, %eq3A_53 : i32
    %convert_element_type3A_55 = arith.extui %eq3A_54 : i1 to i32
    %cond3A_56 = arith.constant 0 : i32
    %cond3A_57 = arith.cmpi ne, %convert_element_type3A_55, %cond3A_56 : i32
    scf.if %cond3A_57 {
      "tpu.region"() ({
        %run_scoped3A = tpu.sem_alloc : memref<!tpu.dma_semaphore, #tpu.memory_space<semaphore_mem>>
        %dma_start3A_58 = arith.constant 9984 : i32
        %dma_start3A_59 = arith.constant 0 : i32
        %dma_start3A_60 = tpu.memref_slice %arg5[%arg0, %dma_start3A_58, %dma_start3A_59] : memref<2x10000x128xf32, #tpu.memory_space<hbm>> -> memref<1x16x128xf32, #tpu.memory_space<hbm>>
        %dma_start3A_61 = tpu.memref_squeeze %dma_start3A_60 : memref<1x16x128xf32, #tpu.memory_space<hbm>> -> memref<16x128xf32, #tpu.memory_space<hbm>>
        %dma_start3A_62 = arith.constant 9984 : i32
        %dma_start3A_63 = arith.constant 0 : i32
        %dma_start3A_64 = tpu.memref_slice %arg16[%dma_start3A_62, %dma_start3A_63] : memref<10000x128xf32, #tpu.memory_space<vmem_shared>> -> memref<16x128xf32, #tpu.memory_space<vmem_shared>>
        tpu.enqueue_dma source(%dma_start3A_64 : memref<16x128xf32, #tpu.memory_space<vmem_shared>>) target(%dma_start3A_61 : memref<16x128xf32, #tpu.memory_space<hbm>>) target_semaphore(%run_scoped3A : memref<!tpu.dma_semaphore, #tpu.memory_space<semaphore_mem>>)
        %dma_wait3A_65 = arith.constant 9984 : i32
        %dma_wait3A_66 = arith.constant 0 : i32
        %dma_wait3A_67 = tpu.memref_slice %arg5[%arg0, %dma_wait3A_65, %dma_wait3A_66] : memref<2x10000x128xf32, #tpu.memory_space<hbm>> -> memref<1x16x128xf32, #tpu.memory_space<hbm>>
        %dma_wait3A_68 = tpu.memref_squeeze %dma_wait3A_67 : memref<1x16x128xf32, #tpu.memory_space<hbm>> -> memref<16x128xf32, #tpu.memory_space<hbm>>
        %dma_wait3A_69 = arith.constant 9984 : i32
        %dma_wait3A_70 = arith.constant 0 : i32
        %dma_wait3A_71 = tpu.memref_slice %arg16[%dma_wait3A_69, %dma_wait3A_70] : memref<10000x128xf32, #tpu.memory_space<vmem_shared>> -> memref<16x128xf32, #tpu.memory_space<vmem_shared>>
        tpu.wait_dma2 semaphore(%run_scoped3A : memref<!tpu.dma_semaphore, #tpu.memory_space<semaphore_mem>>) src(%dma_wait3A_71 : memref<16x128xf32, #tpu.memory_space<vmem_shared>>) dst(%dma_wait3A_68 : memref<16x128xf32, #tpu.memory_space<hbm>>)
        tpu.yield
      }) : () -> ()
    } else {
    }
    return
  }
}

#map = affine_map<(d0, d1) -> (0, 0)>
#map1 = affine_map<(d0, d1) -> (0)>
#map2 = affine_map<(d0, d1) -> (0, 0, 0)>
module attributes {stable_mosaic.version = 14 : i64} {
  func.func @_spmm_kernel(%arg0: i32, %arg1: i32, %arg2: memref<10000x128xf32, #tpu.memory_space<hbm>>, %arg3: memref<320000xi32, #tpu.memory_space<hbm>>, %arg4: memref<320000xi32, #tpu.memory_space<hbm>>, %arg5: memref<2x10000x128xf32, #tpu.memory_space<hbm>>, %arg6: memref<128xi32, #tpu.memory_space<vmem>>, %arg7: memref<128xi32, #tpu.memory_space<vmem>>, %arg8: memref<128x128xf32, #tpu.memory_space<vmem>>, %arg9: memref<128xi32, #tpu.memory_space<vmem>>, %arg10: memref<128xi32, #tpu.memory_space<vmem>>, %arg11: memref<128x128xf32, #tpu.memory_space<vmem>>, %arg12: memref<16xi32, #tpu.memory_space<vmem>>, %arg13: memref<16xi32, #tpu.memory_space<vmem>>, %arg14: memref<16x128xf32, #tpu.memory_space<vmem>>, %arg15: memref<104x128xf32, #tpu.memory_space<vmem>>, %arg16: memref<10000x128xf32, #tpu.memory_space<vmem_shared>>, %arg17: memref<!tpu.dma_semaphore, #tpu.memory_space<semaphore_mem>>, %arg18: memref<!tpu.dma_semaphore, #tpu.memory_space<semaphore_mem>>) attributes {dimension_semantics = [#tpu.dimension_semantics<core_parallel>, #tpu.dimension_semantics<subcore_parallel>], iteration_bounds = array<i64: 2, 16>, scalar_prefetch = 0 : i64, scratch_operands = 13 : i64, tpu.core_type = #tpu.core_type<sc_vector_subcore>, window_params = [{transform_indices = #map}, {transform_indices = #map1}, {transform_indices = #map1}, {transform_indices = #map2}]} {
    %mul3A = arith.constant 2 : i32
    %mul3A_0 = arith.muli %arg1, %mul3A : i32
    %add3A = arith.addi %mul3A_0, %arg0 : i32
    %broadcast_in_dim3A = arith.constant 0.000000e+00 : f32
    %broadcast_in_dim3A_1 = vector.broadcast %broadcast_in_dim3A : f32 to vector<16xf32>
    %scan3A = arith.constant 0 : i32
    %scan3A_2 = arith.constant 0 : i32
    %scan3A_3 = arith.constant 832 : i32
    %scan3A_4 = arith.addi %scan3A_2, %scan3A_3 : i32
    %scan3A_5 = arith.constant 1 : i32
    scf.for %scan3A_58 = %scan3A_2 to %scan3A_4 step %scan3A_5  : i32 {
      %jit3A = arith.constant 8 : i32
      %div3A = arith.divsi %scan3A_58, %jit3A : i32
      %sign3A = arith.constant 0 : i32
      %sign3A_59 = arith.cmpi sgt, %scan3A_58, %sign3A : i32
      %sign3A_60 = arith.extui %sign3A_59 : i1 to i32
      %sign3A_61 = arith.constant 0 : i32
      %sign3A_62 = arith.cmpi slt, %scan3A_58, %sign3A_61 : i32
      %sign3A_63 = arith.extui %sign3A_62 : i1 to i32
      %sign3A_64 = arith.subi %sign3A_60, %sign3A_63 : i32
      %sign3A_65 = arith.constant 0 : i32
      %sign3A_66 = arith.cmpi sgt, %jit3A, %sign3A_65 : i32
      %sign3A_67 = arith.extui %sign3A_66 : i1 to i32
      %sign3A_68 = arith.constant 0 : i32
      %sign3A_69 = arith.cmpi slt, %jit3A, %sign3A_68 : i32
      %sign3A_70 = arith.extui %sign3A_69 : i1 to i32
      %sign3A_71 = arith.subi %sign3A_67, %sign3A_70 : i32
      %ne3A = arith.cmpi ne, %sign3A_64, %sign3A_71 : i32
      %rem3A = arith.remsi %scan3A_58, %jit3A : i32
      %ne3A_72 = arith.constant 0 : i32
      %ne3A_73 = arith.cmpi ne, %rem3A, %ne3A_72 : i32
      %and3A = arith.andi %ne3A, %ne3A_73 : i1
      %sub3A = arith.constant 1 : i32
      %sub3A_74 = arith.subi %div3A, %sub3A : i32
      %select_n3A = arith.select %and3A, %sub3A_74, %div3A : i32
      %jit3A_75 = arith.constant 8 : i32
      %eq3A_76 = arith.constant 0 : i32
      %eq3A_77 = arith.cmpi eq, %jit3A_75, %eq3A_76 : i32
      %jit3A_78 = arith.constant 1 : i32
      %select_n3A_79 = arith.select %eq3A_77, %jit3A_78, %jit3A_75 : i32
      %rem3A_80 = arith.remsi %scan3A_58, %select_n3A_79 : i32
      %ne3A_81 = arith.constant 0 : i32
      %ne3A_82 = arith.cmpi ne, %rem3A_80, %ne3A_81 : i32
      %lt3A = arith.constant 0 : i32
      %lt3A_83 = arith.cmpi slt, %rem3A_80, %lt3A : i32
      %lt3A_84 = arith.constant 0 : i32
      %lt3A_85 = arith.cmpi slt, %select_n3A_79, %lt3A_84 : i32
      %ne3A_86 = arith.xori %lt3A_83, %lt3A_85 : i1
      %and3A_87 = arith.andi %ne3A_86, %ne3A_82 : i1
      %add3A_88 = arith.addi %rem3A_80, %select_n3A_79 : i32
      %select_n3A_89 = arith.select %and3A_87, %add3A_88, %rem3A_80 : i32
      %mul3A_90 = arith.constant 16 : i32
      %mul3A_91 = arith.muli %select_n3A_89, %mul3A_90 : i32
      %swap3A = arith.index_cast %select_n3A : i32 to index
      %swap3A_92 = arith.index_cast %mul3A_91 : i32 to index
      %swap3A_93 = tpu.vector_load %arg15[%swap3A, %swap3A_92] {strides = array<i32>} : memref<104x128xf32, #tpu.memory_space<vmem>>, vector<1x16xf32>,
      %swap3A_94 = vector.shape_cast %swap3A_93 : vector<1x16xf32> to vector<16xf32>
      %swap3A_95 = vector.shape_cast %broadcast_in_dim3A_1 : vector<16xf32> to vector<1x16xf32>
      tpu.vector_store %arg15[%swap3A, %swap3A_92], %swap3A_95 {strides = array<i32>} : memref<104x128xf32, #tpu.memory_space<vmem>>, vector<1x16xf32>,
    }
    %scan3A_6 = arith.constant 832 : i32
    %mul3A_7 = arith.constant 624 : i32
    %mul3A_8 = arith.muli %arg1, %mul3A_7 : i32
    %add3A_9 = arith.constant 0 : i32
    %add3A_10 = arith.addi %mul3A_8, %add3A_9 : i32
    "tpu.region"() ({
      %run_scoped3A = tpu.sem_alloc : memref<!tpu.dma_semaphore, #tpu.memory_space<semaphore_mem>>
      %dma_start3A_58 = arith.constant 0 : i32
      %dma_start3A_59 = tpu.memref_slice %arg16[%add3A_10, %dma_start3A_58] : memref<10000x128xf32, #tpu.memory_space<vmem_shared>> -> memref<104x128xf32, #tpu.memory_space<vmem_shared>>
      %dma_start3A_60 = arith.constant 0 : i32
      %dma_start3A_61 = tpu.memref_slice %arg16[%add3A_10, %dma_start3A_60] : memref<10000x128xf32, #tpu.memory_space<vmem_shared>> -> memref<104x128xf32, #tpu.memory_space<vmem_shared>>
      tpu.enqueue_dma source(%arg15 : memref<104x128xf32, #tpu.memory_space<vmem>>) target(%dma_start3A_61 : memref<104x128xf32, #tpu.memory_space<vmem_shared>>) target_semaphore(%run_scoped3A : memref<!tpu.dma_semaphore, #tpu.memory_space<semaphore_mem>>)
      %dma_wait3A_62 = arith.constant 0 : i32
      %dma_wait3A_63 = tpu.memref_slice %arg16[%add3A_10, %dma_wait3A_62] : memref<10000x128xf32, #tpu.memory_space<vmem_shared>> -> memref<104x128xf32, #tpu.memory_space<vmem_shared>>
      %dma_wait3A_64 = arith.constant 0 : i32
      %dma_wait3A_65 = tpu.memref_slice %arg16[%add3A_10, %dma_wait3A_64] : memref<10000x128xf32, #tpu.memory_space<vmem_shared>> -> memref<104x128xf32, #tpu.memory_space<vmem_shared>>
      tpu.wait_dma2 semaphore(%run_scoped3A : memref<!tpu.dma_semaphore, #tpu.memory_space<semaphore_mem>>) src(%arg15 : memref<104x128xf32, #tpu.memory_space<vmem>>) dst(%dma_wait3A_65 : memref<104x128xf32, #tpu.memory_space<vmem_shared>>)
      tpu.yield
    }) : () -> ()
    %add3A_11 = arith.constant 104 : i32
    %add3A_12 = arith.addi %mul3A_8, %add3A_11 : i32
    "tpu.region"() ({
      %run_scoped3A = tpu.sem_alloc : memref<!tpu.dma_semaphore, #tpu.memory_space<semaphore_mem>>
      %dma_start3A_58 = arith.constant 0 : i32
      %dma_start3A_59 = tpu.memref_slice %arg16[%add3A_12, %dma_start3A_58] : memref<10000x128xf32, #tpu.memory_space<vmem_shared>> -> memref<104x128xf32, #tpu.memory_space<vmem_shared>>
      %dma_start3A_60 = arith.constant 0 : i32
      %dma_start3A_61 = tpu.memref_slice %arg16[%add3A_12, %dma_start3A_60] : memref<10000x128xf32, #tpu.memory_space<vmem_shared>> -> memref<104x128xf32, #tpu.memory_space<vmem_shared>>
      tpu.enqueue_dma source(%arg15 : memref<104x128xf32, #tpu.memory_space<vmem>>) target(%dma_start3A_61 : memref<104x128xf32, #tpu.memory_space<vmem_shared>>) target_semaphore(%run_scoped3A : memref<!tpu.dma_semaphore, #tpu.memory_space<semaphore_mem>>)
      %dma_wait3A_62 = arith.constant 0 : i32
      %dma_wait3A_63 = tpu.memref_slice %arg16[%add3A_12, %dma_wait3A_62] : memref<10000x128xf32, #tpu.memory_space<vmem_shared>> -> memref<104x128xf32, #tpu.memory_space<vmem_shared>>
      %dma_wait3A_64 = arith.constant 0 : i32
      %dma_wait3A_65 = tpu.memref_slice %arg16[%add3A_12, %dma_wait3A_64] : memref<10000x128xf32, #tpu.memory_space<vmem_shared>> -> memref<104x128xf32, #tpu.memory_space<vmem_shared>>
      tpu.wait_dma2 semaphore(%run_scoped3A : memref<!tpu.dma_semaphore, #tpu.memory_space<semaphore_mem>>) src(%arg15 : memref<104x128xf32, #tpu.memory_space<vmem>>) dst(%dma_wait3A_65 : memref<104x128xf32, #tpu.memory_space<vmem_shared>>)
      tpu.yield
    }) : () -> ()
    %add3A_13 = arith.constant 208 : i32
    %add3A_14 = arith.addi %mul3A_8, %add3A_13 : i32
    "tpu.region"() ({
      %run_scoped3A = tpu.sem_alloc : memref<!tpu.dma_semaphore, #tpu.memory_space<semaphore_mem>>
      %dma_start3A_58 = arith.constant 0 : i32
      %dma_start3A_59 = tpu.memref_slice %arg16[%add3A_14, %dma_start3A_58] : memref<10000x128xf32, #tpu.memory_space<vmem_shared>> -> memref<104x128xf32, #tpu.memory_space<vmem_shared>>
      %dma_start3A_60 = arith.constant 0 : i32
      %dma_start3A_61 = tpu.memref_slice %arg16[%add3A_14, %dma_start3A_60] : memref<10000x128xf32, #tpu.memory_space<vmem_shared>> -> memref<104x128xf32, #tpu.memory_space<vmem_shared>>
      tpu.enqueue_dma source(%arg15 : memref<104x128xf32, #tpu.memory_space<vmem>>) target(%dma_start3A_61 : memref<104x128xf32, #tpu.memory_space<vmem_shared>>) target_semaphore(%run_scoped3A : memref<!tpu.dma_semaphore, #tpu.memory_space<semaphore_mem>>)
      %dma_wait3A_62 = arith.constant 0 : i32
      %dma_wait3A_63 = tpu.memref_slice %arg16[%add3A_14, %dma_wait3A_62] : memref<10000x128xf32, #tpu.memory_space<vmem_shared>> -> memref<104x128xf32, #tpu.memory_space<vmem_shared>>
      %dma_wait3A_64 = arith.constant 0 : i32
      %dma_wait3A_65 = tpu.memref_slice %arg16[%add3A_14, %dma_wait3A_64] : memref<10000x128xf32, #tpu.memory_space<vmem_shared>> -> memref<104x128xf32, #tpu.memory_space<vmem_shared>>
      tpu.wait_dma2 semaphore(%run_scoped3A : memref<!tpu.dma_semaphore, #tpu.memory_space<semaphore_mem>>) src(%arg15 : memref<104x128xf32, #tpu.memory_space<vmem>>) dst(%dma_wait3A_65 : memref<104x128xf32, #tpu.memory_space<vmem_shared>>)
      tpu.yield
    }) : () -> ()
    %add3A_15 = arith.constant 312 : i32
    %add3A_16 = arith.addi %mul3A_8, %add3A_15 : i32
    "tpu.region"() ({
      %run_scoped3A = tpu.sem_alloc : memref<!tpu.dma_semaphore, #tpu.memory_space<semaphore_mem>>
      %dma_start3A_58 = arith.constant 0 : i32
      %dma_start3A_59 = tpu.memref_slice %arg16[%add3A_16, %dma_start3A_58] : memref<10000x128xf32, #tpu.memory_space<vmem_shared>> -> memref<104x128xf32, #tpu.memory_space<vmem_shared>>
      %dma_start3A_60 = arith.constant 0 : i32
      %dma_start3A_61 = tpu.memref_slice %arg16[%add3A_16, %dma_start3A_60] : memref<10000x128xf32, #tpu.memory_space<vmem_shared>> -> memref<104x128xf32, #tpu.memory_space<vmem_shared>>
      tpu.enqueue_dma source(%arg15 : memref<104x128xf32, #tpu.memory_space<vmem>>) target(%dma_start3A_61 : memref<104x128xf32, #tpu.memory_space<vmem_shared>>) target_semaphore(%run_scoped3A : memref<!tpu.dma_semaphore, #tpu.memory_space<semaphore_mem>>)
      %dma_wait3A_62 = arith.constant 0 : i32
      %dma_wait3A_63 = tpu.memref_slice %arg16[%add3A_16, %dma_wait3A_62] : memref<10000x128xf32, #tpu.memory_space<vmem_shared>> -> memref<104x128xf32, #tpu.memory_space<vmem_shared>>
      %dma_wait3A_64 = arith.constant 0 : i32
      %dma_wait3A_65 = tpu.memref_slice %arg16[%add3A_16, %dma_wait3A_64] : memref<10000x128xf32, #tpu.memory_space<vmem_shared>> -> memref<104x128xf32, #tpu.memory_space<vmem_shared>>
      tpu.wait_dma2 semaphore(%run_scoped3A : memref<!tpu.dma_semaphore, #tpu.memory_space<semaphore_mem>>) src(%arg15 : memref<104x128xf32, #tpu.memory_space<vmem>>) dst(%dma_wait3A_65 : memref<104x128xf32, #tpu.memory_space<vmem_shared>>)
      tpu.yield
    }) : () -> ()
    %add3A_17 = arith.constant 416 : i32
    %add3A_18 = arith.addi %mul3A_8, %add3A_17 : i32
    "tpu.region"() ({
      %run_scoped3A = tpu.sem_alloc : memref<!tpu.dma_semaphore, #tpu.memory_space<semaphore_mem>>
      %dma_start3A_58 = arith.constant 0 : i32
      %dma_start3A_59 = tpu.memref_slice %arg16[%add3A_18, %dma_start3A_58] : memref<10000x128xf32, #tpu.memory_space<vmem_shared>> -> memref<104x128xf32, #tpu.memory_space<vmem_shared>>
      %dma_start3A_60 = arith.constant 0 : i32
      %dma_start3A_61 = tpu.memref_slice %arg16[%add3A_18, %dma_start3A_60] : memref<10000x128xf32, #tpu.memory_space<vmem_shared>> -> memref<104x128xf32, #tpu.memory_space<vmem_shared>>
      tpu.enqueue_dma source(%arg15 : memref<104x128xf32, #tpu.memory_space<vmem>>) target(%dma_start3A_61 : memref<104x128xf32, #tpu.memory_space<vmem_shared>>) target_semaphore(%run_scoped3A : memref<!tpu.dma_semaphore, #tpu.memory_space<semaphore_mem>>)
      %dma_wait3A_62 = arith.constant 0 : i32
      %dma_wait3A_63 = tpu.memref_slice %arg16[%add3A_18, %dma_wait3A_62] : memref<10000x128xf32, #tpu.memory_space<vmem_shared>> -> memref<104x128xf32, #tpu.memory_space<vmem_shared>>
      %dma_wait3A_64 = arith.constant 0 : i32
      %dma_wait3A_65 = tpu.memref_slice %arg16[%add3A_18, %dma_wait3A_64] : memref<10000x128xf32, #tpu.memory_space<vmem_shared>> -> memref<104x128xf32, #tpu.memory_space<vmem_shared>>
      tpu.wait_dma2 semaphore(%run_scoped3A : memref<!tpu.dma_semaphore, #tpu.memory_space<semaphore_mem>>) src(%arg15 : memref<104x128xf32, #tpu.memory_space<vmem>>) dst(%dma_wait3A_65 : memref<104x128xf32, #tpu.memory_space<vmem_shared>>)
      tpu.yield
    }) : () -> ()
    %add3A_19 = arith.constant 520 : i32
    %add3A_20 = arith.addi %mul3A_8, %add3A_19 : i32
    "tpu.region"() ({
      %run_scoped3A = tpu.sem_alloc : memref<!tpu.dma_semaphore, #tpu.memory_space<semaphore_mem>>
      %dma_start3A_58 = arith.constant 0 : i32
      %dma_start3A_59 = tpu.memref_slice %arg16[%add3A_20, %dma_start3A_58] : memref<10000x128xf32, #tpu.memory_space<vmem_shared>> -> memref<104x128xf32, #tpu.memory_space<vmem_shared>>
      %dma_start3A_60 = arith.constant 0 : i32
      %dma_start3A_61 = tpu.memref_slice %arg16[%add3A_20, %dma_start3A_60] : memref<10000x128xf32, #tpu.memory_space<vmem_shared>> -> memref<104x128xf32, #tpu.memory_space<vmem_shared>>
      tpu.enqueue_dma source(%arg15 : memref<104x128xf32, #tpu.memory_space<vmem>>) target(%dma_start3A_61 : memref<104x128xf32, #tpu.memory_space<vmem_shared>>) target_semaphore(%run_scoped3A : memref<!tpu.dma_semaphore, #tpu.memory_space<semaphore_mem>>)
      %dma_wait3A_62 = arith.constant 0 : i32
      %dma_wait3A_63 = tpu.memref_slice %arg16[%add3A_20, %dma_wait3A_62] : memref<10000x128xf32, #tpu.memory_space<vmem_shared>> -> memref<104x128xf32, #tpu.memory_space<vmem_shared>>
      %dma_wait3A_64 = arith.constant 0 : i32
      %dma_wait3A_65 = tpu.memref_slice %arg16[%add3A_20, %dma_wait3A_64] : memref<10000x128xf32, #tpu.memory_space<vmem_shared>> -> memref<104x128xf32, #tpu.memory_space<vmem_shared>>
      tpu.wait_dma2 semaphore(%run_scoped3A : memref<!tpu.dma_semaphore, #tpu.memory_space<semaphore_mem>>) src(%arg15 : memref<104x128xf32, #tpu.memory_space<vmem>>) dst(%dma_wait3A_65 : memref<104x128xf32, #tpu.memory_space<vmem_shared>>)
      tpu.yield
    }) : () -> ()
    %eq3A = arith.constant 15 : i32
    %eq3A_21 = arith.cmpi eq, %arg1, %eq3A : i32
    %convert_element_type3A = arith.extui %eq3A_21 : i1 to i32
    %cond3A = arith.constant 0 : i32
    %cond3A_22 = arith.cmpi ne, %convert_element_type3A, %cond3A : i32
    scf.if %cond3A_22 {
      "tpu.region"() ({
        %run_scoped3A = tpu.sem_alloc : memref<!tpu.dma_semaphore, #tpu.memory_space<semaphore_mem>>
        %dma_start3A_58 = arith.constant 0 : i32
        %dma_start3A_59 = arith.constant 0 : i32
        %dma_start3A_60 = tpu.memref_slice %arg15[%dma_start3A_58, %dma_start3A_59] : memref<104x128xf32, #tpu.memory_space<vmem>> -> memref<16x128xf32, #tpu.memory_space<vmem>>
        %dma_start3A_61 = arith.constant 9984 : i32
        %dma_start3A_62 = arith.constant 0 : i32
        %dma_start3A_63 = tpu.memref_slice %arg16[%dma_start3A_61, %dma_start3A_62] : memref<10000x128xf32, #tpu.memory_space<vmem_shared>> -> memref<16x128xf32, #tpu.memory_space<vmem_shared>>
        %dma_start3A_64 = arith.constant 9984 : i32
        %dma_start3A_65 = arith.constant 0 : i32
        %dma_start3A_66 = tpu.memref_slice %arg16[%dma_start3A_64, %dma_start3A_65] : memref<10000x128xf32, #tpu.memory_space<vmem_shared>> -> memref<16x128xf32, #tpu.memory_space<vmem_shared>>
        %dma_start3A_67 = arith.constant 0 : i32
        %dma_start3A_68 = arith.constant 0 : i32
        %dma_start3A_69 = tpu.memref_slice %arg15[%dma_start3A_67, %dma_start3A_68] : memref<104x128xf32, #tpu.memory_space<vmem>> -> memref<16x128xf32, #tpu.memory_space<vmem>>
        tpu.enqueue_dma source(%dma_start3A_69 : memref<16x128xf32, #tpu.memory_space<vmem>>) target(%dma_start3A_66 : memref<16x128xf32, #tpu.memory_space<vmem_shared>>) target_semaphore(%run_scoped3A : memref<!tpu.dma_semaphore, #tpu.memory_space<semaphore_mem>>)
        %dma_wait3A_70 = arith.constant 0 : i32
        %dma_wait3A_71 = arith.constant 0 : i32
        %dma_wait3A_72 = tpu.memref_slice %arg15[%dma_wait3A_70, %dma_wait3A_71] : memref<104x128xf32, #tpu.memory_space<vmem>> -> memref<16x128xf32, #tpu.memory_space<vmem>>
        %dma_wait3A_73 = arith.constant 9984 : i32
        %dma_wait3A_74 = arith.constant 0 : i32
        %dma_wait3A_75 = tpu.memref_slice %arg16[%dma_wait3A_73, %dma_wait3A_74] : memref<10000x128xf32, #tpu.memory_space<vmem_shared>> -> memref<16x128xf32, #tpu.memory_space<vmem_shared>>
        %dma_wait3A_76 = arith.constant 9984 : i32
        %dma_wait3A_77 = arith.constant 0 : i32
        %dma_wait3A_78 = tpu.memref_slice %arg16[%dma_wait3A_76, %dma_wait3A_77] : memref<10000x128xf32, #tpu.memory_space<vmem_shared>> -> memref<16x128xf32, #tpu.memory_space<vmem_shared>>
        %dma_wait3A_79 = arith.constant 0 : i32
        %dma_wait3A_80 = arith.constant 0 : i32
        %dma_wait3A_81 = tpu.memref_slice %arg15[%dma_wait3A_79, %dma_wait3A_80] : memref<104x128xf32, #tpu.memory_space<vmem>> -> memref<16x128xf32, #tpu.memory_space<vmem>>
        tpu.wait_dma2 semaphore(%run_scoped3A : memref<!tpu.dma_semaphore, #tpu.memory_space<semaphore_mem>>) src(%dma_wait3A_81 : memref<16x128xf32, #tpu.memory_space<vmem>>) dst(%dma_wait3A_78 : memref<16x128xf32, #tpu.memory_space<vmem_shared>>)
        tpu.yield
      }) : () -> ()
    } else {
    }
    %barrier3A = arith.constant 0 : index
    tpu.barrier barrier_id(%barrier3A)
    %mul3A_23 = arith.constant 10000 : i32
    %mul3A_24 = arith.muli %add3A, %mul3A_23 : i32
    %add3A_25 = arith.constant 0 : i32
    %add3A_26 = arith.addi %mul3A_24, %add3A_25 : i32
    "tpu.region"() ({
      %run_scoped3A = tpu.sem_alloc : memref<!tpu.dma_semaphore, #tpu.memory_space<semaphore_mem>>
      %dma_start3A_58 = tpu.memref_slice %arg3[%add3A_26] : memref<320000xi32, #tpu.memory_space<hbm>> -> memref<128xi32, #tpu.memory_space<hbm>>
      %dma_start3A_59 = tpu.memref_slice %arg3[%add3A_26] : memref<320000xi32, #tpu.memory_space<hbm>> -> memref<128xi32, #tpu.memory_space<hbm>>
      tpu.enqueue_dma source(%dma_start3A_59 : memref<128xi32, #tpu.memory_space<hbm>>) target(%arg6 : memref<128xi32, #tpu.memory_space<vmem>>) target_semaphore(%run_scoped3A : memref<!tpu.dma_semaphore, #tpu.memory_space<semaphore_mem>>)
      %dma_wait3A_60 = tpu.memref_slice %arg3[%add3A_26] : memref<320000xi32, #tpu.memory_space<hbm>> -> memref<128xi32, #tpu.memory_space<hbm>>
      %dma_wait3A_61 = tpu.memref_slice %arg3[%add3A_26] : memref<320000xi32, #tpu.memory_space<hbm>> -> memref<128xi32, #tpu.memory_space<hbm>>
      tpu.wait_dma2 semaphore(%run_scoped3A : memref<!tpu.dma_semaphore, #tpu.memory_space<semaphore_mem>>) src(%dma_wait3A_61 : memref<128xi32, #tpu.memory_space<hbm>>) dst(%arg6 : memref<128xi32, #tpu.memory_space<vmem>>)
      tpu.yield
    }) : () -> ()
    "tpu.region"() ({
      %run_scoped3A = tpu.sem_alloc : memref<!tpu.dma_semaphore, #tpu.memory_space<semaphore_mem>>
      %dma_start3A_58 = tpu.memref_slice %arg4[%add3A_26] : memref<320000xi32, #tpu.memory_space<hbm>> -> memref<128xi32, #tpu.memory_space<hbm>>
      %dma_start3A_59 = tpu.memref_slice %arg4[%add3A_26] : memref<320000xi32, #tpu.memory_space<hbm>> -> memref<128xi32, #tpu.memory_space<hbm>>
      tpu.enqueue_dma source(%dma_start3A_59 : memref<128xi32, #tpu.memory_space<hbm>>) target(%arg7 : memref<128xi32, #tpu.memory_space<vmem>>) target_semaphore(%run_scoped3A : memref<!tpu.dma_semaphore, #tpu.memory_space<semaphore_mem>>)
      %dma_wait3A_60 = tpu.memref_slice %arg4[%add3A_26] : memref<320000xi32, #tpu.memory_space<hbm>> -> memref<128xi32, #tpu.memory_space<hbm>>
      %dma_wait3A_61 = tpu.memref_slice %arg4[%add3A_26] : memref<320000xi32, #tpu.memory_space<hbm>> -> memref<128xi32, #tpu.memory_space<hbm>>
      tpu.wait_dma2 semaphore(%run_scoped3A : memref<!tpu.dma_semaphore, #tpu.memory_space<semaphore_mem>>) src(%dma_wait3A_61 : memref<128xi32, #tpu.memory_space<hbm>>) dst(%arg7 : memref<128xi32, #tpu.memory_space<vmem>>)
      tpu.yield
    }) : () -> ()
    %dma_start3A = arith.constant 0 : i32
    %dma_start3A_27 = arith.constant 0 : i32
    %dma_start3A_28 = tpu.memref_slice %arg2[%dma_start3A, %dma_start3A_27] : memref<10000x128xf32, #tpu.memory_space<hbm>> -> memref<10000x128xf32, #tpu.memory_space<hbm>>
    tpu.enqueue_indirect_dma source(%dma_start3A_28 : memref<10000x128xf32, #tpu.memory_space<hbm>>) target(%arg8 : memref<128x128xf32, #tpu.memory_space<vmem>>) offsets(%arg6 : memref<128xi32, #tpu.memory_space<vmem>>) semaphore(%arg17 : memref<!tpu.dma_semaphore, #tpu.memory_space<semaphore_mem>>)
    %scan3A_29 = arith.constant 0 : i32
    %scan3A_30 = arith.constant 0 : i32
    %scan3A_31 = arith.constant 39 : i32
    %scan3A_32 = arith.addi %scan3A_30, %scan3A_31 : i32
    %scan3A_33 = arith.constant 1 : i32
    scf.for %scan3A_58 = %scan3A_30 to %scan3A_32 step %scan3A_33  : i32 {
      %mul3A_59 = arith.constant 2 : i32
      %mul3A_60 = arith.muli %mul3A_59, %scan3A_58 : i32
      %add3A_61 = arith.constant 1 : i32
      %add3A_62 = arith.addi %mul3A_60, %add3A_61 : i32
      %mul3A_63 = arith.constant 128 : i32
      %mul3A_64 = arith.muli %add3A_62, %mul3A_63 : i32
      %add3A_65 = arith.addi %mul3A_24, %mul3A_64 : i32
      "tpu.region"() ({
        %run_scoped3A = tpu.sem_alloc : memref<!tpu.dma_semaphore, #tpu.memory_space<semaphore_mem>>
        %dma_start3A_79 = tpu.memref_slice %arg3[%add3A_65] : memref<320000xi32, #tpu.memory_space<hbm>> -> memref<128xi32, #tpu.memory_space<hbm>>
        %dma_start3A_80 = tpu.memref_slice %arg3[%add3A_65] : memref<320000xi32, #tpu.memory_space<hbm>> -> memref<128xi32, #tpu.memory_space<hbm>>
        tpu.enqueue_dma source(%dma_start3A_80 : memref<128xi32, #tpu.memory_space<hbm>>) target(%arg9 : memref<128xi32, #tpu.memory_space<vmem>>) target_semaphore(%run_scoped3A : memref<!tpu.dma_semaphore, #tpu.memory_space<semaphore_mem>>)
        %dma_wait3A_81 = tpu.memref_slice %arg3[%add3A_65] : memref<320000xi32, #tpu.memory_space<hbm>> -> memref<128xi32, #tpu.memory_space<hbm>>
        %dma_wait3A_82 = tpu.memref_slice %arg3[%add3A_65] : memref<320000xi32, #tpu.memory_space<hbm>> -> memref<128xi32, #tpu.memory_space<hbm>>
        tpu.wait_dma2 semaphore(%run_scoped3A : memref<!tpu.dma_semaphore, #tpu.memory_space<semaphore_mem>>) src(%dma_wait3A_82 : memref<128xi32, #tpu.memory_space<hbm>>) dst(%arg9 : memref<128xi32, #tpu.memory_space<vmem>>)
        tpu.yield
      }) : () -> ()
      "tpu.region"() ({
        %run_scoped3A = tpu.sem_alloc : memref<!tpu.dma_semaphore, #tpu.memory_space<semaphore_mem>>
        %dma_start3A_79 = tpu.memref_slice %arg4[%add3A_65] : memref<320000xi32, #tpu.memory_space<hbm>> -> memref<128xi32, #tpu.memory_space<hbm>>
        %dma_start3A_80 = tpu.memref_slice %arg4[%add3A_65] : memref<320000xi32, #tpu.memory_space<hbm>> -> memref<128xi32, #tpu.memory_space<hbm>>
        tpu.enqueue_dma source(%dma_start3A_80 : memref<128xi32, #tpu.memory_space<hbm>>) target(%arg10 : memref<128xi32, #tpu.memory_space<vmem>>) target_semaphore(%run_scoped3A : memref<!tpu.dma_semaphore, #tpu.memory_space<semaphore_mem>>)
        %dma_wait3A_81 = tpu.memref_slice %arg4[%add3A_65] : memref<320000xi32, #tpu.memory_space<hbm>> -> memref<128xi32, #tpu.memory_space<hbm>>
        %dma_wait3A_82 = tpu.memref_slice %arg4[%add3A_65] : memref<320000xi32, #tpu.memory_space<hbm>> -> memref<128xi32, #tpu.memory_space<hbm>>
        tpu.wait_dma2 semaphore(%run_scoped3A : memref<!tpu.dma_semaphore, #tpu.memory_space<semaphore_mem>>) src(%dma_wait3A_82 : memref<128xi32, #tpu.memory_space<hbm>>) dst(%arg10 : memref<128xi32, #tpu.memory_space<vmem>>)
        tpu.yield
      }) : () -> ()
      %dma_start3A_66 = arith.constant 0 : i32
      %dma_start3A_67 = arith.constant 0 : i32
      %dma_start3A_68 = tpu.memref_slice %arg2[%dma_start3A_66, %dma_start3A_67] : memref<10000x128xf32, #tpu.memory_space<hbm>> -> memref<10000x128xf32, #tpu.memory_space<hbm>>
      tpu.enqueue_indirect_dma source(%dma_start3A_68 : memref<10000x128xf32, #tpu.memory_space<hbm>>) target(%arg11 : memref<128x128xf32, #tpu.memory_space<vmem>>) offsets(%arg9 : memref<128xi32, #tpu.memory_space<vmem>>) semaphore(%arg18 : memref<!tpu.dma_semaphore, #tpu.memory_space<semaphore_mem>>)
      %dma_wait3A_69 = arith.constant 0 : i32
      %dma_wait3A_70 = arith.constant 0 : i32
      %dma_wait3A_71 = tpu.memref_slice %arg2[%dma_wait3A_69, %dma_wait3A_70] : memref<10000x128xf32, #tpu.memory_space<hbm>> -> memref<10000x128xf32, #tpu.memory_space<hbm>>
      tpu.wait_indirect_dma semaphore(%arg17 : memref<!tpu.dma_semaphore, #tpu.memory_space<semaphore_mem>>) src(%dma_wait3A_71 : memref<10000x128xf32, #tpu.memory_space<hbm>>) dst(%arg8 : memref<128x128xf32, #tpu.memory_space<vmem>>)
      "tpu.region"() ({
        %run_scoped3A = tpu.sem_alloc : memref<!tpu.dma_semaphore, #tpu.memory_space<semaphore_mem>>
        %dma_start3A_79 = arith.constant 0 : i32
        %dma_start3A_80 = arith.constant 0 : i32
        %dma_start3A_81 = tpu.memref_slice %arg16[%dma_start3A_79, %dma_start3A_80] : memref<10000x128xf32, #tpu.memory_space<vmem_shared>> -> memref<10000x128xf32, #tpu.memory_space<vmem_shared>>
        tpu.enqueue_indirect_dma source(%arg8 : memref<128x128xf32, #tpu.memory_space<vmem>>) target(%dma_start3A_81 : memref<10000x128xf32, #tpu.memory_space<vmem_shared>>) offsets(%arg7 : memref<128xi32, #tpu.memory_space<vmem>>) semaphore(%run_scoped3A : memref<!tpu.dma_semaphore, #tpu.memory_space<semaphore_mem>>) {add = true}
        %dma_wait3A_82 = arith.constant 0 : i32
        %dma_wait3A_83 = arith.constant 0 : i32
        %dma_wait3A_84 = tpu.memref_slice %arg16[%dma_wait3A_82, %dma_wait3A_83] : memref<10000x128xf32, #tpu.memory_space<vmem_shared>> -> memref<10000x128xf32, #tpu.memory_space<vmem_shared>>
        tpu.wait_indirect_dma semaphore(%run_scoped3A : memref<!tpu.dma_semaphore, #tpu.memory_space<semaphore_mem>>) src(%arg8 : memref<128x128xf32, #tpu.memory_space<vmem>>) dst(%dma_wait3A_84 : memref<10000x128xf32, #tpu.memory_space<vmem_shared>>)
        tpu.yield
      }) : () -> ()
      %lt3A = arith.constant 38 : i32
      %lt3A_72 = arith.cmpi slt, %scan3A_58, %lt3A : i32
      %convert_element_type3A_73 = arith.extui %lt3A_72 : i1 to i32
      %cond3A_74 = arith.constant 0 : i32
      %cond3A_75 = arith.cmpi ne, %convert_element_type3A_73, %cond3A_74 : i32
      scf.if %cond3A_75 {
        %mul3A_79 = arith.constant 2 : i32
        %mul3A_80 = arith.muli %mul3A_79, %scan3A_58 : i32
        %add3A_81 = arith.constant 2 : i32
        %add3A_82 = arith.addi %mul3A_80, %add3A_81 : i32
        %mul3A_83 = arith.constant 128 : i32
        %mul3A_84 = arith.muli %add3A_82, %mul3A_83 : i32
        %add3A_85 = arith.addi %mul3A_24, %mul3A_84 : i32
        "tpu.region"() ({
          %run_scoped3A = tpu.sem_alloc : memref<!tpu.dma_semaphore, #tpu.memory_space<semaphore_mem>>
          %dma_start3A_89 = tpu.memref_slice %arg3[%add3A_85] : memref<320000xi32, #tpu.memory_space<hbm>> -> memref<128xi32, #tpu.memory_space<hbm>>
          %dma_start3A_90 = tpu.memref_slice %arg3[%add3A_85] : memref<320000xi32, #tpu.memory_space<hbm>> -> memref<128xi32, #tpu.memory_space<hbm>>
          tpu.enqueue_dma source(%dma_start3A_90 : memref<128xi32, #tpu.memory_space<hbm>>) target(%arg6 : memref<128xi32, #tpu.memory_space<vmem>>) target_semaphore(%run_scoped3A : memref<!tpu.dma_semaphore, #tpu.memory_space<semaphore_mem>>)
          %dma_wait3A_91 = tpu.memref_slice %arg3[%add3A_85] : memref<320000xi32, #tpu.memory_space<hbm>> -> memref<128xi32, #tpu.memory_space<hbm>>
          %dma_wait3A_92 = tpu.memref_slice %arg3[%add3A_85] : memref<320000xi32, #tpu.memory_space<hbm>> -> memref<128xi32, #tpu.memory_space<hbm>>
          tpu.wait_dma2 semaphore(%run_scoped3A : memref<!tpu.dma_semaphore, #tpu.memory_space<semaphore_mem>>) src(%dma_wait3A_92 : memref<128xi32, #tpu.memory_space<hbm>>) dst(%arg6 : memref<128xi32, #tpu.memory_space<vmem>>)
          tpu.yield
        }) : () -> ()
        "tpu.region"() ({
          %run_scoped3A = tpu.sem_alloc : memref<!tpu.dma_semaphore, #tpu.memory_space<semaphore_mem>>
          %dma_start3A_89 = tpu.memref_slice %arg4[%add3A_85] : memref<320000xi32, #tpu.memory_space<hbm>> -> memref<128xi32, #tpu.memory_space<hbm>>
          %dma_start3A_90 = tpu.memref_slice %arg4[%add3A_85] : memref<320000xi32, #tpu.memory_space<hbm>> -> memref<128xi32, #tpu.memory_space<hbm>>
          tpu.enqueue_dma source(%dma_start3A_90 : memref<128xi32, #tpu.memory_space<hbm>>) target(%arg7 : memref<128xi32, #tpu.memory_space<vmem>>) target_semaphore(%run_scoped3A : memref<!tpu.dma_semaphore, #tpu.memory_space<semaphore_mem>>)
          %dma_wait3A_91 = tpu.memref_slice %arg4[%add3A_85] : memref<320000xi32, #tpu.memory_space<hbm>> -> memref<128xi32, #tpu.memory_space<hbm>>
          %dma_wait3A_92 = tpu.memref_slice %arg4[%add3A_85] : memref<320000xi32, #tpu.memory_space<hbm>> -> memref<128xi32, #tpu.memory_space<hbm>>
          tpu.wait_dma2 semaphore(%run_scoped3A : memref<!tpu.dma_semaphore, #tpu.memory_space<semaphore_mem>>) src(%dma_wait3A_92 : memref<128xi32, #tpu.memory_space<hbm>>) dst(%arg7 : memref<128xi32, #tpu.memory_space<vmem>>)
          tpu.yield
        }) : () -> ()
        %dma_start3A_86 = arith.constant 0 : i32
        %dma_start3A_87 = arith.constant 0 : i32
        %dma_start3A_88 = tpu.memref_slice %arg2[%dma_start3A_86, %dma_start3A_87] : memref<10000x128xf32, #tpu.memory_space<hbm>> -> memref<10000x128xf32, #tpu.memory_space<hbm>>
        tpu.enqueue_indirect_dma source(%dma_start3A_88 : memref<10000x128xf32, #tpu.memory_space<hbm>>) target(%arg8 : memref<128x128xf32, #tpu.memory_space<vmem>>) offsets(%arg6 : memref<128xi32, #tpu.memory_space<vmem>>) semaphore(%arg17 : memref<!tpu.dma_semaphore, #tpu.memory_space<semaphore_mem>>)
      } else {
      }
      %dma_wait3A_76 = arith.constant 0 : i32
      %dma_wait3A_77 = arith.constant 0 : i32
      %dma_wait3A_78 = tpu.memref_slice %arg2[%dma_wait3A_76, %dma_wait3A_77] : memref<10000x128xf32, #tpu.memory_space<hbm>> -> memref<10000x128xf32, #tpu.memory_space<hbm>>
      tpu.wait_indirect_dma semaphore(%arg18 : memref<!tpu.dma_semaphore, #tpu.memory_space<semaphore_mem>>) src(%dma_wait3A_78 : memref<10000x128xf32, #tpu.memory_space<hbm>>) dst(%arg11 : memref<128x128xf32, #tpu.memory_space<vmem>>)
      "tpu.region"() ({
        %run_scoped3A = tpu.sem_alloc : memref<!tpu.dma_semaphore, #tpu.memory_space<semaphore_mem>>
        %dma_start3A_79 = arith.constant 0 : i32
        %dma_start3A_80 = arith.constant 0 : i32
        %dma_start3A_81 = tpu.memref_slice %arg16[%dma_start3A_79, %dma_start3A_80] : memref<10000x128xf32, #tpu.memory_space<vmem_shared>> -> memref<10000x128xf32, #tpu.memory_space<vmem_shared>>
        tpu.enqueue_indirect_dma source(%arg11 : memref<128x128xf32, #tpu.memory_space<vmem>>) target(%dma_start3A_81 : memref<10000x128xf32, #tpu.memory_space<vmem_shared>>) offsets(%arg10 : memref<128xi32, #tpu.memory_space<vmem>>) semaphore(%run_scoped3A : memref<!tpu.dma_semaphore, #tpu.memory_space<semaphore_mem>>) {add = true}
        %dma_wait3A_82 = arith.constant 0 : i32
        %dma_wait3A_83 = arith.constant 0 : i32
        %dma_wait3A_84 = tpu.memref_slice %arg16[%dma_wait3A_82, %dma_wait3A_83] : memref<10000x128xf32, #tpu.memory_space<vmem_shared>> -> memref<10000x128xf32, #tpu.memory_space<vmem_shared>>
        tpu.wait_indirect_dma semaphore(%run_scoped3A : memref<!tpu.dma_semaphore, #tpu.memory_space<semaphore_mem>>) src(%arg11 : memref<128x128xf32, #tpu.memory_space<vmem>>) dst(%dma_wait3A_84 : memref<10000x128xf32, #tpu.memory_space<vmem_shared>>)
        tpu.yield
      }) : () -> ()
    }
    %scan3A_34 = arith.constant 39 : i32
    %add3A_35 = arith.constant 9984 : i32
    %add3A_36 = arith.addi %mul3A_24, %add3A_35 : i32
    "tpu.region"() ({
      %run_scoped3A = tpu.sem_alloc : memref<!tpu.dma_semaphore, #tpu.memory_space<semaphore_mem>>
      %dma_start3A_58 = tpu.memref_slice %arg3[%add3A_36] : memref<320000xi32, #tpu.memory_space<hbm>> -> memref<16xi32, #tpu.memory_space<hbm>>
      %dma_start3A_59 = tpu.memref_slice %arg3[%add3A_36] : memref<320000xi32, #tpu.memory_space<hbm>> -> memref<16xi32, #tpu.memory_space<hbm>>
      tpu.enqueue_dma source(%dma_start3A_59 : memref<16xi32, #tpu.memory_space<hbm>>) target(%arg12 : memref<16xi32, #tpu.memory_space<vmem>>) target_semaphore(%run_scoped3A : memref<!tpu.dma_semaphore, #tpu.memory_space<semaphore_mem>>)
      %dma_wait3A_60 = tpu.memref_slice %arg3[%add3A_36] : memref<320000xi32, #tpu.memory_space<hbm>> -> memref<16xi32, #tpu.memory_space<hbm>>
      %dma_wait3A_61 = tpu.memref_slice %arg3[%add3A_36] : memref<320000xi32, #tpu.memory_space<hbm>> -> memref<16xi32, #tpu.memory_space<hbm>>
      tpu.wait_dma2 semaphore(%run_scoped3A : memref<!tpu.dma_semaphore, #tpu.memory_space<semaphore_mem>>) src(%dma_wait3A_61 : memref<16xi32, #tpu.memory_space<hbm>>) dst(%arg12 : memref<16xi32, #tpu.memory_space<vmem>>)
      tpu.yield
    }) : () -> ()
    "tpu.region"() ({
      %run_scoped3A = tpu.sem_alloc : memref<!tpu.dma_semaphore, #tpu.memory_space<semaphore_mem>>
      %dma_start3A_58 = tpu.memref_slice %arg4[%add3A_36] : memref<320000xi32, #tpu.memory_space<hbm>> -> memref<16xi32, #tpu.memory_space<hbm>>
      %dma_start3A_59 = tpu.memref_slice %arg4[%add3A_36] : memref<320000xi32, #tpu.memory_space<hbm>> -> memref<16xi32, #tpu.memory_space<hbm>>
      tpu.enqueue_dma source(%dma_start3A_59 : memref<16xi32, #tpu.memory_space<hbm>>) target(%arg13 : memref<16xi32, #tpu.memory_space<vmem>>) target_semaphore(%run_scoped3A : memref<!tpu.dma_semaphore, #tpu.memory_space<semaphore_mem>>)
      %dma_wait3A_60 = tpu.memref_slice %arg4[%add3A_36] : memref<320000xi32, #tpu.memory_space<hbm>> -> memref<16xi32, #tpu.memory_space<hbm>>
      %dma_wait3A_61 = tpu.memref_slice %arg4[%add3A_36] : memref<320000xi32, #tpu.memory_space<hbm>> -> memref<16xi32, #tpu.memory_space<hbm>>
      tpu.wait_dma2 semaphore(%run_scoped3A : memref<!tpu.dma_semaphore, #tpu.memory_space<semaphore_mem>>) src(%dma_wait3A_61 : memref<16xi32, #tpu.memory_space<hbm>>) dst(%arg13 : memref<16xi32, #tpu.memory_space<vmem>>)
      tpu.yield
    }) : () -> ()
    %dma_start3A_37 = arith.constant 0 : i32
    %dma_start3A_38 = arith.constant 0 : i32
    %dma_start3A_39 = tpu.memref_slice %arg2[%dma_start3A_37, %dma_start3A_38] : memref<10000x128xf32, #tpu.memory_space<hbm>> -> memref<10000x128xf32, #tpu.memory_space<hbm>>
    tpu.enqueue_indirect_dma source(%dma_start3A_39 : memref<10000x128xf32, #tpu.memory_space<hbm>>) target(%arg14 : memref<16x128xf32, #tpu.memory_space<vmem>>) offsets(%arg12 : memref<16xi32, #tpu.memory_space<vmem>>) semaphore(%arg17 : memref<!tpu.dma_semaphore, #tpu.memory_space<semaphore_mem>>)
    %dma_wait3A = arith.constant 0 : i32
    %dma_wait3A_40 = arith.constant 0 : i32
    %dma_wait3A_41 = tpu.memref_slice %arg2[%dma_wait3A, %dma_wait3A_40] : memref<10000x128xf32, #tpu.memory_space<hbm>> -> memref<10000x128xf32, #tpu.memory_space<hbm>>
    tpu.wait_indirect_dma semaphore(%arg17 : memref<!tpu.dma_semaphore, #tpu.memory_space<semaphore_mem>>) src(%dma_wait3A_41 : memref<10000x128xf32, #tpu.memory_space<hbm>>) dst(%arg14 : memref<16x128xf32, #tpu.memory_space<vmem>>)
    "tpu.region"() ({
      %run_scoped3A = tpu.sem_alloc : memref<!tpu.dma_semaphore, #tpu.memory_space<semaphore_mem>>
      %dma_start3A_58 = arith.constant 0 : i32
      %dma_start3A_59 = arith.constant 0 : i32
      %dma_start3A_60 = tpu.memref_slice %arg16[%dma_start3A_58, %dma_start3A_59] : memref<10000x128xf32, #tpu.memory_space<vmem_shared>> -> memref<10000x128xf32, #tpu.memory_space<vmem_shared>>
      tpu.enqueue_indirect_dma source(%arg14 : memref<16x128xf32, #tpu.memory_space<vmem>>) target(%dma_start3A_60 : memref<10000x128xf32, #tpu.memory_space<vmem_shared>>) offsets(%arg13 : memref<16xi32, #tpu.memory_space<vmem>>) semaphore(%run_scoped3A : memref<!tpu.dma_semaphore, #tpu.memory_space<semaphore_mem>>) {add = true}
      %dma_wait3A_61 = arith.constant 0 : i32
      %dma_wait3A_62 = arith.constant 0 : i32
      %dma_wait3A_63 = tpu.memref_slice %arg16[%dma_wait3A_61, %dma_wait3A_62] : memref<10000x128xf32, #tpu.memory_space<vmem_shared>> -> memref<10000x128xf32, #tpu.memory_space<vmem_shared>>
      tpu.wait_indirect_dma semaphore(%run_scoped3A : memref<!tpu.dma_semaphore, #tpu.memory_space<semaphore_mem>>) src(%arg14 : memref<16x128xf32, #tpu.memory_space<vmem>>) dst(%dma_wait3A_63 : memref<10000x128xf32, #tpu.memory_space<vmem_shared>>)
      tpu.yield
    }) : () -> ()
    %barrier3A_42 = arith.constant 0 : index
    tpu.barrier barrier_id(%barrier3A_42)
    %mul3A_43 = arith.constant 624 : i32
    %mul3A_44 = arith.muli %arg1, %mul3A_43 : i32
    %add3A_45 = arith.constant 0 : i32
    %add3A_46 = arith.addi %mul3A_44, %add3A_45 : i32
    %add3A_47 = arith.constant 0 : i32
    %add3A_48 = arith.addi %mul3A_44, %add3A_47 : i32
    "tpu.region"() ({
      %run_scoped3A = tpu.sem_alloc : memref<!tpu.dma_semaphore, #tpu.memory_space<semaphore_mem>>
      %dma_start3A_58 = arith.constant 0 : i32
      %dma_start3A_59 = tpu.memref_slice %arg5[%arg0, %add3A_48, %dma_start3A_58] : memref<2x10000x128xf32, #tpu.memory_space<hbm>> -> memref<1x312x128xf32, #tpu.memory_space<hbm>>
      %dma_start3A_60 = tpu.memref_squeeze %dma_start3A_59 : memref<1x312x128xf32, #tpu.memory_space<hbm>> -> memref<312x128xf32, #tpu.memory_space<hbm>>
      %dma_start3A_61 = arith.constant 0 : i32
      %dma_start3A_62 = tpu.memref_slice %arg16[%add3A_46, %dma_start3A_61] : memref<10000x128xf32, #tpu.memory_space<vmem_shared>> -> memref<312x128xf32, #tpu.memory_space<vmem_shared>>
      tpu.enqueue_dma source(%dma_start3A_62 : memref<312x128xf32, #tpu.memory_space<vmem_shared>>) target(%dma_start3A_60 : memref<312x128xf32, #tpu.memory_space<hbm>>) target_semaphore(%run_scoped3A : memref<!tpu.dma_semaphore, #tpu.memory_space<semaphore_mem>>)
      %dma_wait3A_63 = arith.constant 0 : i32
      %dma_wait3A_64 = tpu.memref_slice %arg5[%arg0, %add3A_48, %dma_wait3A_63] : memref<2x10000x128xf32, #tpu.memory_space<hbm>> -> memref<1x312x128xf32, #tpu.memory_space<hbm>>
      %dma_wait3A_65 = tpu.memref_squeeze %dma_wait3A_64 : memref<1x312x128xf32, #tpu.memory_space<hbm>> -> memref<312x128xf32, #tpu.memory_space<hbm>>
      %dma_wait3A_66 = arith.constant 0 : i32
      %dma_wait3A_67 = tpu.memref_slice %arg16[%add3A_46, %dma_wait3A_66] : memref<10000x128xf32, #tpu.memory_space<vmem_shared>> -> memref<312x128xf32, #tpu.memory_space<vmem_shared>>
      tpu.wait_dma2 semaphore(%run_scoped3A : memref<!tpu.dma_semaphore, #tpu.memory_space<semaphore_mem>>) src(%dma_wait3A_67 : memref<312x128xf32, #tpu.memory_space<vmem_shared>>) dst(%dma_wait3A_65 : memref<312x128xf32, #tpu.memory_space<hbm>>)
      tpu.yield
    }) : () -> ()
    %add3A_49 = arith.constant 312 : i32
    %add3A_50 = arith.addi %mul3A_44, %add3A_49 : i32
    %add3A_51 = arith.constant 312 : i32
    %add3A_52 = arith.addi %mul3A_44, %add3A_51 : i32
    "tpu.region"() ({
      %run_scoped3A = tpu.sem_alloc : memref<!tpu.dma_semaphore, #tpu.memory_space<semaphore_mem>>
      %dma_start3A_58 = arith.constant 0 : i32
      %dma_start3A_59 = tpu.memref_slice %arg5[%arg0, %add3A_52, %dma_start3A_58] : memref<2x10000x128xf32, #tpu.memory_space<hbm>> -> memref<1x312x128xf32, #tpu.memory_space<hbm>>
      %dma_start3A_60 = tpu.memref_squeeze %dma_start3A_59 : memref<1x312x128xf32, #tpu.memory_space<hbm>> -> memref<312x128xf32, #tpu.memory_space<hbm>>
      %dma_start3A_61 = arith.constant 0 : i32
      %dma_start3A_62 = tpu.memref_slice %arg16[%add3A_50, %dma_start3A_61] : memref<10000x128xf32, #tpu.memory_space<vmem_shared>> -> memref<312x128xf32, #tpu.memory_space<vmem_shared>>
      tpu.enqueue_dma source(%dma_start3A_62 : memref<312x128xf32, #tpu.memory_space<vmem_shared>>) target(%dma_start3A_60 : memref<312x128xf32, #tpu.memory_space<hbm>>) target_semaphore(%run_scoped3A : memref<!tpu.dma_semaphore, #tpu.memory_space<semaphore_mem>>)
      %dma_wait3A_63 = arith.constant 0 : i32
      %dma_wait3A_64 = tpu.memref_slice %arg5[%arg0, %add3A_52, %dma_wait3A_63] : memref<2x10000x128xf32, #tpu.memory_space<hbm>> -> memref<1x312x128xf32, #tpu.memory_space<hbm>>
      %dma_wait3A_65 = tpu.memref_squeeze %dma_wait3A_64 : memref<1x312x128xf32, #tpu.memory_space<hbm>> -> memref<312x128xf32, #tpu.memory_space<hbm>>
      %dma_wait3A_66 = arith.constant 0 : i32
      %dma_wait3A_67 = tpu.memref_slice %arg16[%add3A_50, %dma_wait3A_66] : memref<10000x128xf32, #tpu.memory_space<vmem_shared>> -> memref<312x128xf32, #tpu.memory_space<vmem_shared>>
      tpu.wait_dma2 semaphore(%run_scoped3A : memref<!tpu.dma_semaphore, #tpu.memory_space<semaphore_mem>>) src(%dma_wait3A_67 : memref<312x128xf32, #tpu.memory_space<vmem_shared>>) dst(%dma_wait3A_65 : memref<312x128xf32, #tpu.memory_space<hbm>>)
      tpu.yield
    }) : () -> ()
    %eq3A_53 = arith.constant 15 : i32
    %eq3A_54 = arith.cmpi eq, %arg1, %eq3A_53 : i32
    %convert_element_type3A_55 = arith.extui %eq3A_54 : i1 to i32
    %cond3A_56 = arith.constant 0 : i32
    %cond3A_57 = arith.cmpi ne, %convert_element_type3A_55, %cond3A_56 : i32
    scf.if %cond3A_57 {
      "tpu.region"() ({
        %run_scoped3A = tpu.sem_alloc : memref<!tpu.dma_semaphore, #tpu.memory_space<semaphore_mem>>
        %dma_start3A_58 = arith.constant 9984 : i32
        %dma_start3A_59 = arith.constant 0 : i32
        %dma_start3A_60 = tpu.memref_slice %arg5[%arg0, %dma_start3A_58, %dma_start3A_59] : memref<2x10000x128xf32, #tpu.memory_space<hbm>> -> memref<1x16x128xf32, #tpu.memory_space<hbm>>
        %dma_start3A_61 = tpu.memref_squeeze %dma_start3A_60 : memref<1x16x128xf32, #tpu.memory_space<hbm>> -> memref<16x128xf32, #tpu.memory_space<hbm>>
        %dma_start3A_62 = arith.constant 9984 : i32
        %dma_start3A_63 = arith.constant 0 : i32
        %dma_start3A_64 = tpu.memref_slice %arg16[%dma_start3A_62, %dma_start3A_63] : memref<10000x128xf32, #tpu.memory_space<vmem_shared>> -> memref<16x128xf32, #tpu.memory_space<vmem_shared>>
        tpu.enqueue_dma source(%dma_start3A_64 : memref<16x128xf32, #tpu.memory_space<vmem_shared>>) target(%dma_start3A_61 : memref<16x128xf32, #tpu.memory_space<hbm>>) target_semaphore(%run_scoped3A : memref<!tpu.dma_semaphore, #tpu.memory_space<semaphore_mem>>)
        %dma_wait3A_65 = arith.constant 9984 : i32
        %dma_wait3A_66 = arith.constant 0 : i32
        %dma_wait3A_67 = tpu.memref_slice %arg5[%arg0, %dma_wait3A_65, %dma_wait3A_66] : memref<2x10000x128xf32, #tpu.memory_space<hbm>> -> memref<1x16x128xf32, #tpu.memory_space<hbm>>
        %dma_wait3A_68 = tpu.memref_squeeze %dma_wait3A_67 : memref<1x16x128xf32, #tpu.memory_space<hbm>> -> memref<16x128xf32, #tpu.memory_space<hbm>>
        %dma_wait3A_69 = arith.constant 9984 : i32
        %dma_wait3A_70 = arith.constant 0 : i32
        %dma_wait3A_71 = tpu.memref_slice %arg16[%dma_wait3A_69, %dma_wait3A_70] : memref<10000x128xf32, #tpu.memory_space<vmem_shared>> -> memref<16x128xf32, #tpu.memory_space<vmem_shared>>
        tpu.wait_dma2 semaphore(%run_scoped3A : memref<!tpu.dma_semaphore, #tpu.memory_space<semaphore_mem>>) src(%dma_wait3A_71 : memref<16x128xf32, #tpu.memory_space<vmem_shared>>) dst(%dma_wait3A_68 : memref<16x128xf32, #tpu.memory_space<hbm>>)
        tpu.yield
      }) : () -> ()
    } else {
    }
    return
  }
}

#map = affine_map<(d0, d1) -> (0)>
#map1 = affine_map<(d0, d1) -> (0, 0, 0)>
module attributes {stable_mosaic.version = 14 : i64} {
  func.func @_deg_sc_kernel(%arg0: i32, %arg1: i32, %arg2: memref<320000xi32, #tpu.memory_space<hbm>>, %arg3: memref<320000xi32, #tpu.memory_space<hbm>>, %arg4: memref<2x10000x128xf32, #tpu.memory_space<hbm>>, %arg5: memref<128xi32, #tpu.memory_space<vmem>>, %arg6: memref<128xi32, #tpu.memory_space<vmem>>, %arg7: memref<128xi32, #tpu.memory_space<vmem>>, %arg8: memref<128xi32, #tpu.memory_space<vmem>>, %arg9: memref<16xi32, #tpu.memory_space<vmem>>, %arg10: memref<16xi32, #tpu.memory_space<vmem>>, %arg11: memref<128x128xf32, #tpu.memory_space<vmem>>, %arg12: memref<128x128xf32, #tpu.memory_space<vmem>>, %arg13: memref<104x128xf32, #tpu.memory_space<vmem>>, %arg14: memref<10000x128xf32, #tpu.memory_space<vmem_shared>>, %arg15: memref<!tpu.dma_semaphore, #tpu.memory_space<semaphore_mem>>, %arg16: memref<!tpu.dma_semaphore, #tpu.memory_space<semaphore_mem>>, %arg17: memref<!tpu.dma_semaphore, #tpu.memory_space<semaphore_mem>>, %arg18: memref<!tpu.dma_semaphore, #tpu.memory_space<semaphore_mem>>) attributes {dimension_semantics = [#tpu.dimension_semantics<core_parallel>, #tpu.dimension_semantics<subcore_parallel>], iteration_bounds = array<i64: 2, 16>, scalar_prefetch = 0 : i64, scratch_operands = 14 : i64, tpu.core_type = #tpu.core_type<sc_vector_subcore>, window_params = [{transform_indices = #map}, {transform_indices = #map}, {transform_indices = #map1}]} {
    %mul3A = arith.constant 2 : i32
    %mul3A_0 = arith.muli %arg1, %mul3A : i32
    %add3A = arith.addi %mul3A_0, %arg0 : i32
    %broadcast_in_dim3A = arith.constant 1.000000e+00 : f32
    %broadcast_in_dim3A_1 = vector.broadcast %broadcast_in_dim3A : f32 to vector<16xf32>
    %broadcast_in_dim3A_2 = arith.constant 0.000000e+00 : f32
    %broadcast_in_dim3A_3 = vector.broadcast %broadcast_in_dim3A_2 : f32 to vector<16xf32>
    %scan3A = arith.constant 0 : i32
    %scan3A_4 = arith.constant 0 : i32
    %scan3A_5 = arith.constant 1024 : i32
    %scan3A_6 = arith.addi %scan3A_4, %scan3A_5 : i32
    %scan3A_7 = arith.constant 1 : i32
    scf.for %scan3A_72 = %scan3A_4 to %scan3A_6 step %scan3A_7  : i32 {
      %jit3A = arith.constant 8 : i32
      %div3A = arith.divsi %scan3A_72, %jit3A : i32
      %sign3A = arith.constant 0 : i32
      %sign3A_73 = arith.cmpi sgt, %scan3A_72, %sign3A : i32
      %sign3A_74 = arith.extui %sign3A_73 : i1 to i32
      %sign3A_75 = arith.constant 0 : i32
      %sign3A_76 = arith.cmpi slt, %scan3A_72, %sign3A_75 : i32
      %sign3A_77 = arith.extui %sign3A_76 : i1 to i32
      %sign3A_78 = arith.subi %sign3A_74, %sign3A_77 : i32
      %sign3A_79 = arith.constant 0 : i32
      %sign3A_80 = arith.cmpi sgt, %jit3A, %sign3A_79 : i32
      %sign3A_81 = arith.extui %sign3A_80 : i1 to i32
      %sign3A_82 = arith.constant 0 : i32
      %sign3A_83 = arith.cmpi slt, %jit3A, %sign3A_82 : i32
      %sign3A_84 = arith.extui %sign3A_83 : i1 to i32
      %sign3A_85 = arith.subi %sign3A_81, %sign3A_84 : i32
      %ne3A = arith.cmpi ne, %sign3A_78, %sign3A_85 : i32
      %rem3A = arith.remsi %scan3A_72, %jit3A : i32
      %ne3A_86 = arith.constant 0 : i32
      %ne3A_87 = arith.cmpi ne, %rem3A, %ne3A_86 : i32
      %and3A = arith.andi %ne3A, %ne3A_87 : i1
      %sub3A = arith.constant 1 : i32
      %sub3A_88 = arith.subi %div3A, %sub3A : i32
      %select_n3A = arith.select %and3A, %sub3A_88, %div3A : i32
      %jit3A_89 = arith.constant 8 : i32
      %eq3A_90 = arith.constant 0 : i32
      %eq3A_91 = arith.cmpi eq, %jit3A_89, %eq3A_90 : i32
      %jit3A_92 = arith.constant 1 : i32
      %select_n3A_93 = arith.select %eq3A_91, %jit3A_92, %jit3A_89 : i32
      %rem3A_94 = arith.remsi %scan3A_72, %select_n3A_93 : i32
      %ne3A_95 = arith.constant 0 : i32
      %ne3A_96 = arith.cmpi ne, %rem3A_94, %ne3A_95 : i32
      %lt3A = arith.constant 0 : i32
      %lt3A_97 = arith.cmpi slt, %rem3A_94, %lt3A : i32
      %lt3A_98 = arith.constant 0 : i32
      %lt3A_99 = arith.cmpi slt, %select_n3A_93, %lt3A_98 : i32
      %ne3A_100 = arith.xori %lt3A_97, %lt3A_99 : i1
      %and3A_101 = arith.andi %ne3A_100, %ne3A_96 : i1
      %add3A_102 = arith.addi %rem3A_94, %select_n3A_93 : i32
      %select_n3A_103 = arith.select %and3A_101, %add3A_102, %rem3A_94 : i32
      %mul3A_104 = arith.constant 16 : i32
      %mul3A_105 = arith.muli %select_n3A_103, %mul3A_104 : i32
      %swap3A = arith.index_cast %select_n3A : i32 to index
      %swap3A_106 = arith.index_cast %mul3A_105 : i32 to index
      %swap3A_107 = tpu.vector_load %arg11[%swap3A, %swap3A_106] {strides = array<i32>} : memref<128x128xf32, #tpu.memory_space<vmem>>, vector<1x16xf32>,
      %swap3A_108 = vector.shape_cast %swap3A_107 : vector<1x16xf32> to vector<16xf32>
      %swap3A_109 = vector.shape_cast %broadcast_in_dim3A_3 : vector<16xf32> to vector<1x16xf32>
      tpu.vector_store %arg11[%swap3A, %swap3A_106], %swap3A_109 {strides = array<i32>} : memref<128x128xf32, #tpu.memory_space<vmem>>, vector<1x16xf32>,
      %swap3A_110 = arith.index_cast %select_n3A : i32 to index
      %swap3A_111 = arith.index_cast %mul3A_105 : i32 to index
      %swap3A_112 = tpu.vector_load %arg12[%swap3A_110, %swap3A_111] {strides = array<i32>} : memref<128x128xf32, #tpu.memory_space<vmem>>, vector<1x16xf32>,
      %swap3A_113 = vector.shape_cast %swap3A_112 : vector<1x16xf32> to vector<16xf32>
      %swap3A_114 = vector.shape_cast %broadcast_in_dim3A_3 : vector<16xf32> to vector<1x16xf32>
      tpu.vector_store %arg12[%swap3A_110, %swap3A_111], %swap3A_114 {strides = array<i32>} : memref<128x128xf32, #tpu.memory_space<vmem>>, vector<1x16xf32>,
    }
    %scan3A_8 = arith.constant 1024 : i32
    %scan3A_9 = arith.constant 0 : i32
    %scan3A_10 = arith.constant 0 : i32
    %scan3A_11 = arith.constant 128 : i32
    %scan3A_12 = arith.addi %scan3A_10, %scan3A_11 : i32
    %scan3A_13 = arith.constant 1 : i32
    scf.for %scan3A_72 = %scan3A_10 to %scan3A_12 step %scan3A_13  : i32 {
      %swap3A = arith.index_cast %scan3A_72 : i32 to index
      %swap3A_73 = arith.constant 0 : index
      %swap3A_74 = tpu.vector_load %arg11[%swap3A, %swap3A_73] {strides = array<i32>} : memref<128x128xf32, #tpu.memory_space<vmem>>, vector<1x16xf32>,
      %swap3A_75 = vector.shape_cast %swap3A_74 : vector<1x16xf32> to vector<16xf32>
      %swap3A_76 = vector.shape_cast %broadcast_in_dim3A_1 : vector<16xf32> to vector<1x16xf32>
      tpu.vector_store %arg11[%swap3A, %swap3A_73], %swap3A_76 {strides = array<i32>} : memref<128x128xf32, #tpu.memory_space<vmem>>, vector<1x16xf32>,
      %swap3A_77 = arith.index_cast %scan3A_72 : i32 to index
      %swap3A_78 = arith.constant 64 : index
      %swap3A_79 = tpu.vector_load %arg12[%swap3A_77, %swap3A_78] {strides = array<i32>} : memref<128x128xf32, #tpu.memory_space<vmem>>, vector<1x16xf32>,
      %swap3A_80 = vector.shape_cast %swap3A_79 : vector<1x16xf32> to vector<16xf32>
      %swap3A_81 = vector.shape_cast %broadcast_in_dim3A_1 : vector<16xf32> to vector<1x16xf32>
      tpu.vector_store %arg12[%swap3A_77, %swap3A_78], %swap3A_81 {strides = array<i32>} : memref<128x128xf32, #tpu.memory_space<vmem>>, vector<1x16xf32>,
    }
    %scan3A_14 = arith.constant 128 : i32
    %broadcast_in_dim3A_15 = arith.constant 0.000000e+00 : f32
    %broadcast_in_dim3A_16 = vector.broadcast %broadcast_in_dim3A_15 : f32 to vector<16xf32>
    %scan3A_17 = arith.constant 0 : i32
    %scan3A_18 = arith.constant 0 : i32
    %scan3A_19 = arith.constant 832 : i32
    %scan3A_20 = arith.addi %scan3A_18, %scan3A_19 : i32
    %scan3A_21 = arith.constant 1 : i32
    scf.for %scan3A_72 = %scan3A_18 to %scan3A_20 step %scan3A_21  : i32 {
      %jit3A = arith.constant 8 : i32
      %div3A = arith.divsi %scan3A_72, %jit3A : i32
      %sign3A = arith.constant 0 : i32
      %sign3A_73 = arith.cmpi sgt, %scan3A_72, %sign3A : i32
      %sign3A_74 = arith.extui %sign3A_73 : i1 to i32
      %sign3A_75 = arith.constant 0 : i32
      %sign3A_76 = arith.cmpi slt, %scan3A_72, %sign3A_75 : i32
      %sign3A_77 = arith.extui %sign3A_76 : i1 to i32
      %sign3A_78 = arith.subi %sign3A_74, %sign3A_77 : i32
      %sign3A_79 = arith.constant 0 : i32
      %sign3A_80 = arith.cmpi sgt, %jit3A, %sign3A_79 : i32
      %sign3A_81 = arith.extui %sign3A_80 : i1 to i32
      %sign3A_82 = arith.constant 0 : i32
      %sign3A_83 = arith.cmpi slt, %jit3A, %sign3A_82 : i32
      %sign3A_84 = arith.extui %sign3A_83 : i1 to i32
      %sign3A_85 = arith.subi %sign3A_81, %sign3A_84 : i32
      %ne3A = arith.cmpi ne, %sign3A_78, %sign3A_85 : i32
      %rem3A = arith.remsi %scan3A_72, %jit3A : i32
      %ne3A_86 = arith.constant 0 : i32
      %ne3A_87 = arith.cmpi ne, %rem3A, %ne3A_86 : i32
      %and3A = arith.andi %ne3A, %ne3A_87 : i1
      %sub3A = arith.constant 1 : i32
      %sub3A_88 = arith.subi %div3A, %sub3A : i32
      %select_n3A = arith.select %and3A, %sub3A_88, %div3A : i32
      %jit3A_89 = arith.constant 8 : i32
      %eq3A_90 = arith.constant 0 : i32
      %eq3A_91 = arith.cmpi eq, %jit3A_89, %eq3A_90 : i32
      %jit3A_92 = arith.constant 1 : i32
      %select_n3A_93 = arith.select %eq3A_91, %jit3A_92, %jit3A_89 : i32
      %rem3A_94 = arith.remsi %scan3A_72, %select_n3A_93 : i32
      %ne3A_95 = arith.constant 0 : i32
      %ne3A_96 = arith.cmpi ne, %rem3A_94, %ne3A_95 : i32
      %lt3A = arith.constant 0 : i32
      %lt3A_97 = arith.cmpi slt, %rem3A_94, %lt3A : i32
      %lt3A_98 = arith.constant 0 : i32
      %lt3A_99 = arith.cmpi slt, %select_n3A_93, %lt3A_98 : i32
      %ne3A_100 = arith.xori %lt3A_97, %lt3A_99 : i1
      %and3A_101 = arith.andi %ne3A_100, %ne3A_96 : i1
      %add3A_102 = arith.addi %rem3A_94, %select_n3A_93 : i32
      %select_n3A_103 = arith.select %and3A_101, %add3A_102, %rem3A_94 : i32
      %mul3A_104 = arith.constant 16 : i32
      %mul3A_105 = arith.muli %select_n3A_103, %mul3A_104 : i32
      %swap3A = arith.index_cast %select_n3A : i32 to index
      %swap3A_106 = arith.index_cast %mul3A_105 : i32 to index
      %swap3A_107 = tpu.vector_load %arg13[%swap3A, %swap3A_106] {strides = array<i32>} : memref<104x128xf32, #tpu.memory_space<vmem>>, vector<1x16xf32>,
      %swap3A_108 = vector.shape_cast %swap3A_107 : vector<1x16xf32> to vector<16xf32>
      %swap3A_109 = vector.shape_cast %broadcast_in_dim3A_16 : vector<16xf32> to vector<1x16xf32>
      tpu.vector_store %arg13[%swap3A, %swap3A_106], %swap3A_109 {strides = array<i32>} : memref<104x128xf32, #tpu.memory_space<vmem>>, vector<1x16xf32>,
    }
    %scan3A_22 = arith.constant 832 : i32
    %mul3A_23 = arith.constant 624 : i32
    %mul3A_24 = arith.muli %arg1, %mul3A_23 : i32
    %add3A_25 = arith.constant 0 : i32
    %add3A_26 = arith.addi %mul3A_24, %add3A_25 : i32
    "tpu.region"() ({
      %run_scoped3A = tpu.sem_alloc : memref<!tpu.dma_semaphore, #tpu.memory_space<semaphore_mem>>
      %dma_start3A_72 = arith.constant 0 : i32
      %dma_start3A_73 = tpu.memref_slice %arg14[%add3A_26, %dma_start3A_72] : memref<10000x128xf32, #tpu.memory_space<vmem_shared>> -> memref<104x128xf32, #tpu.memory_space<vmem_shared>>
      %dma_start3A_74 = arith.constant 0 : i32
      %dma_start3A_75 = tpu.memref_slice %arg14[%add3A_26, %dma_start3A_74] : memref<10000x128xf32, #tpu.memory_space<vmem_shared>> -> memref<104x128xf32, #tpu.memory_space<vmem_shared>>
      tpu.enqueue_dma source(%arg13 : memref<104x128xf32, #tpu.memory_space<vmem>>) target(%dma_start3A_75 : memref<104x128xf32, #tpu.memory_space<vmem_shared>>) target_semaphore(%run_scoped3A : memref<!tpu.dma_semaphore, #tpu.memory_space<semaphore_mem>>)
      %dma_wait3A = arith.constant 0 : i32
      %dma_wait3A_76 = tpu.memref_slice %arg14[%add3A_26, %dma_wait3A] : memref<10000x128xf32, #tpu.memory_space<vmem_shared>> -> memref<104x128xf32, #tpu.memory_space<vmem_shared>>
      %dma_wait3A_77 = arith.constant 0 : i32
      %dma_wait3A_78 = tpu.memref_slice %arg14[%add3A_26, %dma_wait3A_77] : memref<10000x128xf32, #tpu.memory_space<vmem_shared>> -> memref<104x128xf32, #tpu.memory_space<vmem_shared>>
      tpu.wait_dma2 semaphore(%run_scoped3A : memref<!tpu.dma_semaphore, #tpu.memory_space<semaphore_mem>>) src(%arg13 : memref<104x128xf32, #tpu.memory_space<vmem>>) dst(%dma_wait3A_78 : memref<104x128xf32, #tpu.memory_space<vmem_shared>>)
      tpu.yield
    }) : () -> ()
    %add3A_27 = arith.constant 104 : i32
    %add3A_28 = arith.addi %mul3A_24, %add3A_27 : i32
    "tpu.region"() ({
      %run_scoped3A = tpu.sem_alloc : memref<!tpu.dma_semaphore, #tpu.memory_space<semaphore_mem>>
      %dma_start3A_72 = arith.constant 0 : i32
      %dma_start3A_73 = tpu.memref_slice %arg14[%add3A_28, %dma_start3A_72] : memref<10000x128xf32, #tpu.memory_space<vmem_shared>> -> memref<104x128xf32, #tpu.memory_space<vmem_shared>>
      %dma_start3A_74 = arith.constant 0 : i32
      %dma_start3A_75 = tpu.memref_slice %arg14[%add3A_28, %dma_start3A_74] : memref<10000x128xf32, #tpu.memory_space<vmem_shared>> -> memref<104x128xf32, #tpu.memory_space<vmem_shared>>
      tpu.enqueue_dma source(%arg13 : memref<104x128xf32, #tpu.memory_space<vmem>>) target(%dma_start3A_75 : memref<104x128xf32, #tpu.memory_space<vmem_shared>>) target_semaphore(%run_scoped3A : memref<!tpu.dma_semaphore, #tpu.memory_space<semaphore_mem>>)
      %dma_wait3A = arith.constant 0 : i32
      %dma_wait3A_76 = tpu.memref_slice %arg14[%add3A_28, %dma_wait3A] : memref<10000x128xf32, #tpu.memory_space<vmem_shared>> -> memref<104x128xf32, #tpu.memory_space<vmem_shared>>
      %dma_wait3A_77 = arith.constant 0 : i32
      %dma_wait3A_78 = tpu.memref_slice %arg14[%add3A_28, %dma_wait3A_77] : memref<10000x128xf32, #tpu.memory_space<vmem_shared>> -> memref<104x128xf32, #tpu.memory_space<vmem_shared>>
      tpu.wait_dma2 semaphore(%run_scoped3A : memref<!tpu.dma_semaphore, #tpu.memory_space<semaphore_mem>>) src(%arg13 : memref<104x128xf32, #tpu.memory_space<vmem>>) dst(%dma_wait3A_78 : memref<104x128xf32, #tpu.memory_space<vmem_shared>>)
      tpu.yield
    }) : () -> ()
    %add3A_29 = arith.constant 208 : i32
    %add3A_30 = arith.addi %mul3A_24, %add3A_29 : i32
    "tpu.region"() ({
      %run_scoped3A = tpu.sem_alloc : memref<!tpu.dma_semaphore, #tpu.memory_space<semaphore_mem>>
      %dma_start3A_72 = arith.constant 0 : i32
      %dma_start3A_73 = tpu.memref_slice %arg14[%add3A_30, %dma_start3A_72] : memref<10000x128xf32, #tpu.memory_space<vmem_shared>> -> memref<104x128xf32, #tpu.memory_space<vmem_shared>>
      %dma_start3A_74 = arith.constant 0 : i32
      %dma_start3A_75 = tpu.memref_slice %arg14[%add3A_30, %dma_start3A_74] : memref<10000x128xf32, #tpu.memory_space<vmem_shared>> -> memref<104x128xf32, #tpu.memory_space<vmem_shared>>
      tpu.enqueue_dma source(%arg13 : memref<104x128xf32, #tpu.memory_space<vmem>>) target(%dma_start3A_75 : memref<104x128xf32, #tpu.memory_space<vmem_shared>>) target_semaphore(%run_scoped3A : memref<!tpu.dma_semaphore, #tpu.memory_space<semaphore_mem>>)
      %dma_wait3A = arith.constant 0 : i32
      %dma_wait3A_76 = tpu.memref_slice %arg14[%add3A_30, %dma_wait3A] : memref<10000x128xf32, #tpu.memory_space<vmem_shared>> -> memref<104x128xf32, #tpu.memory_space<vmem_shared>>
      %dma_wait3A_77 = arith.constant 0 : i32
      %dma_wait3A_78 = tpu.memref_slice %arg14[%add3A_30, %dma_wait3A_77] : memref<10000x128xf32, #tpu.memory_space<vmem_shared>> -> memref<104x128xf32, #tpu.memory_space<vmem_shared>>
      tpu.wait_dma2 semaphore(%run_scoped3A : memref<!tpu.dma_semaphore, #tpu.memory_space<semaphore_mem>>) src(%arg13 : memref<104x128xf32, #tpu.memory_space<vmem>>) dst(%dma_wait3A_78 : memref<104x128xf32, #tpu.memory_space<vmem_shared>>)
      tpu.yield
    }) : () -> ()
    %add3A_31 = arith.constant 312 : i32
    %add3A_32 = arith.addi %mul3A_24, %add3A_31 : i32
    "tpu.region"() ({
      %run_scoped3A = tpu.sem_alloc : memref<!tpu.dma_semaphore, #tpu.memory_space<semaphore_mem>>
      %dma_start3A_72 = arith.constant 0 : i32
      %dma_start3A_73 = tpu.memref_slice %arg14[%add3A_32, %dma_start3A_72] : memref<10000x128xf32, #tpu.memory_space<vmem_shared>> -> memref<104x128xf32, #tpu.memory_space<vmem_shared>>
      %dma_start3A_74 = arith.constant 0 : i32
      %dma_start3A_75 = tpu.memref_slice %arg14[%add3A_32, %dma_start3A_74] : memref<10000x128xf32, #tpu.memory_space<vmem_shared>> -> memref<104x128xf32, #tpu.memory_space<vmem_shared>>
      tpu.enqueue_dma source(%arg13 : memref<104x128xf32, #tpu.memory_space<vmem>>) target(%dma_start3A_75 : memref<104x128xf32, #tpu.memory_space<vmem_shared>>) target_semaphore(%run_scoped3A : memref<!tpu.dma_semaphore, #tpu.memory_space<semaphore_mem>>)
      %dma_wait3A = arith.constant 0 : i32
      %dma_wait3A_76 = tpu.memref_slice %arg14[%add3A_32, %dma_wait3A] : memref<10000x128xf32, #tpu.memory_space<vmem_shared>> -> memref<104x128xf32, #tpu.memory_space<vmem_shared>>
      %dma_wait3A_77 = arith.constant 0 : i32
      %dma_wait3A_78 = tpu.memref_slice %arg14[%add3A_32, %dma_wait3A_77] : memref<10000x128xf32, #tpu.memory_space<vmem_shared>> -> memref<104x128xf32, #tpu.memory_space<vmem_shared>>
      tpu.wait_dma2 semaphore(%run_scoped3A : memref<!tpu.dma_semaphore, #tpu.memory_space<semaphore_mem>>) src(%arg13 : memref<104x128xf32, #tpu.memory_space<vmem>>) dst(%dma_wait3A_78 : memref<104x128xf32, #tpu.memory_space<vmem_shared>>)
      tpu.yield
    }) : () -> ()
    %add3A_33 = arith.constant 416 : i32
    %add3A_34 = arith.addi %mul3A_24, %add3A_33 : i32
    "tpu.region"() ({
      %run_scoped3A = tpu.sem_alloc : memref<!tpu.dma_semaphore, #tpu.memory_space<semaphore_mem>>
      %dma_start3A_72 = arith.constant 0 : i32
      %dma_start3A_73 = tpu.memref_slice %arg14[%add3A_34, %dma_start3A_72] : memref<10000x128xf32, #tpu.memory_space<vmem_shared>> -> memref<104x128xf32, #tpu.memory_space<vmem_shared>>
      %dma_start3A_74 = arith.constant 0 : i32
      %dma_start3A_75 = tpu.memref_slice %arg14[%add3A_34, %dma_start3A_74] : memref<10000x128xf32, #tpu.memory_space<vmem_shared>> -> memref<104x128xf32, #tpu.memory_space<vmem_shared>>
      tpu.enqueue_dma source(%arg13 : memref<104x128xf32, #tpu.memory_space<vmem>>) target(%dma_start3A_75 : memref<104x128xf32, #tpu.memory_space<vmem_shared>>) target_semaphore(%run_scoped3A : memref<!tpu.dma_semaphore, #tpu.memory_space<semaphore_mem>>)
      %dma_wait3A = arith.constant 0 : i32
      %dma_wait3A_76 = tpu.memref_slice %arg14[%add3A_34, %dma_wait3A] : memref<10000x128xf32, #tpu.memory_space<vmem_shared>> -> memref<104x128xf32, #tpu.memory_space<vmem_shared>>
      %dma_wait3A_77 = arith.constant 0 : i32
      %dma_wait3A_78 = tpu.memref_slice %arg14[%add3A_34, %dma_wait3A_77] : memref<10000x128xf32, #tpu.memory_space<vmem_shared>> -> memref<104x128xf32, #tpu.memory_space<vmem_shared>>
      tpu.wait_dma2 semaphore(%run_scoped3A : memref<!tpu.dma_semaphore, #tpu.memory_space<semaphore_mem>>) src(%arg13 : memref<104x128xf32, #tpu.memory_space<vmem>>) dst(%dma_wait3A_78 : memref<104x128xf32, #tpu.memory_space<vmem_shared>>)
      tpu.yield
    }) : () -> ()
    %add3A_35 = arith.constant 520 : i32
    %add3A_36 = arith.addi %mul3A_24, %add3A_35 : i32
    "tpu.region"() ({
      %run_scoped3A = tpu.sem_alloc : memref<!tpu.dma_semaphore, #tpu.memory_space<semaphore_mem>>
      %dma_start3A_72 = arith.constant 0 : i32
      %dma_start3A_73 = tpu.memref_slice %arg14[%add3A_36, %dma_start3A_72] : memref<10000x128xf32, #tpu.memory_space<vmem_shared>> -> memref<104x128xf32, #tpu.memory_space<vmem_shared>>
      %dma_start3A_74 = arith.constant 0 : i32
      %dma_start3A_75 = tpu.memref_slice %arg14[%add3A_36, %dma_start3A_74] : memref<10000x128xf32, #tpu.memory_space<vmem_shared>> -> memref<104x128xf32, #tpu.memory_space<vmem_shared>>
      tpu.enqueue_dma source(%arg13 : memref<104x128xf32, #tpu.memory_space<vmem>>) target(%dma_start3A_75 : memref<104x128xf32, #tpu.memory_space<vmem_shared>>) target_semaphore(%run_scoped3A : memref<!tpu.dma_semaphore, #tpu.memory_space<semaphore_mem>>)
      %dma_wait3A = arith.constant 0 : i32
      %dma_wait3A_76 = tpu.memref_slice %arg14[%add3A_36, %dma_wait3A] : memref<10000x128xf32, #tpu.memory_space<vmem_shared>> -> memref<104x128xf32, #tpu.memory_space<vmem_shared>>
      %dma_wait3A_77 = arith.constant 0 : i32
      %dma_wait3A_78 = tpu.memref_slice %arg14[%add3A_36, %dma_wait3A_77] : memref<10000x128xf32, #tpu.memory_space<vmem_shared>> -> memref<104x128xf32, #tpu.memory_space<vmem_shared>>
      tpu.wait_dma2 semaphore(%run_scoped3A : memref<!tpu.dma_semaphore, #tpu.memory_space<semaphore_mem>>) src(%arg13 : memref<104x128xf32, #tpu.memory_space<vmem>>) dst(%dma_wait3A_78 : memref<104x128xf32, #tpu.memory_space<vmem_shared>>)
      tpu.yield
    }) : () -> ()
    %eq3A = arith.constant 15 : i32
    %eq3A_37 = arith.cmpi eq, %arg1, %eq3A : i32
    %convert_element_type3A = arith.extui %eq3A_37 : i1 to i32
    %cond3A = arith.constant 0 : i32
    %cond3A_38 = arith.cmpi ne, %convert_element_type3A, %cond3A : i32
    scf.if %cond3A_38 {
      "tpu.region"() ({
        %run_scoped3A = tpu.sem_alloc : memref<!tpu.dma_semaphore, #tpu.memory_space<semaphore_mem>>
        %dma_start3A_72 = arith.constant 0 : i32
        %dma_start3A_73 = arith.constant 0 : i32
        %dma_start3A_74 = tpu.memref_slice %arg13[%dma_start3A_72, %dma_start3A_73] : memref<104x128xf32, #tpu.memory_space<vmem>> -> memref<16x128xf32, #tpu.memory_space<vmem>>
        %dma_start3A_75 = arith.constant 9984 : i32
        %dma_start3A_76 = arith.constant 0 : i32
        %dma_start3A_77 = tpu.memref_slice %arg14[%dma_start3A_75, %dma_start3A_76] : memref<10000x128xf32, #tpu.memory_space<vmem_shared>> -> memref<16x128xf32, #tpu.memory_space<vmem_shared>>
        %dma_start3A_78 = arith.constant 9984 : i32
        %dma_start3A_79 = arith.constant 0 : i32
        %dma_start3A_80 = tpu.memref_slice %arg14[%dma_start3A_78, %dma_start3A_79] : memref<10000x128xf32, #tpu.memory_space<vmem_shared>> -> memref<16x128xf32, #tpu.memory_space<vmem_shared>>
        %dma_start3A_81 = arith.constant 0 : i32
        %dma_start3A_82 = arith.constant 0 : i32
        %dma_start3A_83 = tpu.memref_slice %arg13[%dma_start3A_81, %dma_start3A_82] : memref<104x128xf32, #tpu.memory_space<vmem>> -> memref<16x128xf32, #tpu.memory_space<vmem>>
        tpu.enqueue_dma source(%dma_start3A_83 : memref<16x128xf32, #tpu.memory_space<vmem>>) target(%dma_start3A_80 : memref<16x128xf32, #tpu.memory_space<vmem_shared>>) target_semaphore(%run_scoped3A : memref<!tpu.dma_semaphore, #tpu.memory_space<semaphore_mem>>)
        %dma_wait3A = arith.constant 0 : i32
        %dma_wait3A_84 = arith.constant 0 : i32
        %dma_wait3A_85 = tpu.memref_slice %arg13[%dma_wait3A, %dma_wait3A_84] : memref<104x128xf32, #tpu.memory_space<vmem>> -> memref<16x128xf32, #tpu.memory_space<vmem>>
        %dma_wait3A_86 = arith.constant 9984 : i32
        %dma_wait3A_87 = arith.constant 0 : i32
        %dma_wait3A_88 = tpu.memref_slice %arg14[%dma_wait3A_86, %dma_wait3A_87] : memref<10000x128xf32, #tpu.memory_space<vmem_shared>> -> memref<16x128xf32, #tpu.memory_space<vmem_shared>>
        %dma_wait3A_89 = arith.constant 9984 : i32
        %dma_wait3A_90 = arith.constant 0 : i32
        %dma_wait3A_91 = tpu.memref_slice %arg14[%dma_wait3A_89, %dma_wait3A_90] : memref<10000x128xf32, #tpu.memory_space<vmem_shared>> -> memref<16x128xf32, #tpu.memory_space<vmem_shared>>
        %dma_wait3A_92 = arith.constant 0 : i32
        %dma_wait3A_93 = arith.constant 0 : i32
        %dma_wait3A_94 = tpu.memref_slice %arg13[%dma_wait3A_92, %dma_wait3A_93] : memref<104x128xf32, #tpu.memory_space<vmem>> -> memref<16x128xf32, #tpu.memory_space<vmem>>
        tpu.wait_dma2 semaphore(%run_scoped3A : memref<!tpu.dma_semaphore, #tpu.memory_space<semaphore_mem>>) src(%dma_wait3A_94 : memref<16x128xf32, #tpu.memory_space<vmem>>) dst(%dma_wait3A_91 : memref<16x128xf32, #tpu.memory_space<vmem_shared>>)
        tpu.yield
      }) : () -> ()
    } else {
    }
    %barrier3A = arith.constant 0 : index
    tpu.barrier barrier_id(%barrier3A)
    %mul3A_39 = arith.constant 10000 : i32
    %mul3A_40 = arith.muli %add3A, %mul3A_39 : i32
    %add3A_41 = arith.constant 0 : i32
    %add3A_42 = arith.addi %mul3A_40, %add3A_41 : i32
    "tpu.region"() ({
      %run_scoped3A = tpu.sem_alloc : memref<!tpu.dma_semaphore, #tpu.memory_space<semaphore_mem>>
      %dma_start3A_72 = tpu.memref_slice %arg2[%add3A_42] : memref<320000xi32, #tpu.memory_space<hbm>> -> memref<128xi32, #tpu.memory_space<hbm>>
      %dma_start3A_73 = tpu.memref_slice %arg2[%add3A_42] : memref<320000xi32, #tpu.memory_space<hbm>> -> memref<128xi32, #tpu.memory_space<hbm>>
      tpu.enqueue_dma source(%dma_start3A_73 : memref<128xi32, #tpu.memory_space<hbm>>) target(%arg5 : memref<128xi32, #tpu.memory_space<vmem>>) target_semaphore(%run_scoped3A : memref<!tpu.dma_semaphore, #tpu.memory_space<semaphore_mem>>)
      %dma_wait3A = tpu.memref_slice %arg2[%add3A_42] : memref<320000xi32, #tpu.memory_space<hbm>> -> memref<128xi32, #tpu.memory_space<hbm>>
      %dma_wait3A_74 = tpu.memref_slice %arg2[%add3A_42] : memref<320000xi32, #tpu.memory_space<hbm>> -> memref<128xi32, #tpu.memory_space<hbm>>
      tpu.wait_dma2 semaphore(%run_scoped3A : memref<!tpu.dma_semaphore, #tpu.memory_space<semaphore_mem>>) src(%dma_wait3A_74 : memref<128xi32, #tpu.memory_space<hbm>>) dst(%arg5 : memref<128xi32, #tpu.memory_space<vmem>>)
      tpu.yield
    }) : () -> ()
    "tpu.region"() ({
      %run_scoped3A = tpu.sem_alloc : memref<!tpu.dma_semaphore, #tpu.memory_space<semaphore_mem>>
      %dma_start3A_72 = tpu.memref_slice %arg3[%add3A_42] : memref<320000xi32, #tpu.memory_space<hbm>> -> memref<128xi32, #tpu.memory_space<hbm>>
      %dma_start3A_73 = tpu.memref_slice %arg3[%add3A_42] : memref<320000xi32, #tpu.memory_space<hbm>> -> memref<128xi32, #tpu.memory_space<hbm>>
      tpu.enqueue_dma source(%dma_start3A_73 : memref<128xi32, #tpu.memory_space<hbm>>) target(%arg6 : memref<128xi32, #tpu.memory_space<vmem>>) target_semaphore(%run_scoped3A : memref<!tpu.dma_semaphore, #tpu.memory_space<semaphore_mem>>)
      %dma_wait3A = tpu.memref_slice %arg3[%add3A_42] : memref<320000xi32, #tpu.memory_space<hbm>> -> memref<128xi32, #tpu.memory_space<hbm>>
      %dma_wait3A_74 = tpu.memref_slice %arg3[%add3A_42] : memref<320000xi32, #tpu.memory_space<hbm>> -> memref<128xi32, #tpu.memory_space<hbm>>
      tpu.wait_dma2 semaphore(%run_scoped3A : memref<!tpu.dma_semaphore, #tpu.memory_space<semaphore_mem>>) src(%dma_wait3A_74 : memref<128xi32, #tpu.memory_space<hbm>>) dst(%arg6 : memref<128xi32, #tpu.memory_space<vmem>>)
      tpu.yield
    }) : () -> ()
    %dma_start3A = arith.constant 0 : i32
    %dma_start3A_43 = arith.constant 0 : i32
    %dma_start3A_44 = tpu.memref_slice %arg14[%dma_start3A, %dma_start3A_43] : memref<10000x128xf32, #tpu.memory_space<vmem_shared>> -> memref<10000x128xf32, #tpu.memory_space<vmem_shared>>
    tpu.enqueue_indirect_dma source(%arg11 : memref<128x128xf32, #tpu.memory_space<vmem>>) target(%dma_start3A_44 : memref<10000x128xf32, #tpu.memory_space<vmem_shared>>) offsets(%arg5 : memref<128xi32, #tpu.memory_space<vmem>>) semaphore(%arg15 : memref<!tpu.dma_semaphore, #tpu.memory_space<semaphore_mem>>) {add = true}
    %dma_start3A_45 = arith.constant 0 : i32
    %dma_start3A_46 = arith.constant 0 : i32
    %dma_start3A_47 = tpu.memref_slice %arg14[%dma_start3A_45, %dma_start3A_46] : memref<10000x128xf32, #tpu.memory_space<vmem_shared>> -> memref<10000x128xf32, #tpu.memory_space<vmem_shared>>
    tpu.enqueue_indirect_dma source(%arg12 : memref<128x128xf32, #tpu.memory_space<vmem>>) target(%dma_start3A_47 : memref<10000x128xf32, #tpu.memory_space<vmem_shared>>) offsets(%arg6 : memref<128xi32, #tpu.memory_space<vmem>>) semaphore(%arg16 : memref<!tpu.dma_semaphore, #tpu.memory_space<semaphore_mem>>) {add = true}
    %scan3A_48 = arith.constant 0 : i32
    %scan3A_49 = arith.constant 0 : i32
    %scan3A_50 = arith.constant 39 : i32
    %scan3A_51 = arith.addi %scan3A_49, %scan3A_50 : i32
    %scan3A_52 = arith.constant 1 : i32
    scf.for %scan3A_72 = %scan3A_49 to %scan3A_51 step %scan3A_52  : i32 {
      %mul3A_73 = arith.constant 2 : i32
      %mul3A_74 = arith.muli %mul3A_73, %scan3A_72 : i32
      %add3A_75 = arith.constant 1 : i32
      %add3A_76 = arith.addi %mul3A_74, %add3A_75 : i32
      %mul3A_77 = arith.constant 128 : i32
      %mul3A_78 = arith.muli %add3A_76, %mul3A_77 : i32
      %add3A_79 = arith.addi %mul3A_40, %mul3A_78 : i32
      "tpu.region"() ({
        %run_scoped3A = tpu.sem_alloc : memref<!tpu.dma_semaphore, #tpu.memory_space<semaphore_mem>>
        %dma_start3A_101 = tpu.memref_slice %arg2[%add3A_79] : memref<320000xi32, #tpu.memory_space<hbm>> -> memref<128xi32, #tpu.memory_space<hbm>>
        %dma_start3A_102 = tpu.memref_slice %arg2[%add3A_79] : memref<320000xi32, #tpu.memory_space<hbm>> -> memref<128xi32, #tpu.memory_space<hbm>>
        tpu.enqueue_dma source(%dma_start3A_102 : memref<128xi32, #tpu.memory_space<hbm>>) target(%arg7 : memref<128xi32, #tpu.memory_space<vmem>>) target_semaphore(%run_scoped3A : memref<!tpu.dma_semaphore, #tpu.memory_space<semaphore_mem>>)
        %dma_wait3A_103 = tpu.memref_slice %arg2[%add3A_79] : memref<320000xi32, #tpu.memory_space<hbm>> -> memref<128xi32, #tpu.memory_space<hbm>>
        %dma_wait3A_104 = tpu.memref_slice %arg2[%add3A_79] : memref<320000xi32, #tpu.memory_space<hbm>> -> memref<128xi32, #tpu.memory_space<hbm>>
        tpu.wait_dma2 semaphore(%run_scoped3A : memref<!tpu.dma_semaphore, #tpu.memory_space<semaphore_mem>>) src(%dma_wait3A_104 : memref<128xi32, #tpu.memory_space<hbm>>) dst(%arg7 : memref<128xi32, #tpu.memory_space<vmem>>)
        tpu.yield
      }) : () -> ()
      "tpu.region"() ({
        %run_scoped3A = tpu.sem_alloc : memref<!tpu.dma_semaphore, #tpu.memory_space<semaphore_mem>>
        %dma_start3A_101 = tpu.memref_slice %arg3[%add3A_79] : memref<320000xi32, #tpu.memory_space<hbm>> -> memref<128xi32, #tpu.memory_space<hbm>>
        %dma_start3A_102 = tpu.memref_slice %arg3[%add3A_79] : memref<320000xi32, #tpu.memory_space<hbm>> -> memref<128xi32, #tpu.memory_space<hbm>>
        tpu.enqueue_dma source(%dma_start3A_102 : memref<128xi32, #tpu.memory_space<hbm>>) target(%arg8 : memref<128xi32, #tpu.memory_space<vmem>>) target_semaphore(%run_scoped3A : memref<!tpu.dma_semaphore, #tpu.memory_space<semaphore_mem>>)
        %dma_wait3A_103 = tpu.memref_slice %arg3[%add3A_79] : memref<320000xi32, #tpu.memory_space<hbm>> -> memref<128xi32, #tpu.memory_space<hbm>>
        %dma_wait3A_104 = tpu.memref_slice %arg3[%add3A_79] : memref<320000xi32, #tpu.memory_space<hbm>> -> memref<128xi32, #tpu.memory_space<hbm>>
        tpu.wait_dma2 semaphore(%run_scoped3A : memref<!tpu.dma_semaphore, #tpu.memory_space<semaphore_mem>>) src(%dma_wait3A_104 : memref<128xi32, #tpu.memory_space<hbm>>) dst(%arg8 : memref<128xi32, #tpu.memory_space<vmem>>)
        tpu.yield
      }) : () -> ()
      %dma_start3A_80 = arith.constant 0 : i32
      %dma_start3A_81 = arith.constant 0 : i32
      %dma_start3A_82 = tpu.memref_slice %arg14[%dma_start3A_80, %dma_start3A_81] : memref<10000x128xf32, #tpu.memory_space<vmem_shared>> -> memref<10000x128xf32, #tpu.memory_space<vmem_shared>>
      tpu.enqueue_indirect_dma source(%arg11 : memref<128x128xf32, #tpu.memory_space<vmem>>) target(%dma_start3A_82 : memref<10000x128xf32, #tpu.memory_space<vmem_shared>>) offsets(%arg7 : memref<128xi32, #tpu.memory_space<vmem>>) semaphore(%arg17 : memref<!tpu.dma_semaphore, #tpu.memory_space<semaphore_mem>>) {add = true}
      %dma_start3A_83 = arith.constant 0 : i32
      %dma_start3A_84 = arith.constant 0 : i32
      %dma_start3A_85 = tpu.memref_slice %arg14[%dma_start3A_83, %dma_start3A_84] : memref<10000x128xf32, #tpu.memory_space<vmem_shared>> -> memref<10000x128xf32, #tpu.memory_space<vmem_shared>>
      tpu.enqueue_indirect_dma source(%arg12 : memref<128x128xf32, #tpu.memory_space<vmem>>) target(%dma_start3A_85 : memref<10000x128xf32, #tpu.memory_space<vmem_shared>>) offsets(%arg8 : memref<128xi32, #tpu.memory_space<vmem>>) semaphore(%arg18 : memref<!tpu.dma_semaphore, #tpu.memory_space<semaphore_mem>>) {add = true}
      %dma_wait3A = arith.constant 0 : i32
      %dma_wait3A_86 = arith.constant 0 : i32
      %dma_wait3A_87 = tpu.memref_slice %arg14[%dma_wait3A, %dma_wait3A_86] : memref<10000x128xf32, #tpu.memory_space<vmem_shared>> -> memref<10000x128xf32, #tpu.memory_space<vmem_shared>>
      tpu.wait_indirect_dma semaphore(%arg15 : memref<!tpu.dma_semaphore, #tpu.memory_space<semaphore_mem>>) src(%arg11 : memref<128x128xf32, #tpu.memory_space<vmem>>) dst(%dma_wait3A_87 : memref<10000x128xf32, #tpu.memory_space<vmem_shared>>)
      %dma_wait3A_88 = arith.constant 0 : i32
      %dma_wait3A_89 = arith.constant 0 : i32
      %dma_wait3A_90 = tpu.memref_slice %arg14[%dma_wait3A_88, %dma_wait3A_89] : memref<10000x128xf32, #tpu.memory_space<vmem_shared>> -> memref<10000x128xf32, #tpu.memory_space<vmem_shared>>
      tpu.wait_indirect_dma semaphore(%arg16 : memref<!tpu.dma_semaphore, #tpu.memory_space<semaphore_mem>>) src(%arg12 : memref<128x128xf32, #tpu.memory_space<vmem>>) dst(%dma_wait3A_90 : memref<10000x128xf32, #tpu.memory_space<vmem_shared>>)
      %lt3A = arith.constant 38 : i32
      %lt3A_91 = arith.cmpi slt, %scan3A_72, %lt3A : i32
      %convert_element_type3A_92 = arith.extui %lt3A_91 : i1 to i32
      %cond3A_93 = arith.constant 0 : i32
      %cond3A_94 = arith.cmpi ne, %convert_element_type3A_92, %cond3A_93 : i32
      scf.if %cond3A_94 {
        %mul3A_101 = arith.constant 2 : i32
        %mul3A_102 = arith.muli %mul3A_101, %scan3A_72 : i32
        %add3A_103 = arith.constant 2 : i32
        %add3A_104 = arith.addi %mul3A_102, %add3A_103 : i32
        %mul3A_105 = arith.constant 128 : i32
        %mul3A_106 = arith.muli %add3A_104, %mul3A_105 : i32
        %add3A_107 = arith.addi %mul3A_40, %mul3A_106 : i32
        "tpu.region"() ({
          %run_scoped3A = tpu.sem_alloc : memref<!tpu.dma_semaphore, #tpu.memory_space<semaphore_mem>>
          %dma_start3A_114 = tpu.memref_slice %arg2[%add3A_107] : memref<320000xi32, #tpu.memory_space<hbm>> -> memref<128xi32, #tpu.memory_space<hbm>>
          %dma_start3A_115 = tpu.memref_slice %arg2[%add3A_107] : memref<320000xi32, #tpu.memory_space<hbm>> -> memref<128xi32, #tpu.memory_space<hbm>>
          tpu.enqueue_dma source(%dma_start3A_115 : memref<128xi32, #tpu.memory_space<hbm>>) target(%arg5 : memref<128xi32, #tpu.memory_space<vmem>>) target_semaphore(%run_scoped3A : memref<!tpu.dma_semaphore, #tpu.memory_space<semaphore_mem>>)
          %dma_wait3A_116 = tpu.memref_slice %arg2[%add3A_107] : memref<320000xi32, #tpu.memory_space<hbm>> -> memref<128xi32, #tpu.memory_space<hbm>>
          %dma_wait3A_117 = tpu.memref_slice %arg2[%add3A_107] : memref<320000xi32, #tpu.memory_space<hbm>> -> memref<128xi32, #tpu.memory_space<hbm>>
          tpu.wait_dma2 semaphore(%run_scoped3A : memref<!tpu.dma_semaphore, #tpu.memory_space<semaphore_mem>>) src(%dma_wait3A_117 : memref<128xi32, #tpu.memory_space<hbm>>) dst(%arg5 : memref<128xi32, #tpu.memory_space<vmem>>)
          tpu.yield
        }) : () -> ()
        "tpu.region"() ({
          %run_scoped3A = tpu.sem_alloc : memref<!tpu.dma_semaphore, #tpu.memory_space<semaphore_mem>>
          %dma_start3A_114 = tpu.memref_slice %arg3[%add3A_107] : memref<320000xi32, #tpu.memory_space<hbm>> -> memref<128xi32, #tpu.memory_space<hbm>>
          %dma_start3A_115 = tpu.memref_slice %arg3[%add3A_107] : memref<320000xi32, #tpu.memory_space<hbm>> -> memref<128xi32, #tpu.memory_space<hbm>>
          tpu.enqueue_dma source(%dma_start3A_115 : memref<128xi32, #tpu.memory_space<hbm>>) target(%arg6 : memref<128xi32, #tpu.memory_space<vmem>>) target_semaphore(%run_scoped3A : memref<!tpu.dma_semaphore, #tpu.memory_space<semaphore_mem>>)
          %dma_wait3A_116 = tpu.memref_slice %arg3[%add3A_107] : memref<320000xi32, #tpu.memory_space<hbm>> -> memref<128xi32, #tpu.memory_space<hbm>>
          %dma_wait3A_117 = tpu.memref_slice %arg3[%add3A_107] : memref<320000xi32, #tpu.memory_space<hbm>> -> memref<128xi32, #tpu.memory_space<hbm>>
          tpu.wait_dma2 semaphore(%run_scoped3A : memref<!tpu.dma_semaphore, #tpu.memory_space<semaphore_mem>>) src(%dma_wait3A_117 : memref<128xi32, #tpu.memory_space<hbm>>) dst(%arg6 : memref<128xi32, #tpu.memory_space<vmem>>)
          tpu.yield
        }) : () -> ()
        %dma_start3A_108 = arith.constant 0 : i32
        %dma_start3A_109 = arith.constant 0 : i32
        %dma_start3A_110 = tpu.memref_slice %arg14[%dma_start3A_108, %dma_start3A_109] : memref<10000x128xf32, #tpu.memory_space<vmem_shared>> -> memref<10000x128xf32, #tpu.memory_space<vmem_shared>>
        tpu.enqueue_indirect_dma source(%arg11 : memref<128x128xf32, #tpu.memory_space<vmem>>) target(%dma_start3A_110 : memref<10000x128xf32, #tpu.memory_space<vmem_shared>>) offsets(%arg5 : memref<128xi32, #tpu.memory_space<vmem>>) semaphore(%arg15 : memref<!tpu.dma_semaphore, #tpu.memory_space<semaphore_mem>>) {add = true}
        %dma_start3A_111 = arith.constant 0 : i32
        %dma_start3A_112 = arith.constant 0 : i32
        %dma_start3A_113 = tpu.memref_slice %arg14[%dma_start3A_111, %dma_start3A_112] : memref<10000x128xf32, #tpu.memory_space<vmem_shared>> -> memref<10000x128xf32, #tpu.memory_space<vmem_shared>>
        tpu.enqueue_indirect_dma source(%arg12 : memref<128x128xf32, #tpu.memory_space<vmem>>) target(%dma_start3A_113 : memref<10000x128xf32, #tpu.memory_space<vmem_shared>>) offsets(%arg6 : memref<128xi32, #tpu.memory_space<vmem>>) semaphore(%arg16 : memref<!tpu.dma_semaphore, #tpu.memory_space<semaphore_mem>>) {add = true}
      } else {
      }
      %dma_wait3A_95 = arith.constant 0 : i32
      %dma_wait3A_96 = arith.constant 0 : i32
      %dma_wait3A_97 = tpu.memref_slice %arg14[%dma_wait3A_95, %dma_wait3A_96] : memref<10000x128xf32, #tpu.memory_space<vmem_shared>> -> memref<10000x128xf32, #tpu.memory_space<vmem_shared>>
      tpu.wait_indirect_dma semaphore(%arg17 : memref<!tpu.dma_semaphore, #tpu.memory_space<semaphore_mem>>) src(%arg11 : memref<128x128xf32, #tpu.memory_space<vmem>>) dst(%dma_wait3A_97 : memref<10000x128xf32, #tpu.memory_space<vmem_shared>>)
      %dma_wait3A_98 = arith.constant 0 : i32
      %dma_wait3A_99 = arith.constant 0 : i32
      %dma_wait3A_100 = tpu.memref_slice %arg14[%dma_wait3A_98, %dma_wait3A_99] : memref<10000x128xf32, #tpu.memory_space<vmem_shared>> -> memref<10000x128xf32, #tpu.memory_space<vmem_shared>>
      tpu.wait_indirect_dma semaphore(%arg18 : memref<!tpu.dma_semaphore, #tpu.memory_space<semaphore_mem>>) src(%arg12 : memref<128x128xf32, #tpu.memory_space<vmem>>) dst(%dma_wait3A_100 : memref<10000x128xf32, #tpu.memory_space<vmem_shared>>)
    }
    %scan3A_53 = arith.constant 39 : i32
    %add3A_54 = arith.constant 9984 : i32
    %add3A_55 = arith.addi %mul3A_40, %add3A_54 : i32
    "tpu.region"() ({
      %run_scoped3A = tpu.sem_alloc : memref<!tpu.dma_semaphore, #tpu.memory_space<semaphore_mem>>
      %dma_start3A_72 = tpu.memref_slice %arg2[%add3A_55] : memref<320000xi32, #tpu.memory_space<hbm>> -> memref<16xi32, #tpu.memory_space<hbm>>
      %dma_start3A_73 = tpu.memref_slice %arg2[%add3A_55] : memref<320000xi32, #tpu.memory_space<hbm>> -> memref<16xi32, #tpu.memory_space<hbm>>
      tpu.enqueue_dma source(%dma_start3A_73 : memref<16xi32, #tpu.memory_space<hbm>>) target(%arg9 : memref<16xi32, #tpu.memory_space<vmem>>) target_semaphore(%run_scoped3A : memref<!tpu.dma_semaphore, #tpu.memory_space<semaphore_mem>>)
      %dma_wait3A = tpu.memref_slice %arg2[%add3A_55] : memref<320000xi32, #tpu.memory_space<hbm>> -> memref<16xi32, #tpu.memory_space<hbm>>
      %dma_wait3A_74 = tpu.memref_slice %arg2[%add3A_55] : memref<320000xi32, #tpu.memory_space<hbm>> -> memref<16xi32, #tpu.memory_space<hbm>>
      tpu.wait_dma2 semaphore(%run_scoped3A : memref<!tpu.dma_semaphore, #tpu.memory_space<semaphore_mem>>) src(%dma_wait3A_74 : memref<16xi32, #tpu.memory_space<hbm>>) dst(%arg9 : memref<16xi32, #tpu.memory_space<vmem>>)
      tpu.yield
    }) : () -> ()
    "tpu.region"() ({
      %run_scoped3A = tpu.sem_alloc : memref<!tpu.dma_semaphore, #tpu.memory_space<semaphore_mem>>
      %dma_start3A_72 = tpu.memref_slice %arg3[%add3A_55] : memref<320000xi32, #tpu.memory_space<hbm>> -> memref<16xi32, #tpu.memory_space<hbm>>
      %dma_start3A_73 = tpu.memref_slice %arg3[%add3A_55] : memref<320000xi32, #tpu.memory_space<hbm>> -> memref<16xi32, #tpu.memory_space<hbm>>
      tpu.enqueue_dma source(%dma_start3A_73 : memref<16xi32, #tpu.memory_space<hbm>>) target(%arg10 : memref<16xi32, #tpu.memory_space<vmem>>) target_semaphore(%run_scoped3A : memref<!tpu.dma_semaphore, #tpu.memory_space<semaphore_mem>>)
      %dma_wait3A = tpu.memref_slice %arg3[%add3A_55] : memref<320000xi32, #tpu.memory_space<hbm>> -> memref<16xi32, #tpu.memory_space<hbm>>
      %dma_wait3A_74 = tpu.memref_slice %arg3[%add3A_55] : memref<320000xi32, #tpu.memory_space<hbm>> -> memref<16xi32, #tpu.memory_space<hbm>>
      tpu.wait_dma2 semaphore(%run_scoped3A : memref<!tpu.dma_semaphore, #tpu.memory_space<semaphore_mem>>) src(%dma_wait3A_74 : memref<16xi32, #tpu.memory_space<hbm>>) dst(%arg10 : memref<16xi32, #tpu.memory_space<vmem>>)
      tpu.yield
    }) : () -> ()
    "tpu.region"() ({
      %run_scoped3A = tpu.sem_alloc : memref<!tpu.dma_semaphore, #tpu.memory_space<semaphore_mem>>
      %dma_start3A_72 = arith.constant 0 : i32
      %dma_start3A_73 = arith.constant 0 : i32
      %dma_start3A_74 = tpu.memref_slice %arg11[%dma_start3A_72, %dma_start3A_73] : memref<128x128xf32, #tpu.memory_space<vmem>> -> memref<16x128xf32, #tpu.memory_space<vmem>>
      %dma_start3A_75 = arith.constant 0 : i32
      %dma_start3A_76 = arith.constant 0 : i32
      %dma_start3A_77 = tpu.memref_slice %arg14[%dma_start3A_75, %dma_start3A_76] : memref<10000x128xf32, #tpu.memory_space<vmem_shared>> -> memref<10000x128xf32, #tpu.memory_space<vmem_shared>>
      tpu.enqueue_indirect_dma source(%dma_start3A_74 : memref<16x128xf32, #tpu.memory_space<vmem>>) target(%dma_start3A_77 : memref<10000x128xf32, #tpu.memory_space<vmem_shared>>) offsets(%arg9 : memref<16xi32, #tpu.memory_space<vmem>>) semaphore(%run_scoped3A : memref<!tpu.dma_semaphore, #tpu.memory_space<semaphore_mem>>) {add = true}
      %dma_wait3A = arith.constant 0 : i32
      %dma_wait3A_78 = arith.constant 0 : i32
      %dma_wait3A_79 = tpu.memref_slice %arg11[%dma_wait3A, %dma_wait3A_78] : memref<128x128xf32, #tpu.memory_space<vmem>> -> memref<16x128xf32, #tpu.memory_space<vmem>>
      %dma_wait3A_80 = arith.constant 0 : i32
      %dma_wait3A_81 = arith.constant 0 : i32
      %dma_wait3A_82 = tpu.memref_slice %arg14[%dma_wait3A_80, %dma_wait3A_81] : memref<10000x128xf32, #tpu.memory_space<vmem_shared>> -> memref<10000x128xf32, #tpu.memory_space<vmem_shared>>
      tpu.wait_indirect_dma semaphore(%run_scoped3A : memref<!tpu.dma_semaphore, #tpu.memory_space<semaphore_mem>>) src(%dma_wait3A_79 : memref<16x128xf32, #tpu.memory_space<vmem>>) dst(%dma_wait3A_82 : memref<10000x128xf32, #tpu.memory_space<vmem_shared>>)
      tpu.yield
    }) : () -> ()
    "tpu.region"() ({
      %run_scoped3A = tpu.sem_alloc : memref<!tpu.dma_semaphore, #tpu.memory_space<semaphore_mem>>
      %dma_start3A_72 = arith.constant 0 : i32
      %dma_start3A_73 = arith.constant 0 : i32
      %dma_start3A_74 = tpu.memref_slice %arg12[%dma_start3A_72, %dma_start3A_73] : memref<128x128xf32, #tpu.memory_space<vmem>> -> memref<16x128xf32, #tpu.memory_space<vmem>>
      %dma_start3A_75 = arith.constant 0 : i32
      %dma_start3A_76 = arith.constant 0 : i32
      %dma_start3A_77 = tpu.memref_slice %arg14[%dma_start3A_75, %dma_start3A_76] : memref<10000x128xf32, #tpu.memory_space<vmem_shared>> -> memref<10000x128xf32, #tpu.memory_space<vmem_shared>>
      tpu.enqueue_indirect_dma source(%dma_start3A_74 : memref<16x128xf32, #tpu.memory_space<vmem>>) target(%dma_start3A_77 : memref<10000x128xf32, #tpu.memory_space<vmem_shared>>) offsets(%arg10 : memref<16xi32, #tpu.memory_space<vmem>>) semaphore(%run_scoped3A : memref<!tpu.dma_semaphore, #tpu.memory_space<semaphore_mem>>) {add = true}
      %dma_wait3A = arith.constant 0 : i32
      %dma_wait3A_78 = arith.constant 0 : i32
      %dma_wait3A_79 = tpu.memref_slice %arg12[%dma_wait3A, %dma_wait3A_78] : memref<128x128xf32, #tpu.memory_space<vmem>> -> memref<16x128xf32, #tpu.memory_space<vmem>>
      %dma_wait3A_80 = arith.constant 0 : i32
      %dma_wait3A_81 = arith.constant 0 : i32
      %dma_wait3A_82 = tpu.memref_slice %arg14[%dma_wait3A_80, %dma_wait3A_81] : memref<10000x128xf32, #tpu.memory_space<vmem_shared>> -> memref<10000x128xf32, #tpu.memory_space<vmem_shared>>
      tpu.wait_indirect_dma semaphore(%run_scoped3A : memref<!tpu.dma_semaphore, #tpu.memory_space<semaphore_mem>>) src(%dma_wait3A_79 : memref<16x128xf32, #tpu.memory_space<vmem>>) dst(%dma_wait3A_82 : memref<10000x128xf32, #tpu.memory_space<vmem_shared>>)
      tpu.yield
    }) : () -> ()
    %barrier3A_56 = arith.constant 0 : index
    tpu.barrier barrier_id(%barrier3A_56)
    %mul3A_57 = arith.constant 624 : i32
    %mul3A_58 = arith.muli %arg1, %mul3A_57 : i32
    %add3A_59 = arith.constant 0 : i32
    %add3A_60 = arith.addi %mul3A_58, %add3A_59 : i32
    %add3A_61 = arith.constant 0 : i32
    %add3A_62 = arith.addi %mul3A_58, %add3A_61 : i32
    "tpu.region"() ({
      %run_scoped3A = tpu.sem_alloc : memref<!tpu.dma_semaphore, #tpu.memory_space<semaphore_mem>>
      %dma_start3A_72 = arith.constant 0 : i32
      %dma_start3A_73 = tpu.memref_slice %arg4[%arg0, %add3A_62, %dma_start3A_72] : memref<2x10000x128xf32, #tpu.memory_space<hbm>> -> memref<1x312x128xf32, #tpu.memory_space<hbm>>
      %dma_start3A_74 = tpu.memref_squeeze %dma_start3A_73 : memref<1x312x128xf32, #tpu.memory_space<hbm>> -> memref<312x128xf32, #tpu.memory_space<hbm>>
      %dma_start3A_75 = arith.constant 0 : i32
      %dma_start3A_76 = tpu.memref_slice %arg14[%add3A_60, %dma_start3A_75] : memref<10000x128xf32, #tpu.memory_space<vmem_shared>> -> memref<312x128xf32, #tpu.memory_space<vmem_shared>>
      tpu.enqueue_dma source(%dma_start3A_76 : memref<312x128xf32, #tpu.memory_space<vmem_shared>>) target(%dma_start3A_74 : memref<312x128xf32, #tpu.memory_space<hbm>>) target_semaphore(%run_scoped3A : memref<!tpu.dma_semaphore, #tpu.memory_space<semaphore_mem>>)
      %dma_wait3A = arith.constant 0 : i32
      %dma_wait3A_77 = tpu.memref_slice %arg4[%arg0, %add3A_62, %dma_wait3A] : memref<2x10000x128xf32, #tpu.memory_space<hbm>> -> memref<1x312x128xf32, #tpu.memory_space<hbm>>
      %dma_wait3A_78 = tpu.memref_squeeze %dma_wait3A_77 : memref<1x312x128xf32, #tpu.memory_space<hbm>> -> memref<312x128xf32, #tpu.memory_space<hbm>>
      %dma_wait3A_79 = arith.constant 0 : i32
      %dma_wait3A_80 = tpu.memref_slice %arg14[%add3A_60, %dma_wait3A_79] : memref<10000x128xf32, #tpu.memory_space<vmem_shared>> -> memref<312x128xf32, #tpu.memory_space<vmem_shared>>
      tpu.wait_dma2 semaphore(%run_scoped3A : memref<!tpu.dma_semaphore, #tpu.memory_space<semaphore_mem>>) src(%dma_wait3A_80 : memref<312x128xf32, #tpu.memory_space<vmem_shared>>) dst(%dma_wait3A_78 : memref<312x128xf32, #tpu.memory_space<hbm>>)
      tpu.yield
    }) : () -> ()
    %add3A_63 = arith.constant 312 : i32
    %add3A_64 = arith.addi %mul3A_58, %add3A_63 : i32
    %add3A_65 = arith.constant 312 : i32
    %add3A_66 = arith.addi %mul3A_58, %add3A_65 : i32
    "tpu.region"() ({
      %run_scoped3A = tpu.sem_alloc : memref<!tpu.dma_semaphore, #tpu.memory_space<semaphore_mem>>
      %dma_start3A_72 = arith.constant 0 : i32
      %dma_start3A_73 = tpu.memref_slice %arg4[%arg0, %add3A_66, %dma_start3A_72] : memref<2x10000x128xf32, #tpu.memory_space<hbm>> -> memref<1x312x128xf32, #tpu.memory_space<hbm>>
      %dma_start3A_74 = tpu.memref_squeeze %dma_start3A_73 : memref<1x312x128xf32, #tpu.memory_space<hbm>> -> memref<312x128xf32, #tpu.memory_space<hbm>>
      %dma_start3A_75 = arith.constant 0 : i32
      %dma_start3A_76 = tpu.memref_slice %arg14[%add3A_64, %dma_start3A_75] : memref<10000x128xf32, #tpu.memory_space<vmem_shared>> -> memref<312x128xf32, #tpu.memory_space<vmem_shared>>
      tpu.enqueue_dma source(%dma_start3A_76 : memref<312x128xf32, #tpu.memory_space<vmem_shared>>) target(%dma_start3A_74 : memref<312x128xf32, #tpu.memory_space<hbm>>) target_semaphore(%run_scoped3A : memref<!tpu.dma_semaphore, #tpu.memory_space<semaphore_mem>>)
      %dma_wait3A = arith.constant 0 : i32
      %dma_wait3A_77 = tpu.memref_slice %arg4[%arg0, %add3A_66, %dma_wait3A] : memref<2x10000x128xf32, #tpu.memory_space<hbm>> -> memref<1x312x128xf32, #tpu.memory_space<hbm>>
      %dma_wait3A_78 = tpu.memref_squeeze %dma_wait3A_77 : memref<1x312x128xf32, #tpu.memory_space<hbm>> -> memref<312x128xf32, #tpu.memory_space<hbm>>
      %dma_wait3A_79 = arith.constant 0 : i32
      %dma_wait3A_80 = tpu.memref_slice %arg14[%add3A_64, %dma_wait3A_79] : memref<10000x128xf32, #tpu.memory_space<vmem_shared>> -> memref<312x128xf32, #tpu.memory_space<vmem_shared>>
      tpu.wait_dma2 semaphore(%run_scoped3A : memref<!tpu.dma_semaphore, #tpu.memory_space<semaphore_mem>>) src(%dma_wait3A_80 : memref<312x128xf32, #tpu.memory_space<vmem_shared>>) dst(%dma_wait3A_78 : memref<312x128xf32, #tpu.memory_space<hbm>>)
      tpu.yield
    }) : () -> ()
    %eq3A_67 = arith.constant 15 : i32
    %eq3A_68 = arith.cmpi eq, %arg1, %eq3A_67 : i32
    %convert_element_type3A_69 = arith.extui %eq3A_68 : i1 to i32
    %cond3A_70 = arith.constant 0 : i32
    %cond3A_71 = arith.cmpi ne, %convert_element_type3A_69, %cond3A_70 : i32
    scf.if %cond3A_71 {
      "tpu.region"() ({
        %run_scoped3A = tpu.sem_alloc : memref<!tpu.dma_semaphore, #tpu.memory_space<semaphore_mem>>
        %dma_start3A_72 = arith.constant 9984 : i32
        %dma_start3A_73 = arith.constant 0 : i32
        %dma_start3A_74 = tpu.memref_slice %arg4[%arg0, %dma_start3A_72, %dma_start3A_73] : memref<2x10000x128xf32, #tpu.memory_space<hbm>> -> memref<1x16x128xf32, #tpu.memory_space<hbm>>
        %dma_start3A_75 = tpu.memref_squeeze %dma_start3A_74 : memref<1x16x128xf32, #tpu.memory_space<hbm>> -> memref<16x128xf32, #tpu.memory_space<hbm>>
        %dma_start3A_76 = arith.constant 9984 : i32
        %dma_start3A_77 = arith.constant 0 : i32
        %dma_start3A_78 = tpu.memref_slice %arg14[%dma_start3A_76, %dma_start3A_77] : memref<10000x128xf32, #tpu.memory_space<vmem_shared>> -> memref<16x128xf32, #tpu.memory_space<vmem_shared>>
        tpu.enqueue_dma source(%dma_start3A_78 : memref<16x128xf32, #tpu.memory_space<vmem_shared>>) target(%dma_start3A_75 : memref<16x128xf32, #tpu.memory_space<hbm>>) target_semaphore(%run_scoped3A : memref<!tpu.dma_semaphore, #tpu.memory_space<semaphore_mem>>)
        %dma_wait3A = arith.constant 9984 : i32
        %dma_wait3A_79 = arith.constant 0 : i32
        %dma_wait3A_80 = tpu.memref_slice %arg4[%arg0, %dma_wait3A, %dma_wait3A_79] : memref<2x10000x128xf32, #tpu.memory_space<hbm>> -> memref<1x16x128xf32, #tpu.memory_space<hbm>>
        %dma_wait3A_81 = tpu.memref_squeeze %dma_wait3A_80 : memref<1x16x128xf32, #tpu.memory_space<hbm>> -> memref<16x128xf32, #tpu.memory_space<hbm>>
        %dma_wait3A_82 = arith.constant 9984 : i32
        %dma_wait3A_83 = arith.constant 0 : i32
        %dma_wait3A_84 = tpu.memref_slice %arg14[%dma_wait3A_82, %dma_wait3A_83] : memref<10000x128xf32, #tpu.memory_space<vmem_shared>> -> memref<16x128xf32, #tpu.memory_space<vmem_shared>>
        tpu.wait_dma2 semaphore(%run_scoped3A : memref<!tpu.dma_semaphore, #tpu.memory_space<semaphore_mem>>) src(%dma_wait3A_84 : memref<16x128xf32, #tpu.memory_space<vmem_shared>>) dst(%dma_wait3A_81 : memref<16x128xf32, #tpu.memory_space<hbm>>)
        tpu.yield
      }) : () -> ()
    } else {
    }
    return
  }
}

module attributes {stable_mosaic.version = 14 : i64} {
  func.func @_sup_body(%arg0: memref<10000x128xf32, #tpu.memory_space<vmem>>, %arg1: memref<10000x128xf32, #tpu.memory_space<vmem>>, %arg2: memref<10000x128xf32, #tpu.memory_space<vmem>>, %arg3: memref<128x128xf32, #tpu.memory_space<vmem>>, %arg4: memref<1x128xf32, #tpu.memory_space<vmem>>, %arg5: memref<10000x128xf32, #tpu.memory_space<vmem>>, %arg6: memref<10000x1xf32, #tpu.memory_space<vmem>>, %arg7: memref<10000x1xf32, #tpu.memory_space<vmem>>) attributes {dimension_semantics = [], scalar_prefetch = 0 : i64, scratch_operands = 0 : i64, tpu.core_type = #tpu.core_type<tc>} {
    %get3A = arith.constant 0 : index
    %get3A_0 = arith.constant 0 : index
    %get3A_1 = vector.load %arg0[%get3A, %get3A_0] : memref<10000x128xf32, #tpu.memory_space<vmem>>, vector<10000x1xf32>
    %get3A_2 = arith.constant 0 : index
    %get3A_3 = arith.constant 0 : index
    %get3A_4 = vector.load %arg1[%get3A_2, %get3A_3] : memref<10000x128xf32, #tpu.memory_space<vmem>>, vector<10000x1xf32>
    %add3A = arith.addf %get3A_1, %get3A_4 : vector<10000x1xf32>
    %get3A_5 = arith.constant 0 : index
    %get3A_6 = arith.constant 64 : index
    %get3A_7 = vector.load %arg0[%get3A_5, %get3A_6] : memref<10000x128xf32, #tpu.memory_space<vmem>>, vector<10000x1xf32>
    %get3A_8 = arith.constant 0 : index
    %get3A_9 = arith.constant 64 : index
    %get3A_10 = vector.load %arg1[%get3A_8, %get3A_9] : memref<10000x128xf32, #tpu.memory_space<vmem>>, vector<10000x1xf32>
    %add3A_11 = arith.addf %get3A_7, %get3A_10 : vector<10000x1xf32>
    %max3A = arith.constant 1.000000e+00 : f32
    %max3A_12 = vector.broadcast %max3A : f32 to vector<10000x1xf32>
    %max3A_13 = arith.maximumf %add3A_11, %max3A_12 : vector<10000x1xf32>
    %rsqrt3A = math.rsqrt %max3A_13 : vector<10000x1xf32>
    %max3A_14 = arith.constant 1.000000e+00 : f32
    %max3A_15 = vector.broadcast %max3A_14 : f32 to vector<10000x1xf32>
    %max3A_16 = arith.maximumf %add3A, %max3A_15 : vector<10000x1xf32>
    %rsqrt3A_17 = math.rsqrt %max3A_16 : vector<10000x1xf32>
    %swap3A = arith.constant 0 : index
    %swap3A_18 = arith.constant 0 : index
    %swap3A_19 = vector.load %arg6[%swap3A, %swap3A_18] : memref<10000x1xf32, #tpu.memory_space<vmem>>, vector<10000x1xf32>
    tpu.vector_store %arg6[%swap3A, %swap3A_18], %rsqrt3A_17 {strides = array<i32>} : memref<10000x1xf32, #tpu.memory_space<vmem>>, vector<10000x1xf32>,
    %swap3A_20 = arith.constant 0 : index
    %swap3A_21 = arith.constant 0 : index
    %swap3A_22 = vector.load %arg7[%swap3A_20, %swap3A_21] : memref<10000x1xf32, #tpu.memory_space<vmem>>, vector<10000x1xf32>
    tpu.vector_store %arg7[%swap3A_20, %swap3A_21], %add3A_11 {strides = array<i32>} : memref<10000x1xf32, #tpu.memory_space<vmem>>, vector<10000x1xf32>,
    %get3A_23 = arith.constant 0 : index
    %get3A_24 = arith.constant 0 : index
    %get3A_25 = vector.load %arg2[%get3A_23, %get3A_24] : memref<10000x128xf32, #tpu.memory_space<vmem>>, vector<10000x128xf32>
    %get3A_26 = arith.constant 0 : index
    %get3A_27 = arith.constant 0 : index
    %get3A_28 = vector.load %arg3[%get3A_26, %get3A_27] : memref<128x128xf32, #tpu.memory_space<vmem>>, vector<128x128xf32>
    %dot_general3A = arith.constant dense<0.000000e+00> : vector<10000x128xf32>
    %dot_general3A_29 = tpu.matmul %get3A_25, %get3A_28, %dot_general3A {dimension_numbers = #tpu.dot_dimension_numbers<[1], [0], [0], [1], [0, 0, 1, 1], [], []>, transpose_lhs_hint = false} : vector<10000x128xf32>, vector<128x128xf32>, vector<10000x128xf32> -> vector<10000x128xf32>
    %get3A_30 = arith.constant 0 : index
    %get3A_31 = arith.constant 0 : index
    %get3A_32 = vector.load %arg4[%get3A_30, %get3A_31] : memref<1x128xf32, #tpu.memory_space<vmem>>, vector<1x128xf32>
    %add3A_33 = vector.broadcast %get3A_32 : vector<1x128xf32> to vector<10000x128xf32>
    %add3A_34 = arith.addf %dot_general3A_29, %add3A_33 : vector<10000x128xf32>
    %mul3A = vector.broadcast %rsqrt3A : vector<10000x1xf32> to vector<10000x128xf32>
    %mul3A_35 = arith.mulf %add3A_34, %mul3A : vector<10000x128xf32>
    %swap3A_36 = arith.constant 0 : index
    %swap3A_37 = arith.constant 0 : index
    %swap3A_38 = vector.load %arg5[%swap3A_36, %swap3A_37] : memref<10000x128xf32, #tpu.memory_space<vmem>>, vector<10000x128xf32>
    tpu.vector_store %arg5[%swap3A_36, %swap3A_37], %mul3A_35 {strides = array<i32>} : memref<10000x128xf32, #tpu.memory_space<vmem>>, vector<10000x128xf32>,
    return
  }
}

module attributes {stable_mosaic.version = 14 : i64} {
  func.func @_assign_body(%arg0: memref<10000x128xf32, #tpu.memory_space<vmem>>, %arg1: memref<10000x128xf32, #tpu.memory_space<vmem>>, %arg2: memref<10000x1xf32, #tpu.memory_space<vmem>>, %arg3: memref<128x16xf32, #tpu.memory_space<vmem>>, %arg4: memref<1x16xf32, #tpu.memory_space<vmem>>, %arg5: memref<10000x1xf32, #tpu.memory_space<vmem>>, %arg6: memref<10000x128xf32, #tpu.memory_space<vmem>>, %arg7: memref<1x16xf32, #tpu.memory_space<vmem>>, %arg8: memref<1x16xf32, #tpu.memory_space<vmem>>) attributes {dimension_semantics = [], scalar_prefetch = 0 : i64, scratch_operands = 0 : i64, tpu.core_type = #tpu.core_type<tc>} {
    %get3A = arith.constant 0 : index
    %get3A_0 = arith.constant 0 : index
    %get3A_1 = vector.load %arg0[%get3A, %get3A_0] : memref<10000x128xf32, #tpu.memory_space<vmem>>, vector<10000x128xf32>
    %get3A_2 = arith.constant 0 : index
    %get3A_3 = arith.constant 0 : index
    %get3A_4 = vector.load %arg1[%get3A_2, %get3A_3] : memref<10000x128xf32, #tpu.memory_space<vmem>>, vector<10000x128xf32>
    %add3A = arith.addf %get3A_1, %get3A_4 : vector<10000x128xf32>
    %get3A_5 = arith.constant 0 : index
    %get3A_6 = arith.constant 0 : index
    %get3A_7 = vector.load %arg2[%get3A_5, %get3A_6] : memref<10000x1xf32, #tpu.memory_space<vmem>>, vector<10000x1xf32>
    %mul3A = vector.broadcast %get3A_7 : vector<10000x1xf32> to vector<10000x128xf32>
    %mul3A_8 = arith.mulf %add3A, %mul3A : vector<10000x128xf32>
    %gt3A = arith.constant 0.000000e+00 : f32
    %gt3A_9 = vector.broadcast %gt3A : f32 to vector<10000x128xf32>
    %gt3A_10 = arith.cmpf ogt, %mul3A_8, %gt3A_9 : vector<10000x128xf32>
    %exp3A = math.exp %mul3A_8 : vector<10000x128xf32>
    %sub3A = arith.constant 1.000000e+00 : f32
    %sub3A_11 = vector.broadcast %sub3A : f32 to vector<10000x128xf32>
    %sub3A_12 = arith.subf %exp3A, %sub3A_11 : vector<10000x128xf32>
    %mul3A_13 = arith.constant 1.67326319 : f32
    %mul3A_14 = vector.broadcast %mul3A_13 : f32 to vector<10000x128xf32>
    %mul3A_15 = arith.mulf %mul3A_14, %sub3A_12 : vector<10000x128xf32>
    %select_n3A = arith.select %gt3A_10, %mul3A_8, %mul3A_15 : vector<10000x128xi1>, vector<10000x128xf32>
    %mul3A_16 = arith.constant 1.05070102 : f32
    %mul3A_17 = vector.broadcast %mul3A_16 : f32 to vector<10000x128xf32>
    %mul3A_18 = arith.mulf %mul3A_17, %select_n3A : vector<10000x128xf32>
    %get3A_19 = arith.constant 0 : index
    %get3A_20 = arith.constant 0 : index
    %get3A_21 = vector.load %arg3[%get3A_19, %get3A_20] : memref<128x16xf32, #tpu.memory_space<vmem>>, vector<128x16xf32>
    %dot_general3A = arith.constant dense<0.000000e+00> : vector<10000x16xf32>
    %dot_general3A_22 = tpu.matmul %mul3A_18, %get3A_21, %dot_general3A {dimension_numbers = #tpu.dot_dimension_numbers<[1], [0], [0], [1], [0, 0, 1, 1], [], []>, transpose_lhs_hint = false} : vector<10000x128xf32>, vector<128x16xf32>, vector<10000x16xf32> -> vector<10000x16xf32>
    %get3A_23 = arith.constant 0 : index
    %get3A_24 = arith.constant 0 : index
    %get3A_25 = vector.load %arg4[%get3A_23, %get3A_24] : memref<1x16xf32, #tpu.memory_space<vmem>>, vector<1x16xf32>
    %add3A_26 = vector.broadcast %get3A_25 : vector<1x16xf32> to vector<10000x16xf32>
    %add3A_27 = arith.addf %dot_general3A_22, %add3A_26 : vector<10000x16xf32>
    %reduce_max3A = arith.constant dense<0xFF800000> : vector<10000xf32>
    %reduce_max3A_28 = vector.multi_reduction <maximumf>, %add3A_27, %reduce_max3A [1] : vector<10000x16xf32> to vector<10000xf32>
    %broadcast_in_dim3A = vector.shape_cast %reduce_max3A_28 : vector<10000xf32> to vector<10000x1xf32>
    %sub3A_29 = vector.broadcast %broadcast_in_dim3A : vector<10000x1xf32> to vector<10000x16xf32>
    %sub3A_30 = arith.subf %add3A_27, %sub3A_29 : vector<10000x16xf32>
    %exp3A_31 = math.exp %sub3A_30 : vector<10000x16xf32>
    %reduce_sum3A = arith.constant dense<0.000000e+00> : vector<10000xf32>
    %reduce_sum3A_32 = vector.multi_reduction <add>, %exp3A_31, %reduce_sum3A [1] : vector<10000x16xf32> to vector<10000xf32>
    %broadcast_in_dim3A_33 = vector.shape_cast %reduce_sum3A_32 : vector<10000xf32> to vector<10000x1xf32>
    %div3A = vector.broadcast %broadcast_in_dim3A_33 : vector<10000x1xf32> to vector<10000x16xf32>
    %div3A_34 = arith.divf %exp3A_31, %div3A : vector<10000x16xf32>
    %broadcast_in_dim3A_35 = arith.constant 0.000000e+00 : f32
    %broadcast_in_dim3A_36 = vector.broadcast %broadcast_in_dim3A_35 : f32 to vector<10000x112xf32>
    %concatenate3A = tpu.concatenate %div3A_34, %broadcast_in_dim3A_36 in 1 : vector<10000x16xf32>, vector<10000x112xf32> -> vector<10000x128xf32>
    %swap3A = arith.constant 0 : index
    %swap3A_37 = arith.constant 0 : index
    %swap3A_38 = vector.load %arg6[%swap3A, %swap3A_37] : memref<10000x128xf32, #tpu.memory_space<vmem>>, vector<10000x128xf32>
    tpu.vector_store %arg6[%swap3A, %swap3A_37], %concatenate3A {strides = array<i32>} : memref<10000x128xf32, #tpu.memory_space<vmem>>, vector<10000x128xf32>,
    %reduce_sum3A_39 = arith.constant dense<0.000000e+00> : vector<16xf32>
    %reduce_sum3A_40 = vector.multi_reduction <add>, %div3A_34, %reduce_sum3A_39 [0] : vector<10000x16xf32> to vector<16xf32>
    %broadcast_in_dim3A_41 = vector.shape_cast %reduce_sum3A_40 : vector<16xf32> to vector<1x16xf32>
    %swap3A_42 = arith.constant 0 : index
    %swap3A_43 = arith.constant 0 : index
    %swap3A_44 = vector.load %arg7[%swap3A_42, %swap3A_43] : memref<1x16xf32, #tpu.memory_space<vmem>>, vector<1x16xf32>
    tpu.vector_store %arg7[%swap3A_42, %swap3A_43], %broadcast_in_dim3A_41 {strides = array<i32>} : memref<1x16xf32, #tpu.memory_space<vmem>>, vector<1x16xf32>,
    %get3A_45 = arith.constant 0 : index
    %get3A_46 = arith.constant 0 : index
    %get3A_47 = vector.load %arg5[%get3A_45, %get3A_46] : memref<10000x1xf32, #tpu.memory_space<vmem>>, vector<10000x1xf32>
    %mul3A_48 = vector.broadcast %get3A_47 : vector<10000x1xf32> to vector<10000x16xf32>
    %mul3A_49 = arith.mulf %mul3A_48, %div3A_34 : vector<10000x16xf32>
    %reduce_sum3A_50 = arith.constant dense<0.000000e+00> : vector<16xf32>
    %reduce_sum3A_51 = vector.multi_reduction <add>, %mul3A_49, %reduce_sum3A_50 [0] : vector<10000x16xf32> to vector<16xf32>
    %broadcast_in_dim3A_52 = vector.shape_cast %reduce_sum3A_51 : vector<16xf32> to vector<1x16xf32>
    %swap3A_53 = arith.constant 0 : index
    %swap3A_54 = arith.constant 0 : index
    %swap3A_55 = vector.load %arg8[%swap3A_53, %swap3A_54] : memref<1x16xf32, #tpu.memory_space<vmem>>, vector<1x16xf32>
    tpu.vector_store %arg8[%swap3A_53, %swap3A_54], %broadcast_in_dim3A_52 {strides = array<i32>} : memref<1x16xf32, #tpu.memory_space<vmem>>, vector<1x16xf32>,
    return
  }
}

module attributes {stable_mosaic.version = 14 : i64} {
  func.func @_loss_body(%arg0: memref<10000x128xf32, #tpu.memory_space<vmem>>, %arg1: memref<10000x128xf32, #tpu.memory_space<vmem>>, %arg2: memref<10000x128xf32, #tpu.memory_space<vmem>>, %arg3: memref<1x16xf32, #tpu.memory_space<vmem>>, %arg4: memref<1x16xf32, #tpu.memory_space<vmem>>, %arg5: memref<1x1xf32, #tpu.memory_space<vmem>>) attributes {dimension_semantics = [], scalar_prefetch = 0 : i64, scratch_operands = 0 : i64, tpu.core_type = #tpu.core_type<tc>} {
    %get3A = arith.constant 0 : index
    %get3A_0 = arith.constant 0 : index
    %get3A_1 = vector.load %arg0[%get3A, %get3A_0] : memref<10000x128xf32, #tpu.memory_space<vmem>>, vector<10000x128xf32>
    %get3A_2 = arith.constant 0 : index
    %get3A_3 = arith.constant 0 : index
    %get3A_4 = vector.load %arg1[%get3A_2, %get3A_3] : memref<10000x128xf32, #tpu.memory_space<vmem>>, vector<10000x128xf32>
    %add3A = arith.addf %get3A_1, %get3A_4 : vector<10000x128xf32>
    %get3A_5 = arith.constant 0 : index
    %get3A_6 = arith.constant 0 : index
    %get3A_7 = vector.load %arg2[%get3A_5, %get3A_6] : memref<10000x128xf32, #tpu.memory_space<vmem>>, vector<10000x128xf32>
    %mul3A = arith.mulf %add3A, %get3A_7 : vector<10000x128xf32>
    %reduce_sum3A = vector.shape_cast %mul3A : vector<10000x128xf32> to vector<1x10000x128xf32>
    %reduce_sum3A_8 = arith.constant dense<0.000000e+00> : vector<1xf32>
    %reduce_sum3A_9 = vector.multi_reduction <add>, %reduce_sum3A, %reduce_sum3A_8 [1, 2] : vector<1x10000x128xf32> to vector<1xf32>
    %reduce_sum3A_10 = vector.shape_cast %reduce_sum3A_9 : vector<1xf32> to vector<1x1x1xf32>
    %reduce_sum3A_11 = vector.extract %reduce_sum3A_10[0, 0, 0] : f32 from vector<1x1x1xf32>
    %get3A_12 = arith.constant 0 : index
    %get3A_13 = arith.constant 0 : index
    %get3A_14 = vector.load %arg4[%get3A_12, %get3A_13] : memref<1x16xf32, #tpu.memory_space<vmem>>, vector<1x16xf32>
    %get3A_15 = arith.constant 0 : index
    %get3A_16 = arith.constant 0 : index
    %get3A_17 = vector.load %arg3[%get3A_15, %get3A_16] : memref<1x16xf32, #tpu.memory_space<vmem>>, vector<1x16xf32>
    %mul3A_18 = arith.mulf %get3A_14, %get3A_14 : vector<1x16xf32>
    %reduce_sum3A_19 = vector.shape_cast %mul3A_18 : vector<1x16xf32> to vector<1x1x16xf32>
    %reduce_sum3A_20 = arith.constant dense<0.000000e+00> : vector<1xf32>
    %reduce_sum3A_21 = vector.multi_reduction <add>, %reduce_sum3A_19, %reduce_sum3A_20 [1, 2] : vector<1x1x16xf32> to vector<1xf32>
    %reduce_sum3A_22 = vector.shape_cast %reduce_sum3A_21 : vector<1xf32> to vector<1x1x1xf32>
    %reduce_sum3A_23 = vector.extract %reduce_sum3A_22[0, 0, 0] : f32 from vector<1x1x1xf32>
    %div3A = arith.constant 2.000000e+00 : f32
    %div3A_24 = arith.divf %reduce_sum3A_23, %div3A : f32
    %div3A_25 = arith.constant 3.200000e+05 : f32
    %div3A_26 = arith.divf %div3A_24, %div3A_25 : f32
    %sub3A = arith.subf %reduce_sum3A_11, %div3A_26 : f32
    %neg3A = arith.constant 0.000000e+00 : f32
    %neg3A_27 = arith.subf %neg3A, %sub3A : f32
    %div3A_28 = arith.constant 2.000000e+00 : f32
    %div3A_29 = arith.divf %neg3A_27, %div3A_28 : f32
    %div3A_30 = arith.constant 3.200000e+05 : f32
    %div3A_31 = arith.divf %div3A_29, %div3A_30 : f32
    %mul3A_32 = arith.mulf %get3A_17, %get3A_17 : vector<1x16xf32>
    %reduce_sum3A_33 = vector.shape_cast %mul3A_32 : vector<1x16xf32> to vector<1x1x16xf32>
    %reduce_sum3A_34 = arith.constant dense<0.000000e+00> : vector<1xf32>
    %reduce_sum3A_35 = vector.multi_reduction <add>, %reduce_sum3A_33, %reduce_sum3A_34 [1, 2] : vector<1x1x16xf32> to vector<1xf32>
    %reduce_sum3A_36 = vector.shape_cast %reduce_sum3A_35 : vector<1xf32> to vector<1x1x1xf32>
    %reduce_sum3A_37 = vector.extract %reduce_sum3A_36[0, 0, 0] : f32 from vector<1x1x1xf32>
    %sqrt3A = math.sqrt %reduce_sum3A_37 : f32
    %div3A_38 = arith.constant 1.000000e+04 : f32
    %div3A_39 = arith.divf %sqrt3A, %div3A_38 : f32
    %mul3A_40 = arith.constant 4.000000e+00 : f32
    %mul3A_41 = arith.mulf %div3A_39, %mul3A_40 : f32
    %sub3A_42 = arith.constant 1.000000e+00 : f32
    %sub3A_43 = arith.subf %mul3A_41, %sub3A_42 : f32
    %add3A_44 = arith.addf %div3A_31, %sub3A_43 : f32
    %broadcast_in_dim3A = vector.broadcast %add3A_44 : f32 to vector<1x1xf32>
    %swap3A = arith.constant 0 : index
    %swap3A_45 = arith.constant 0 : index
    %swap3A_46 = vector.load %arg5[%swap3A, %swap3A_45] : memref<1x1xf32, #tpu.memory_space<vmem>>, vector<1x1xf32>
    tpu.vector_store %arg5[%swap3A, %swap3A_45], %broadcast_in_dim3A {strides = array<i32>} : memref<1x1xf32, #tpu.memory_space<vmem>>, vector<1x1xf32>,
    return
  }
}

</mosaic_0001>

<sc_bundles>
// kernel: kernel.11.cloned.1.call-start
scs
__scs_entry_jumppad:
0x0: {  	(pc) =	sbr.rel $0x88, $3  }
0x1: {  	(tag) =	ssettag $0x0;
	lr =	simm.s32 $0x1  }
0x2: {  	[smem:$0x3F9B] =	sst lr;
	_ =	strace $0xD0000000  }
0x3: {  	_ = 	snop  }
0x4: {  	_ = 	snop  }
0x5: {  	_ = 	snop  }
0x6: {  	_ = 	snop  }
0x7: {  	_ = 	snop  }
__scs_overlays_trampoline_lowered:
0x8: {  	[smem:$0x3FAA] =	sst s0  }
0x9: {  	[smem:$0x3FAB] =	sst s1  }
0xa: {  	[smem:$0x3FAC] =	sst s2  }
0xb: {  	[smem:$0x3FAD] =	sst s3  }
0xc: {  	[smem:$0x3FAE] =	sst s4  }
0xd: {  	[smem:$0x3FAF] =	sst s5  }
0xe: {  	[smem:$0x3FB0] =	sst s6  }
0xf: {  	[smem:$0x3FB1] =	sst s7  }
0x10: {  	[smem:$0x3FB2] =	sst s8  }
0x11: {  	[smem:$0x3FB3] =	sst s9;
	s0 =	simm.s32 @!p0 $0x0  }
0x12: {  	s1 =	sld [smem:$0x3F99];
	s0 =	simm.s32 @p0 $0x1  }
0x13: {  	[smem:$0x3FB4] =	sst s0;
	s0 =	simm.s32 @!p1 $0x0  }
0x14: {  	s2 =	sld [smem:$0x3F98];
	s0 =	simm.s32 @p1 $0x1  }
0x15: {  	[smem:$0x3FB5] =	sst s0;
	s0 =	simm.s32 @!p2 $0x0  }
0x16: {  	s3 =	sld [smem:$0x3FDB];
	s0 =	simm.s32 @p2 $0x1  }
0x17: {  	s4 =	simm.s32 $0x1BF5;
	[smem:$0x3FB7] =	sst s0  }
0x18: {  	s0 =	sld [smem:$0x3F9A];
	_ =	swait.ge [sflag:s4], $0x0  }
0x19: {  	s7 =	sld [smem:$0x3F9B]  }
0x1a: {  	s8 =	sadd.s32 $0xFFFFE003, lr  }
0x1b: {  	s9 =	sadd.s32 $0xFFFFFEF7, lr;
	s5 =	simm.s32 $0xFFFFFFFF;
	p2 =	slt.u32 s8, $0xFFFFF086  }
0x1c: {  	p1 =	slt.u32 s9, $0xF7A;
	s5 =	simm.s32 @!p2 $0x0  }
0x1d: {  	s5 =	simm.s32 @p1 $0x1;
	p0 =	seq.s32 s7, s2  }
0x1e: {  	s7 =	smul.u32 @!p0 $0xF7A, s2;
	p2 =	seq.s32 @!p0 s5, $0x0  }
0x1f: {  	s9 =	smul.u32 $0xF7A, s1;
	s8 =	simm.s32 @!p0 $0x1BF5;
	p2 =	por !p2, p0  }
0x20: {  	[sflag:s8] =	ssyncset.s32 @!p0 $0xFFFFF086;
	s6 =	sadd.s32 @!p0 s3, s7;
	s7 =	simm.s32 @!p0 $0x108  }
0x21: {  	s3 =	sadd.s32 s3, s9;
	s6 =	sadd.s32 @!p0 $0x88, s6;
	s7 =	simm.s32 @p2 $0x1082  }
0x22: {  	[simem:s7], [sflag:s8] =	dma.local @!p0 [hbm:s6], $0xF7A  }
0x23: {  	s9 =	sor.u32 $0xD0000000, s2;
	s6 =	simm.s32 $0x108;
	_ =	swait.ge @!p0 [sflag:s8], $0x0  }
0x24: {  	s3 =	sadd.s32 $0x88, s3;
	s6 =	simm.s32 @!p1 $0x1082;
	[sflag:s4] =	ssyncset.s32 $0xFFFFF086  }
0x25: {  	[simem:s6], [sflag:s4] =	dma.local [hbm:s3], $0xF7A  }
0x26: {  	[smem:$0x3F9B] =	sst s1;
	(tag) =	ssettag s2;
	_ =	strace s9  }
0x27: {  	s1 =	sld [smem:$0x3FAB]  }
0x28: {  	s2 =	sld [smem:$0x3FAC]  }
0x29: {  	s4 =	sld [smem:$0x3FAE]  }
0x2a: {  	p0 =	seq.s32 s5, $0x0;
	s5 =	sld [smem:$0x3FAF]  }
0x2b: {  	s6 =	sld [smem:$0x3FB0]  }
0x2c: {  	s7 =	sld [smem:$0x3FB1]  }
0x2d: {  	s3 =	simm.s32 $0x108;
	s8 =	sld [smem:$0x3FB2]  }
0x2e: {  	s3 =	simm.s32 @!p0 $0x1082;
	s9 =	sld [smem:$0x3FB3]  }
0x2f: {  	lr =	sadd.s32 s0, s3;
	s0 =	sld [smem:$0x3FAA]  }
0x30: {  	s3 =	sld [smem:$0x3FAD]  }
0x31: {  	[smem:$0x3FB6] =	sst s10  }
0x32: {  	s10 =	sld [smem:$0x3FB4];
	_ =	sdelay $0x3  }
0x33: {  	p0 =	seq.s32 s10, $0x1;
	s10 =	sld [smem:$0x3FB6];
	_ =	sdelay $0x3  }
0x34: {  	[smem:$0x3FB6] =	sst s10  }
0x35: {  	s10 =	sld [smem:$0x3FB5];
	_ =	sdelay $0x3  }
0x36: {  	p1 =	seq.s32 s10, $0x1;
	s10 =	sld [smem:$0x3FB6];
	_ =	sdelay $0x3  }
0x37: {  	[smem:$0x3FB6] =	sst s10  }
0x38: {  	s10 =	sld [smem:$0x3FB7]  }
0x39: {  	_ = 	snop;
	(pc) =	sbr.ind lr, $3  }
0x3a: {  	_ = 	snop  }
0x3b: {  	_ = 	snop  }
0x3c: {  	p2 =	seq.s32 s10, $0x1;
	s10 =	sld [smem:$0x3FB6]  }
0x3d: {  	_ =	shalt  }
0x3e: {  	_ =	shalt  }
0x3f: {  	_ =	shalt  }
0x40: {  	_ =	shalt  }
0x41: {  	_ =	shalt  }
0x42: {  	_ =	shalt  }
0x43: {  	_ =	shalt  }
0x44: {  	_ =	shalt  }
0x45: {  	_ =	shalt  }
0x46: {  	_ =	shalt  }
0x47: {  	_ =	shalt  }
0x48: {  	_ =	shalt  }
0x49: {  	_ =	shalt  }
0x4a: {  	_ =	shalt  }
0x4b: {  	_ =	shalt  }
0x4c: {  	_ =	shalt  }
0x4d: {  	_ =	shalt  }
0x4e: {  	_ =	shalt  }
0x4f: {  	_ =	shalt  }
0x50: {  	_ =	shalt  }
0x51: {  	_ =	shalt  }
0x52: {  	_ =	shalt  }
0x53: {  	_ =	shalt  }
0x54: {  	_ =	shalt  }
0x55: {  	_ =	shalt  }
0x56: {  	_ =	shalt  }
0x57: {  	_ =	shalt  }
0x58: {  	_ =	shalt  }
0x59: {  	_ =	shalt  }
0x5a: {  	_ =	shalt  }
0x5b: {  	_ =	shalt  }
0x5c: {  	_ =	shalt  }
0x5d: {  	_ =	shalt  }
0x5e: {  	_ =	shalt  }
0x5f: {  	_ =	shalt  }
0x60: {  	_ =	shalt  }
0x61: {  	_ =	shalt  }
0x62: {  	_ =	shalt  }
0x63: {  	_ =	shalt  }
0x64: {  	_ =	shalt  }
0x65: {  	_ =	shalt  }
0x66: {  	_ =	shalt  }
0x67: {  	_ =	shalt  }
0x68: {  	_ =	shalt  }
0x69: {  	_ =	shalt  }
0x6a: {  	_ =	shalt  }
0x6b: {  	_ =	shalt  }
0x6c: {  	_ =	shalt  }
0x6d: {  	_ =	shalt  }
0x6e: {  	_ =	shalt  }
0x6f: {  	_ =	shalt  }
0x70: {  	_ =	shalt  }
0x71: {  	_ =	shalt  }
0x72: {  	_ =	shalt  }
0x73: {  	_ =	shalt  }
0x74: {  	_ =	shalt  }
0x75: {  	_ =	shalt  }
0x76: {  	_ =	shalt  }
0x77: {  	_ =	shalt  }
0x78: {  	_ =	shalt  }
0x79: {  	_ =	shalt  }
0x7a: {  	_ =	shalt  }
0x7b: {  	_ =	shalt  }
0x7c: {  	_ =	shalt  }
0x7d: {  	_ =	shalt  }
0x7e: {  	_ =	shalt  }
0x7f: {  	_ =	shalt  }
0x80: {  	_ =	shalt  }
0x81: {  	_ =	shalt  }
0x82: {  	_ =	shalt  }
0x83: {  	_ =	shalt  }
0x84: {  	_ =	shalt  }
0x85: {  	_ =	shalt  }
0x86: {  	_ =	shalt  }
0x87: {  	_ =	shalt  }
.Lfunc_end0:
.L_simem_size_0:
called_computation.1_lowered:
.L_overlay_start_0:
0x88: {  	s2 =	sld [smem:$0x3FD9]  }
0x89: {  	s3 =	sld [smem:$0x3FFE];
	_ =	sdelay $0x1  }
0x8a: {  	s1 =	srdreg.scid  }
0x8b: {  	s0 =	sand.u32 $0x1, s1  }
0x8c: {  	s16 =	sshll.u32 s0, $0xA;
	s2 =	sadd.s32 s3, s2  }
0x8d: {  	s2 =	sadd.s32 s2, s16  }
0x8e: {  	[smem:$0x3FC2] =	sst s2  }
0x8f: {  	_ = 	snop  }
0x90: {  	(tm) =	ssettm $0x1  }
0x91: {  	s17 =	sld [smem:$0x3FFB];
	_ =	sdelay $0x3  }
0x92: {  	_ =	strace s17  }
0x93: {  	s2 =	sld [smem:$0x3FFC];
	_ =	sdelay $0x3  }
0x94: {  	_ =	strace s2  }
0x95: {  	s2 =	sld [smem:$0x3FFD];
	_ =	sdelay $0x3  }
0x96: {  	_ =	strace s2  }
0x97: {  	_ =	strace $0x8FFFFFFF  }
0x98: {  	s18 =	sld [smem:$0x3FDB];
	_ =	sdelay $0x1  }
0x99: {  	s19 =	simm.s32 $_scs_section_size  }
0x9a: {  	s4 =	simm.s32 $_size__tile_overlayer_lowered;
	s5 =	simm.s32 $_tile_overlayer_lowered  }
0x9b: {  	s22 =	simm.s32 $0x1BFF;
	s21 =	sshll.u32 s5, $0x1;
	s2 =	sadd.s32 s19, s18  }
0x9c: {  	s6 =	simm.s32 $0x0;
	s20 =	sshll.u32 s4, $0x1;
	s4 =	sadd.s32 s21, s2  }
0x9d: {  	[timem:s6], [sflag:s22] =	dma.local [hbm:s4], s20  }
0x9e: {  	_ =	swait.ge [sflag:s22], s20  }
0x9f: {  	s3 =	ssub.s32 $0x0, s20;
	[sflag:s22] =	ssyncset.done $0x0  }
0xa0: {  	[sflag:s22] =	ssyncadd.s32 s3;
	_ =	sdelay $0x1  }
0xa1: {  	s23 =	simm.s32 $0x1B8B  }
0xa2: {  	_ =	swait.ge [sflag:s23], $0x1  }
0xa3: {  	[sflag:s23] =	ssyncset.done $0x0  }
0xa4: {  	s25 =	simm.s32 $0x1B8E;
	s24 =	sld [smem:$0x3FFE];
	[sflag:s23] =	ssyncadd.s32 $0xFFFFFFFF  }
0xa5: {  	s26 =	simm.s32 $execute0_lowered;
	[smem:$0x3FD2] =	sst s25  }
0xa6: {  	s4 =	sshll.u32 s26, $0x1;
	_ =	strace $0x80000049;
	[dreg:$0x1] =	wrdreg $0xFFFFFFFF  }
0xa7: {  	s28 =	simm.s32 $_size_execute0_lowered;
	s2 =	sadd.s32 s2, s4;
	[dreg:$0x0] =	wrdreg $0x0  }
0xa8: {  	s4 =	sshll.u32 s28, $0x1;
	[dreg:$0x2] =	wrdreg s2  }
0xa9: {  	[dreg:$0x3] =	wrdreg s4  }
0xaa: {  	[dreg:$0x4] =	wrdreg $0xC0  }
0xab: {  	_ =	task [dreg:s6], $0x5FFFF  }
0xac: {  	[dreg:$0x1] =	wrdreg $0xFFFFFFFF  }
0xad: {  	[dreg:$0x0] =	wrdreg $0x60  }
0xae: {  	[dreg:$0x2] =	wrdreg s24  }
0xaf: {  	[dreg:$0x3] =	wrdreg $0xBF000  }
0xb0: {  	[dreg:$0x4] =	wrdreg $0x9  }
0xb1: {  	_ =	task.clear_ibuf [dreg:s6], $0x5FFFF;
	_ =	strace $0x90000049  }
0xb2: {  	s29 =	simm.s32 $0x9;
	_ =	strace $0x8000004B  }
0xb3: {  	_ =	swait.ge [sflag:s29], $0x1  }
0xb4: {  	[sflag:s29] =	ssyncadd.s32 $0xFFFFFFFF  }
0xb5: {  	_ =	strace $0x9000004B  }
0xb6: {  	_ =	sfence  }
0xb7: {  	s30 =	sld [smem:$0x0];
	_ =	sdelay $0x2  }
0xb8: {  	s31 =	sshll.u32 s1, $0xD;
	s1 =	sshrl.u32 s1, $0x2  }
0xb9: {  	s3 =	sand.u32 $0x4000, s31;
	s1 =	sadd.s32 s1, s30  }
0xba: {  	s0 =	sor.u32 s3, s0;
	s1 =	sshll.u32 s1, $0x11  }
0xbb: {  	s0 =	sor.u32 s1, s0  }
0xbc: {  	s0 =	sadd.s32 $0x8F2B, s0  }
0xbd: {  	[sflag:s0] =	ssyncadd.remote.s32 $0x1  }
0xbe: {  	_ =	sfence.sel $0xFFFF  }
0xbf: {  	[dreg:$0x0] =	wrdreg $0xFFFFFFFF;
	(pc) =	sbr.abs _section_cstart, $3  }
0xc0: {  	[dreg:$0x1] =	wrdreg $0xFFFFFFFF  }
0xc1: {  	_ =	task.clear_ibuf [dreg:s6], $0x2FFFF;
	_ =	strace $0x9FFFFFFF  }
0xc2: {  	(tm) =	ssettm $0x7FFFFFFF  }
0xc3: {  	_ =	shalt  }
tec
execute0_lowered:
.L_overlay_start_1:
0x0: {  	(tag) =	ssettag $0x1  }
0x1: {  	s0 =	rddreg [dreg:$0x0]  }
0x2: {  	s1 =	rddreg [dreg:$0x1]  }
0x3: {  	s2 =	simm.s32 $0x0;
	s3 =	srdreg.scid;
	s15 =	stileid.u32  }
0x4: {  	s28 =	simm.s32 $0x8B00;
	s29 =	simm.s32 $0x3;
	s30 =	simm.s32 $0x80  }
0x5: {  	[smem:$0x7FF] =	sst s2;
	s4 =	sadd.s32 $0x15A00, s0;
	s3 =	sand.u32 $0x1, s3  }
0x6: {  	s5 =	sadd.s32 $0x1E00, s0;
	s8 =	smul.u32 $0x4E000, s15;
	s6 =	sadd.s32 $0xBC00, s0  }
0x7: {  	s0 =	sadd.s32 $0x63E00, s0;
	s10 =	sshll.u32 s15, $0x1;
	s11 =	smul.u32 $0x13800, s15  }
0x8: {  	s21 =	smul.u32 $0x4E20, s15;
	p0 =	sne.s32 s15, $0xF;
	s15 =	simm.s32 $0x8300  }
0x9: {  	s31 =	simm.s32 $0x100;
	_ =	strace $0x8000004A;
	s18 =	smul.u32 $0x138800, s3  }
0xa: {  	s7 =	ssub.s32 $0x2, s3;
	s10 =	sor.u32 s3, s10;
	s3 =	smul.u32 $0x2710, s3  }
0xb: {  	s9 =	sshrl.u32 s7, $0x1;
	s8 =	sshrl.u32 s8, $0x2;
	s26 =	sadd.s32 $0x9C00, s11  }
0xc: {  	s12 =	smul.u32 $0x2710, s10;
	s9 =	ssub.s32 s7, s9;
	s7 =	sadd.s32 s8, s1  }
0xd: {  	s10 =	sadd.s32 s26, s1;
	s11 =	sadd.s32 s11, s18;
	s3 =	sadd.s32 s3, s21  }
0xe: {  	s8 =	sadd.s32 $0x3400, s7;
	s16 =	sadd.s32 $0x6800, s7;
	s13 =	sadd.s32 $0xD000, s7  }
0xf: {  	s17 =	sadd.s32 $0x10400, s7;
	s12 =	sshrl.u32 s12, $0x3;
	[dreg:$0x3] =	wrdreg s8  }
0x10: {  	s11 =	sshrl.u32 s11, $0x3;
	s23 =	smax.u32 s9, $0x1;
	[dreg:$0x4] =	wrdreg s16  }
0x11: {  	s25 =	sadd.s32 $0x80, s3;
	s9 =	simm.s32 $0x1;
	[dreg:$0x5] =	wrdreg s13  }
0x12: {  	[dreg:$0x6] =	wrdreg s17;
	s14 =	sadd.s32 s5, s12;
	s19 =	sadd.s32 s6, s12  }
0x13: {  	s20 =	sadd.s32 $0x4E0, s12;
	s8 =	sadd.s32 s18, s26;
	s13 =	sshrl.u32 s18, $0x3  }
0x14: {  	s11 =	sadd.s32 s0, s11;
	s22 =	sadd.s32 $0x4D0, s12;
	[dreg:$0xe] =	wrdreg s23  }
0x15: {  	s23 =	sadd.s32 $0x100, s3;
	s26 =	sshrl.u32 s25, $0x3;
	[dreg:$0x7] =	wrdreg s14  }
0x16: {  	s3 =	simm.s32 $0x4180;
	s12 =	simm.s32 $0x8200;
	[dreg:$0x8] =	wrdreg s19  }
0x17: {  	s16 =	sadd.s32 s5, s20;
	s14 =	sadd.s32 s6, s20;
	[dreg:$0xb] =	wrdreg s11  }
0x18: {  	s8 =	sshrl.u32 s8, $0x3;
	s24 =	sadd.s32 s5, s22;
	[dreg:$0x9] =	wrdreg s16  }
0x19: {  	s25 =	sadd.s32 s26, s5;
	s11 =	simm.s32 $0x2;
	[dreg:$0xa] =	wrdreg s14  }
0x1a: {  	s8 =	sadd.s32 s0, s8;
	s0 =	sadd.s32 s0, s13;
	[dreg:$0xf] =	wrdreg s24  }
0x1b: {  	s24 =	sadd.s32 s26, s6;
	s26 =	sadd.s32 $0x138000, s1;
	s13 =	simm.s32 $0x8280  }
0x1c: {  	s14 =	simm.s32 $0x10;
	[dreg:$0xc] =	wrdreg s8;
	s0 =	sadd.s32 $0x27000, s0  }
0x1d: {  	s16 =	simm.s32 $0x0;
	[dreg:$0xd] =	wrdreg s0;
	s0 =	sadd.s32 s6, s22  }
0x1e: {  	v0 =	vimm.f32 $0.0e+00;
	s8 =	simm.s32 $0x4200;
	[dreg:$0x10] =	wrdreg s0;
	s0 =	simm.s32 $0x4100  }
.LBB2_1:
0x1f: {  	s17 =	sand.u32 $0xFE00, s2  }
0x20: {  	s18 =	sand.u32 $0x70, s2;
	s19 =	sshrl.u32 s17, $0x2  }
0x21: {  	s17 =	simm.s32 $0x40;
	s19 =	sor.u32 s18, s19;
	s18 =	simm.s32 $0x0  }
.LBB2_2:
0x22: {  	p1 =	sne.s32 s17, $0xCFC0  }
0x23: {  	[tilespmem:s19+$0x8B00] =	vst v0;
	s18 =	sadd.s32 $0x10, s18;
	s19 =	smov.u32 s17;
	s17 =	sadd.s32 $0x40, s17  }
.Ltmp0:
0x24: {  	(pc) =	sbr.rel @p1 .LBB2_2-.Ltmp0, $4  }
0x25: {  	_ = 	snop  }
0x26: {  	s19 =	sand.u32 $0xFE00, s19  }
0x27: {  	s20 =	sand.u32 $0x70, s18;
	s19 =	sshrl.u32 s19, $0x2  }
0x28: {  	s19 =	sor.u32 s20, s19  }
0x29: {  	[tilespmem:s19+$0x8B00] =	vst v0  }
0x2a: {  	[spmem:s7] =	stream.linear.scatter [tilespmem:s28], [sflag:$0x3], $0x3400, $0x38;
	[tilespmem:$0x1F780] =	vst v63  }
0x2b: {  	_ =	swait.ge [sflag:s29], $0x3400  }
0x2c: {  	[sflag:s29] =	ssyncset.done $0x0  }
0x2d: {  	s17 =	rddreg [dreg:$0x3];
	[sflag:s29] =	ssyncadd.s32 $0xFFFFCC00  }
0x2e: {  	[spmem:s17] =	stream.linear.scatter [tilespmem:s28], [sflag:$0x3], $0x3400, $0x38;
	[tilespmem:$0x1F780] =	vst v63  }
0x2f: {  	_ =	swait.ge [sflag:s29], $0x3400  }
0x30: {  	[sflag:s29] =	ssyncset.done $0x0  }
0x31: {  	s18 =	rddreg [dreg:$0x4];
	[sflag:s29] =	ssyncadd.s32 $0xFFFFCC00  }
0x32: {  	[spmem:s18] =	stream.linear.scatter [tilespmem:s28], [sflag:$0x3], $0x3400, $0x38;
	[tilespmem:$0x1F780] =	vst v63  }
0x33: {  	_ =	swait.ge [sflag:s29], $0x3400  }
0x34: {  	[sflag:s29] =	ssyncset.done $0x0  }
0x35: {  	[sflag:s29] =	ssyncadd.s32 $0xFFFFCC00  }
0x36: {  	[spmem:s10] =	stream.linear.scatter [tilespmem:s28], [sflag:$0x3], $0x3400, $0x38;
	[tilespmem:$0x1F780] =	vst v63  }
0x37: {  	_ =	swait.ge [sflag:s29], $0x3400  }
0x38: {  	[sflag:s29] =	ssyncset.done $0x0  }
0x39: {  	s19 =	rddreg [dreg:$0x5];
	[sflag:s29] =	ssyncadd.s32 $0xFFFFCC00  }
0x3a: {  	[spmem:s19] =	stream.linear.scatter [tilespmem:s28], [sflag:$0x3], $0x3400, $0x38;
	[tilespmem:$0x1F780] =	vst v63  }
0x3b: {  	_ =	swait.ge [sflag:s29], $0x3400  }
0x3c: {  	[sflag:s29] =	ssyncset.done $0x0  }
0x3d: {  	s20 =	rddreg [dreg:$0x6];
	[sflag:s29] =	ssyncadd.s32 $0xFFFFCC00  }
0x3e: {  	[spmem:s20] =	stream.linear.scatter [tilespmem:s28], [sflag:$0x3], $0x3400, $0x38;
	[tilespmem:$0x1F780] =	vst v63  }
0x3f: {  	_ =	swait.ge [sflag:s29], $0x3400  }
0x40: {  	[sflag:s29] =	ssyncset.done $0x0  }
0x41: {  	s17 =	simm.s32 @!p0 $0x8B00;
	[sflag:s29] =	ssyncadd.s32 $0xFFFFCC00  }
0x42: {  	[spmem:s26] =	stream.linear.scatter @!p0 [tilespmem:s17], [sflag:$0x3], $0x800, $0x38;
	[tilespmem:$0x1F780] =	vst v63  }
0x43: {  	s17 =	simm.s32 @!p0 $0x3  }
0x44: {  	_ =	swait.ge @!p0 [sflag:s17], $0x800  }
0x45: {  	[sflag:s17] =	ssyncset.done @!p0 $0x0  }
0x46: {  	[sflag:s17] =	ssyncadd.s32 @!p0 $0xFFFFF800  }
0x47: {  	[bflag:$0x0] =	sbarrier.arrive $0xFFFF  }
0x48: {  	s21 =	simm.s32 $0x0;
	s18 =	rddreg [dreg:$0x7]  }
0x49: {  	[tilespmem:s21], [sflag:$0x3] =	stream.linear.gather [hbm4b:s18+s21], $0x80, $0x38;
	[tilespmem:$0x1F780] =	vst v63  }
0x4a: {  	_ =	swait.ge [sflag:s29], $0x80  }
0x4b: {  	[sflag:s29] =	ssyncset.done $0x0  }
0x4c: {  	s22 =	rddreg [dreg:$0x8];
	[sflag:s29] =	ssyncadd.s32 $0xFFFFFF80  }
0x4d: {  	[tilespmem:s30], [sflag:$0x3] =	stream.linear.gather [hbm4b:s22+s21], $0x80, $0x38;
	[tilespmem:$0x1F780] =	vst v63  }
0x4e: {  	_ =	swait.ge [sflag:s29], $0x80  }
0x4f: {  	[sflag:s29] =	ssyncset.done $0x0  }
0x50: {  	[sflag:s29] =	ssyncadd.s32 $0xFFFFFF80  }
0x51: {  	[tilespmem:s31], [sflag:$0x1] =	stream.indirect.gather [hbm4b:s4+s30], $0x80, s21, s30, $0xb8;
	[tilespmem:$0x1F780] =	vst v63  }
0x52: {  	s19 =	sadd.s32 $0x0, s25  }
0x53: {  	[tilespmem:s0], [sflag:$0x3] =	stream.linear.gather [hbm4b:s19+s2], $0x80, $0x38;
	[tilespmem:$0x1F780] =	vst v63  }
0x54: {  	_ =	swait.ge [sflag:s29], $0x80  }
0x55: {  	[sflag:s29] =	ssyncset.done $0x0  }
0x56: {  	s20 =	sadd.s32 $0x0, s24;
	[sflag:s29] =	ssyncadd.s32 $0xFFFFFF80  }
0x57: {  	[tilespmem:s3], [sflag:$0x3] =	stream.linear.gather [hbm4b:s20+s2], $0x80, $0x38;
	[tilespmem:$0x1F780] =	vst v63  }
0x58: {  	_ =	swait.ge [sflag:s29], $0x80  }
0x59: {  	[sflag:s29] =	ssyncset.done $0x0  }
0x5a: {  	[sflag:s29] =	ssyncadd.s32 $0xFFFFFF80  }
0x5b: {  	[tilespmem:s8], [sflag:$0x2] =	stream.indirect.gather [hbm4b:s4+s30], $0x80, s0, s30, $0xb8;
	[tilespmem:$0x1F780] =	vst v63  }
0x5c: {  	_ =	swait.ge [sflag:s9], $0x4000  }
0x5d: {  	[sflag:s9] =	ssyncset.done $0x0  }
0x5e: {  	[sflag:s9] =	ssyncadd.s32 $0xFFFFC000  }
0x5f: {  	[spmem:s1] =	stream.indirect.scatter.add.f32 [tilespmem:s31], [sflag:$0x3], $0x80, s30, s30, $0xb8;
	[tilespmem:$0x1F780] =	vst v63  }
0x60: {  	_ =	swait.ge [sflag:s29], $0x4000  }
0x61: {  	s21 =	sshrl.u32 s23, $0x3;
	[sflag:s29] =	ssyncset.done $0x0  }
0x62: {  	s22 =	sadd.s32 s5, s21;
	[sflag:s29] =	ssyncadd.s32 $0xFFFFC000  }
0x63: {  	[tilespmem:s2], [sflag:$0x3] =	stream.linear.gather [hbm4b:s22+s2], $0x80, $0x38;
	[tilespmem:$0x1F780] =	vst v63  }
0x64: {  	_ =	swait.ge [sflag:s29], $0x80  }
0x65: {  	[sflag:s29] =	ssyncset.done $0x0  }
0x66: {  	s17 =	sadd.s32 s6, s21;
	[sflag:s29] =	ssyncadd.s32 $0xFFFFFF80  }
0x67: {  	[tilespmem:s30], [sflag:$0x3] =	stream.linear.gather [hbm4b:s17+s2], $0x80, $0x38;
	[tilespmem:$0x1F780] =	vst v63  }
0x68: {  	_ =	swait.ge [sflag:s29], $0x80  }
0x69: {  	[sflag:s29] =	ssyncset.done $0x0  }
0x6a: {  	[sflag:s29] =	ssyncadd.s32 $0xFFFFFF80  }
0x6b: {  	[tilespmem:s31], [sflag:$0x1] =	stream.indirect.gather [hbm4b:s4+s30], $0x80, s2, s30, $0xb8;
	[tilespmem:$0x1F780] =	vst v63  }
0x6c: {  	_ =	swait.ge [sflag:s11], $0x4000  }
0x6d: {  	[sflag:s11] =	ssyncset.done $0x0  }
0x6e: {  	[sflag:s11] =	ssyncadd.s32 $0xFFFFC000  }
0x6f: {  	[spmem:s1] =	stream.indirect.scatter.add.f32 [tilespmem:s8], [sflag:$0x3], $0x80, s3, s30, $0xb8;
	[tilespmem:$0x1F780] =	vst v63  }
0x70: {  	s18 =	simm.s32 $0x20;
	_ =	swait.ge [sflag:s29], $0x4000  }
0x71: {  	s19 =	simm.s32 $0x40;
	s17 =	sadd.s32 $0x100, s23;
	[sflag:s29] =	ssyncset.done $0x0  }
.LBB2_4:
0x72: {  	s21 =	sadd.s32 s18, s25  }
0x73: {  	[sflag:s29] =	ssyncadd.s32 $0xFFFFC000;
	s22 =	smov.u32 s19;
	s20 =	sadd.s32 $0x20, s19  }
0x74: {  	[tilespmem:s0], [sflag:$0x3] =	stream.linear.gather [hbm4b:s21+s2], $0x80, $0x38;
	[tilespmem:$0x1F780] =	vst v63  }
0x75: {  	p1 =	sne.s32 s19, $0x4A0;
	_ =	swait.ge [sflag:s29], $0x80  }
0x76: {  	[sflag:s29] =	ssyncset.done $0x0  }
0x77: {  	s19 =	sadd.s32 s18, s24;
	s18 =	smov.u32 s22;
	[sflag:s29] =	ssyncadd.s32 $0xFFFFFF80  }
0x78: {  	[tilespmem:s3], [sflag:$0x3] =	stream.linear.gather [hbm4b:s19+s2], $0x80, $0x38;
	[tilespmem:$0x1F780] =	vst v63  }
0x79: {  	_ =	swait.ge [sflag:s29], $0x80  }
0x7a: {  	[sflag:s29] =	ssyncset.done $0x0  }
0x7b: {  	[sflag:s29] =	ssyncadd.s32 $0xFFFFFF80  }
0x7c: {  	[tilespmem:s8], [sflag:$0x2] =	stream.indirect.gather [hbm4b:s4+s30], $0x80, s0, s30, $0xb8;
	[tilespmem:$0x1F780] =	vst v63  }
0x7d: {  	_ =	swait.ge [sflag:s9], $0x4000  }
0x7e: {  	[sflag:s9] =	ssyncset.done $0x0  }
0x7f: {  	[sflag:s9] =	ssyncadd.s32 $0xFFFFC000  }
0x80: {  	[spmem:s1] =	stream.indirect.scatter.add.f32 [tilespmem:s31], [sflag:$0x3], $0x80, s30, s30, $0xb8;
	[tilespmem:$0x1F780] =	vst v63  }
0x81: {  	_ =	swait.ge [sflag:s29], $0x4000  }
0x82: {  	s19 =	sshrl.u32 s17, $0x3;
	[sflag:s29] =	ssyncset.done $0x0  }
0x83: {  	s21 =	sadd.s32 s5, s19;
	[sflag:s29] =	ssyncadd.s32 $0xFFFFC000  }
0x84: {  	[tilespmem:s2], [sflag:$0x3] =	stream.linear.gather [hbm4b:s21+s2], $0x80, $0x38;
	[tilespmem:$0x1F780] =	vst v63  }
0x85: {  	_ =	swait.ge [sflag:s29], $0x80  }
0x86: {  	[sflag:s29] =	ssyncset.done $0x0  }
0x87: {  	s19 =	sadd.s32 s6, s19;
	[sflag:s29] =	ssyncadd.s32 $0xFFFFFF80  }
0x88: {  	[tilespmem:s30], [sflag:$0x3] =	stream.linear.gather [hbm4b:s19+s2], $0x80, $0x38;
	[tilespmem:$0x1F780] =	vst v63  }
0x89: {  	_ =	swait.ge [sflag:s29], $0x80  }
0x8a: {  	[sflag:s29] =	ssyncset.done $0x0  }
0x8b: {  	[sflag:s29] =	ssyncadd.s32 $0xFFFFFF80  }
0x8c: {  	[tilespmem:s31], [sflag:$0x1] =	stream.indirect.gather [hbm4b:s4+s30], $0x80, s2, s30, $0xb8;
	[tilespmem:$0x1F780] =	vst v63  }
0x8d: {  	_ =	swait.ge [sflag:s11], $0x4000  }
.Ltmp1:
0x8e: {  	[sflag:s11] =	ssyncset.done $0x0;
	(pc) =	sbr.rel @p1 .LBB2_4-.Ltmp1, $4  }
0x8f: {  	[sflag:s11] =	ssyncadd.s32 $0xFFFFC000  }
0x90: {  	[spmem:s1] =	stream.indirect.scatter.add.f32 [tilespmem:s8], [sflag:$0x3], $0x80, s3, s30, $0xb8;
	[tilespmem:$0x1F780] =	vst v63  }
0x91: {  	_ =	swait.ge [sflag:s29], $0x4000  }
0x92: {  	s17 =	sadd.s32 $0x100, s17;
	s19 =	smov.u32 s20;
	[sflag:s29] =	ssyncset.done $0x0  }
0x93: {  	s19 =	sadd.s32 s18, s25;
	[sflag:s29] =	ssyncadd.s32 $0xFFFFC000  }
0x94: {  	[tilespmem:s0], [sflag:$0x3] =	stream.linear.gather [hbm4b:s19+s2], $0x80, $0x38;
	[tilespmem:$0x1F780] =	vst v63  }
0x95: {  	_ =	swait.ge [sflag:s29], $0x80  }
0x96: {  	[sflag:s29] =	ssyncset.done $0x0  }
0x97: {  	s19 =	sadd.s32 s18, s24;
	[sflag:s29] =	ssyncadd.s32 $0xFFFFFF80  }
0x98: {  	[tilespmem:s3], [sflag:$0x3] =	stream.linear.gather [hbm4b:s19+s2], $0x80, $0x38;
	[tilespmem:$0x1F780] =	vst v63  }
0x99: {  	_ =	swait.ge [sflag:s29], $0x80  }
0x9a: {  	[sflag:s29] =	ssyncset.done $0x0  }
0x9b: {  	[sflag:s29] =	ssyncadd.s32 $0xFFFFFF80  }
0x9c: {  	[tilespmem:s8], [sflag:$0x2] =	stream.indirect.gather [hbm4b:s4+s30], $0x80, s0, s30, $0xb8;
	[tilespmem:$0x1F780] =	vst v63  }
0x9d: {  	_ =	swait.ge [sflag:s9], $0x4000  }
0x9e: {  	[sflag:s9] =	ssyncset.done $0x0  }
0x9f: {  	[sflag:s9] =	ssyncadd.s32 $0xFFFFC000  }
0xa0: {  	[spmem:s1] =	stream.indirect.scatter.add.f32 [tilespmem:s31], [sflag:$0x3], $0x80, s30, s30, $0xb8;
	[tilespmem:$0x1F780] =	vst v63  }
0xa1: {  	_ =	swait.ge [sflag:s29], $0x4000  }
0xa2: {  	s17 =	sshrl.u32 s17, $0x3;
	[sflag:s29] =	ssyncset.done $0x0  }
0xa3: {  	s20 =	sadd.s32 s5, s17;
	[sflag:s29] =	ssyncadd.s32 $0xFFFFC000  }
0xa4: {  	[tilespmem:s2], [sflag:$0x3] =	stream.linear.gather [hbm4b:s20+s2], $0x80, $0x38;
	[tilespmem:$0x1F780] =	vst v63  }
0xa5: {  	_ =	swait.ge [sflag:s29], $0x80  }
0xa6: {  	[sflag:s29] =	ssyncset.done $0x0  }
0xa7: {  	s17 =	sadd.s32 s6, s17;
	[sflag:s29] =	ssyncadd.s32 $0xFFFFFF80  }
0xa8: {  	[tilespmem:s30], [sflag:$0x3] =	stream.linear.gather [hbm4b:s17+s2], $0x80, $0x38;
	[tilespmem:$0x1F780] =	vst v63  }
0xa9: {  	_ =	swait.ge [sflag:s29], $0x80  }
0xaa: {  	[sflag:s29] =	ssyncset.done $0x0  }
0xab: {  	[sflag:s29] =	ssyncadd.s32 $0xFFFFFF80  }
0xac: {  	[tilespmem:s31], [sflag:$0x1] =	stream.indirect.gather [hbm4b:s4+s30], $0x80, s2, s30, $0xb8;
	[tilespmem:$0x1F780] =	vst v63  }
0xad: {  	_ =	swait.ge [sflag:s11], $0x4000  }
0xae: {  	[sflag:s11] =	ssyncset.done $0x0  }
0xaf: {  	[sflag:s11] =	ssyncadd.s32 $0xFFFFC000  }
0xb0: {  	[spmem:s1] =	stream.indirect.scatter.add.f32 [tilespmem:s8], [sflag:$0x3], $0x80, s3, s30, $0xb8;
	[tilespmem:$0x1F780] =	vst v63  }
0xb1: {  	_ =	swait.ge [sflag:s29], $0x4000  }
0xb2: {  	[sflag:s29] =	ssyncset.done $0x0  }
0xb3: {  	s21 =	rddreg [dreg:$0xf];
	[sflag:s29] =	ssyncadd.s32 $0xFFFFC000  }
0xb4: {  	[tilespmem:s0], [sflag:$0x3] =	stream.linear.gather [hbm4b:s21+s2], $0x80, $0x38;
	[tilespmem:$0x1F780] =	vst v63  }
0xb5: {  	_ =	swait.ge [sflag:s29], $0x80  }
0xb6: {  	[sflag:s29] =	ssyncset.done $0x0  }
0xb7: {  	s22 =	rddreg [dreg:$0x10];
	[sflag:s29] =	ssyncadd.s32 $0xFFFFFF80  }
0xb8: {  	[tilespmem:s3], [sflag:$0x3] =	stream.linear.gather [hbm4b:s22+s2], $0x80, $0x38;
	[tilespmem:$0x1F780] =	vst v63  }
0xb9: {  	_ =	swait.ge [sflag:s29], $0x80  }
0xba: {  	[sflag:s29] =	ssyncset.done $0x0  }
0xbb: {  	[sflag:s29] =	ssyncadd.s32 $0xFFFFFF80  }
0xbc: {  	[tilespmem:s8], [sflag:$0x2] =	stream.indirect.gather [hbm4b:s4+s30], $0x80, s0, s30, $0xb8;
	[tilespmem:$0x1F780] =	vst v63  }
0xbd: {  	_ =	swait.ge [sflag:s9], $0x4000  }
0xbe: {  	[sflag:s9] =	ssyncset.done $0x0  }
0xbf: {  	[sflag:s9] =	ssyncadd.s32 $0xFFFFC000  }
0xc0: {  	[spmem:s1] =	stream.indirect.scatter.add.f32 [tilespmem:s31], [sflag:$0x3], $0x80, s30, s30, $0xb8;
	[tilespmem:$0x1F780] =	vst v63  }
0xc1: {  	_ =	swait.ge [sflag:s29], $0x4000  }
0xc2: {  	[sflag:s29] =	ssyncset.done $0x0  }
0xc3: {  	[sflag:s29] =	ssyncadd.s32 $0xFFFFC000  }
0xc4: {  	_ =	swait.ge [sflag:s11], $0x4000  }
0xc5: {  	[sflag:s11] =	ssyncset.done $0x0  }
0xc6: {  	[sflag:s11] =	ssyncadd.s32 $0xFFFFC000  }
0xc7: {  	[spmem:s1] =	stream.indirect.scatter.add.f32 [tilespmem:s8], [sflag:$0x3], $0x80, s3, s30, $0xb8;
	[tilespmem:$0x1F780] =	vst v63  }
0xc8: {  	_ =	swait.ge [sflag:s29], $0x4000  }
0xc9: {  	[sflag:s29] =	ssyncset.done $0x0  }
0xca: {  	s18 =	rddreg [dreg:$0x9];
	[sflag:s29] =	ssyncadd.s32 $0xFFFFC000  }
0xcb: {  	[tilespmem:s12], [sflag:$0x3] =	stream.linear.gather [hbm4b:s18+s2], $0x10, $0x38;
	[tilespmem:$0x1F780] =	vst v63  }
0xcc: {  	_ =	swait.ge [sflag:s29], $0x10  }
0xcd: {  	[sflag:s29] =	ssyncset.done $0x0  }
0xce: {  	s19 =	rddreg [dreg:$0xa];
	[sflag:s29] =	ssyncadd.s32 $0xFFFFFFF0  }
0xcf: {  	[tilespmem:s13], [sflag:$0x3] =	stream.linear.gather [hbm4b:s19+s2], $0x10, $0x38;
	[tilespmem:$0x1F780] =	vst v63  }
0xd0: {  	_ =	swait.ge [sflag:s29], $0x10  }
0xd1: {  	[sflag:s29] =	ssyncset.done $0x0  }
0xd2: {  	[sflag:s29] =	ssyncadd.s32 $0xFFFFFFF0  }
0xd3: {  	[tilespmem:s15], [sflag:$0x1] =	stream.indirect.gather [hbm4b:s4+s14], $0x80, s12, s14, $0xb8;
	[tilespmem:$0x1F780] =	vst v63  }
0xd4: {  	_ =	swait.ge [sflag:s9], $0x800  }
0xd5: {  	[sflag:s9] =	ssyncset.done $0x0  }
0xd6: {  	[sflag:s9] =	ssyncadd.s32 $0xFFFFF800  }
0xd7: {  	[spmem:s1] =	stream.indirect.scatter.add.f32 [tilespmem:s15], [sflag:$0x3], $0x80, s13, s14, $0xb8;
	[tilespmem:$0x1F780] =	vst v63  }
0xd8: {  	_ =	swait.ge [sflag:s29], $0x800  }
0xd9: {  	[sflag:s29] =	ssyncset.done $0x0  }
0xda: {  	s20 =	stileid.u32;
	[sflag:s29] =	ssyncadd.s32 $0xFFFFF800  }
0xdb: {  	s17 =	sshll.u32 s20, $0x6;
	[bflag:$0x0] =	sbarrier.arrive $0xFFFF  }
0xdc: {  	s17 =	sor.u32 $0x1C03, s17;
	s21 =	sshrl.u32 s7, $0x3;
	s22 =	rddreg [dreg:$0xb]  }
0xdd: {  	[hbm:s22], [sflag:s17] =	dma.local [spmem:s21], $0x1380  }
0xde: {  	_ =	swait.ge [sflag:s29], $0x1380  }
0xdf: {  	[sflag:s29] =	ssyncset.done $0x0  }
0xe0: {  	s20 =	sshrl.u32 s10, $0x3;
	s21 =	rddreg [dreg:$0xc];
	[sflag:s29] =	ssyncadd.s32 $0xFFFFEC80  }
0xe1: {  	[hbm:s21], [sflag:s17] =	dma.local [spmem:s20], $0x1380  }
0xe2: {  	_ =	swait.ge [sflag:s29], $0x1380  }
0xe3: {  	[sflag:s29] =	ssyncset.done $0x0  }
0xe4: {  	s18 =	sshrl.u32 @!p0 s26, $0x3;
	s19 =	rddreg [dreg:$0xd];
	[sflag:s29] =	ssyncadd.s32 $0xFFFFEC80  }
0xe5: {  	[hbm:s19], [sflag:s17] =	dma.local @!p0 [spmem:s18], $0x100  }
0xe6: {  	s17 =	simm.s32 @!p0 $0x3  }
0xe7: {  	_ =	swait.ge @!p0 [sflag:s17], $0x100  }
0xe8: {  	s16 =	sadd.s32 $0x1, s16;
	s22 =	rddreg [dreg:$0xe]  }
0xe9: {  	p1 =	sne.s32 s16, s22  }
.Ltmp2:
0xea: {  	_ = 	snop;
	(pc) =	sbr.rel @p1 .LBB2_1-.Ltmp2, $3  }
0xeb: {  	_ =	sdelay $0x1  }
0xec: {  	[sflag:s17] =	ssyncset.done @!p0 $0x0  }
0xed: {  	[sflag:s17] =	ssyncadd.s32 @!p0 $0xFFFFFF00  }
0xee: {  	_ =	sfence.sel $0x180000  }
0xef: {  	[bflag:$0x0] =	sbarrier.arrive $0xFFFF  }
0xf0: {  	_ =	strace $0x9000004A  }
0xf1: {  	s0 =	stileid.u32;
	[bflag:$0x2] =	sbarrier.arrive $0xFFFF  }
0xf2: {  	p0 =	sne.s32 s0, $0x0;
	s0 =	rddreg [dreg:$0x2]  }
0xf3: {  	s0 =	sadd.s32 @!p0 $0x100000, s0  }
0xf4: {  	[sflag:s0] =	ssyncadd.tile.s32 @!p0 $0x1;
	_ =	shalt  }
.Lfunc_end2:
_tile_overlayer_lowered:
.L_overlay_start_2:
0xf5: {  	(tag) =	ssettag $0x2  }
0xf6: {  	s0 =	rddreg [dreg:$0x0];
	s2 =	stileid.u32  }
0xf7: {  	s1 =	rddreg [dreg:$0x1];
	p0 =	sne.s32 s2, $0x0  }
0xf8: {  	s3 =	rddreg [dreg:$0x2];
	[bflag:$0x3] =	sbarrier.arrive $0xFFFF;
	s2 =	simm.s32 @!p0 $0x1C03  }
0xf9: {  	[timem:s3], [sflag:s2] =	dma.local @!p0 [hbm:s0], s1  }
0xfa: {  	s0 =	simm.s32 @!p0 $0x3  }
0xfb: {  	_ =	swait.ge @!p0 [sflag:s0], s1  }
0xfc: {  	s1 =	ssub.s32 @!p0 $0x0, s1;
	[sflag:s0] =	ssyncset.done @!p0 $0x0  }
0xfd: {  	[sflag:s0] =	ssyncadd.s32 @!p0 s1  }
0xfe: {  	[bflag:$0x3] =	sbarrier.arrive $0xFFFF  }
0xff: {  	_ =	shalt  }

// kernel: kernel.14.cloned.1.call-start
scs
__scs_entry_jumppad:
0x0: {  	(pc) =	sbr.rel $0x88, $3  }
0x1: {  	(tag) =	ssettag $0x0;
	lr =	simm.s32 $0x1  }
0x2: {  	[smem:$0x3F9B] =	sst lr;
	_ =	strace $0xD0000000  }
0x3: {  	_ = 	snop  }
0x4: {  	_ = 	snop  }
0x5: {  	_ = 	snop  }
0x6: {  	_ = 	snop  }
0x7: {  	_ = 	snop  }
__scs_overlays_trampoline_lowered:
0x8: {  	[smem:$0x3FAA] =	sst s0  }
0x9: {  	[smem:$0x3FAB] =	sst s1  }
0xa: {  	[smem:$0x3FAC] =	sst s2  }
0xb: {  	[smem:$0x3FAD] =	sst s3  }
0xc: {  	[smem:$0x3FAE] =	sst s4  }
0xd: {  	[smem:$0x3FAF] =	sst s5  }
0xe: {  	[smem:$0x3FB0] =	sst s6  }
0xf: {  	[smem:$0x3FB1] =	sst s7  }
0x10: {  	[smem:$0x3FB2] =	sst s8  }
0x11: {  	[smem:$0x3FB3] =	sst s9;
	s0 =	simm.s32 @!p0 $0x0  }
0x12: {  	s1 =	sld [smem:$0x3F99];
	s0 =	simm.s32 @p0 $0x1  }
0x13: {  	[smem:$0x3FB4] =	sst s0;
	s0 =	simm.s32 @!p1 $0x0  }
0x14: {  	s2 =	sld [smem:$0x3F98];
	s0 =	simm.s32 @p1 $0x1  }
0x15: {  	[smem:$0x3FB5] =	sst s0;
	s0 =	simm.s32 @!p2 $0x0  }
0x16: {  	s3 =	sld [smem:$0x3FDB];
	s0 =	simm.s32 @p2 $0x1  }
0x17: {  	s4 =	simm.s32 $0x1BF5;
	[smem:$0x3FB7] =	sst s0  }
0x18: {  	s0 =	sld [smem:$0x3F9A];
	_ =	swait.ge [sflag:s4], $0x0  }
0x19: {  	s7 =	sld [smem:$0x3F9B]  }
0x1a: {  	s8 =	sadd.s32 $0xFFFFE003, lr  }
0x1b: {  	s9 =	sadd.s32 $0xFFFFFEF7, lr;
	s5 =	simm.s32 $0xFFFFFFFF;
	p2 =	slt.u32 s8, $0xFFFFF086  }
0x1c: {  	p1 =	slt.u32 s9, $0xF7A;
	s5 =	simm.s32 @!p2 $0x0  }
0x1d: {  	s5 =	simm.s32 @p1 $0x1;
	p0 =	seq.s32 s7, s2  }
0x1e: {  	s7 =	smul.u32 @!p0 $0xF7A, s2;
	p2 =	seq.s32 @!p0 s5, $0x0  }
0x1f: {  	s9 =	smul.u32 $0xF7A, s1;
	s8 =	simm.s32 @!p0 $0x1BF5;
	p2 =	por !p2, p0  }
0x20: {  	[sflag:s8] =	ssyncset.s32 @!p0 $0xFFFFF086;
	s6 =	sadd.s32 @!p0 s3, s7;
	s7 =	simm.s32 @!p0 $0x108  }
0x21: {  	s3 =	sadd.s32 s3, s9;
	s6 =	sadd.s32 @!p0 $0x88, s6;
	s7 =	simm.s32 @p2 $0x1082  }
0x22: {  	[simem:s7], [sflag:s8] =	dma.local @!p0 [hbm:s6], $0xF7A  }
0x23: {  	s9 =	sor.u32 $0xD0000000, s2;
	s6 =	simm.s32 $0x108;
	_ =	swait.ge @!p0 [sflag:s8], $0x0  }
0x24: {  	s3 =	sadd.s32 $0x88, s3;
	s6 =	simm.s32 @!p1 $0x1082;
	[sflag:s4] =	ssyncset.s32 $0xFFFFF086  }
0x25: {  	[simem:s6], [sflag:s4] =	dma.local [hbm:s3], $0xF7A  }
0x26: {  	[smem:$0x3F9B] =	sst s1;
	(tag) =	ssettag s2;
	_ =	strace s9  }
0x27: {  	s1 =	sld [smem:$0x3FAB]  }
0x28: {  	s2 =	sld [smem:$0x3FAC]  }
0x29: {  	s4 =	sld [smem:$0x3FAE]  }
0x2a: {  	p0 =	seq.s32 s5, $0x0;
	s5 =	sld [smem:$0x3FAF]  }
0x2b: {  	s6 =	sld [smem:$0x3FB0]  }
0x2c: {  	s7 =	sld [smem:$0x3FB1]  }
0x2d: {  	s3 =	simm.s32 $0x108;
	s8 =	sld [smem:$0x3FB2]  }
0x2e: {  	s3 =	simm.s32 @!p0 $0x1082;
	s9 =	sld [smem:$0x3FB3]  }
0x2f: {  	lr =	sadd.s32 s0, s3;
	s0 =	sld [smem:$0x3FAA]  }
0x30: {  	s3 =	sld [smem:$0x3FAD]  }
0x31: {  	[smem:$0x3FB6] =	sst s10  }
0x32: {  	s10 =	sld [smem:$0x3FB4];
	_ =	sdelay $0x3  }
0x33: {  	p0 =	seq.s32 s10, $0x1;
	s10 =	sld [smem:$0x3FB6];
	_ =	sdelay $0x3  }
0x34: {  	[smem:$0x3FB6] =	sst s10  }
0x35: {  	s10 =	sld [smem:$0x3FB5];
	_ =	sdelay $0x3  }
0x36: {  	p1 =	seq.s32 s10, $0x1;
	s10 =	sld [smem:$0x3FB6];
	_ =	sdelay $0x3  }
0x37: {  	[smem:$0x3FB6] =	sst s10  }
0x38: {  	s10 =	sld [smem:$0x3FB7]  }
0x39: {  	_ = 	snop;
	(pc) =	sbr.ind lr, $3  }
0x3a: {  	_ = 	snop  }
0x3b: {  	_ = 	snop  }
0x3c: {  	p2 =	seq.s32 s10, $0x1;
	s10 =	sld [smem:$0x3FB6]  }
0x3d: {  	_ =	shalt  }
0x3e: {  	_ =	shalt  }
0x3f: {  	_ =	shalt  }
0x40: {  	_ =	shalt  }
0x41: {  	_ =	shalt  }
0x42: {  	_ =	shalt  }
0x43: {  	_ =	shalt  }
0x44: {  	_ =	shalt  }
0x45: {  	_ =	shalt  }
0x46: {  	_ =	shalt  }
0x47: {  	_ =	shalt  }
0x48: {  	_ =	shalt  }
0x49: {  	_ =	shalt  }
0x4a: {  	_ =	shalt  }
0x4b: {  	_ =	shalt  }
0x4c: {  	_ =	shalt  }
0x4d: {  	_ =	shalt  }
0x4e: {  	_ =	shalt  }
0x4f: {  	_ =	shalt  }
0x50: {  	_ =	shalt  }
0x51: {  	_ =	shalt  }
0x52: {  	_ =	shalt  }
0x53: {  	_ =	shalt  }
0x54: {  	_ =	shalt  }
0x55: {  	_ =	shalt  }
0x56: {  	_ =	shalt  }
0x57: {  	_ =	shalt  }
0x58: {  	_ =	shalt  }
0x59: {  	_ =	shalt  }
0x5a: {  	_ =	shalt  }
0x5b: {  	_ =	shalt  }
0x5c: {  	_ =	shalt  }
0x5d: {  	_ =	shalt  }
0x5e: {  	_ =	shalt  }
0x5f: {  	_ =	shalt  }
0x60: {  	_ =	shalt  }
0x61: {  	_ =	shalt  }
0x62: {  	_ =	shalt  }
0x63: {  	_ =	shalt  }
0x64: {  	_ =	shalt  }
0x65: {  	_ =	shalt  }
0x66: {  	_ =	shalt  }
0x67: {  	_ =	shalt  }
0x68: {  	_ =	shalt  }
0x69: {  	_ =	shalt  }
0x6a: {  	_ =	shalt  }
0x6b: {  	_ =	shalt  }
0x6c: {  	_ =	shalt  }
0x6d: {  	_ =	shalt  }
0x6e: {  	_ =	shalt  }
0x6f: {  	_ =	shalt  }
0x70: {  	_ =	shalt  }
0x71: {  	_ =	shalt  }
0x72: {  	_ =	shalt  }
0x73: {  	_ =	shalt  }
0x74: {  	_ =	shalt  }
0x75: {  	_ =	shalt  }
0x76: {  	_ =	shalt  }
0x77: {  	_ =	shalt  }
0x78: {  	_ =	shalt  }
0x79: {  	_ =	shalt  }
0x7a: {  	_ =	shalt  }
0x7b: {  	_ =	shalt  }
0x7c: {  	_ =	shalt  }
0x7d: {  	_ =	shalt  }
0x7e: {  	_ =	shalt  }
0x7f: {  	_ =	shalt  }
0x80: {  	_ =	shalt  }
0x81: {  	_ =	shalt  }
0x82: {  	_ =	shalt  }
0x83: {  	_ =	shalt  }
0x84: {  	_ =	shalt  }
0x85: {  	_ =	shalt  }
0x86: {  	_ =	shalt  }
0x87: {  	_ =	shalt  }
.Lfunc_end0:
.L_simem_size_0:
called_computation.2_lowered:
.L_overlay_start_0:
0x88: {  	s2 =	sld [smem:$0x3FD9]  }
0x89: {  	s3 =	sld [smem:$0x3FFE];
	_ =	sdelay $0x1  }
0x8a: {  	s1 =	srdreg.scid  }
0x8b: {  	s0 =	sand.u32 $0x1, s1  }
0x8c: {  	s16 =	sshll.u32 s0, $0xA;
	s2 =	sadd.s32 s3, s2  }
0x8d: {  	s2 =	sadd.s32 s2, s16  }
0x8e: {  	[smem:$0x3FC2] =	sst s2  }
0x8f: {  	_ = 	snop  }
0x90: {  	(tm) =	ssettm $0x1  }
0x91: {  	s17 =	sld [smem:$0x3FFB];
	_ =	sdelay $0x3  }
0x92: {  	_ =	strace s17  }
0x93: {  	s2 =	sld [smem:$0x3FFC];
	_ =	sdelay $0x3  }
0x94: {  	_ =	strace s2  }
0x95: {  	s2 =	sld [smem:$0x3FFD];
	_ =	sdelay $0x3  }
0x96: {  	_ =	strace s2  }
0x97: {  	_ =	strace $0x8FFFFFFF  }
0x98: {  	s18 =	sld [smem:$0x3FDB];
	_ =	sdelay $0x1  }
0x99: {  	s19 =	simm.s32 $_scs_section_size  }
0x9a: {  	s4 =	simm.s32 $_size__tile_overlayer_lowered;
	s5 =	simm.s32 $_tile_overlayer_lowered  }
0x9b: {  	s22 =	simm.s32 $0x1BFF;
	s21 =	sshll.u32 s5, $0x1;
	s2 =	sadd.s32 s19, s18  }
0x9c: {  	s6 =	simm.s32 $0x0;
	s20 =	sshll.u32 s4, $0x1;
	s4 =	sadd.s32 s21, s2  }
0x9d: {  	[timem:s6], [sflag:s22] =	dma.local [hbm:s4], s20  }
0x9e: {  	_ =	swait.ge [sflag:s22], s20  }
0x9f: {  	s3 =	ssub.s32 $0x0, s20;
	[sflag:s22] =	ssyncset.done $0x0  }
0xa0: {  	[sflag:s22] =	ssyncadd.s32 s3;
	_ =	sdelay $0x1  }
0xa1: {  	s23 =	simm.s32 $0x1B8B  }
0xa2: {  	_ =	swait.ge [sflag:s23], $0x1  }
0xa3: {  	[sflag:s23] =	ssyncset.done $0x0  }
0xa4: {  	s25 =	simm.s32 $0x1B8E;
	s24 =	sld [smem:$0x3FFE];
	[sflag:s23] =	ssyncadd.s32 $0xFFFFFFFF  }
0xa5: {  	s26 =	simm.s32 $execute0_lowered;
	[smem:$0x3FD2] =	sst s25  }
0xa6: {  	s4 =	sshll.u32 s26, $0x1;
	_ =	strace $0x8000004C;
	[dreg:$0x1] =	wrdreg $0xFFFFFFFF  }
0xa7: {  	s28 =	simm.s32 $_size_execute0_lowered;
	s2 =	sadd.s32 s2, s4;
	[dreg:$0x0] =	wrdreg $0x0  }
0xa8: {  	s4 =	sshll.u32 s28, $0x1;
	[dreg:$0x2] =	wrdreg s2  }
0xa9: {  	[dreg:$0x3] =	wrdreg s4  }
0xaa: {  	[dreg:$0x4] =	wrdreg $0xC0  }
0xab: {  	_ =	task [dreg:s6], $0x5FFFF  }
0xac: {  	[dreg:$0x1] =	wrdreg $0xFFFFFFFF  }
0xad: {  	[dreg:$0x0] =	wrdreg $0x60  }
0xae: {  	[dreg:$0x2] =	wrdreg s24  }
0xaf: {  	[dreg:$0x3] =	wrdreg $0xBF000  }
0xb0: {  	[dreg:$0x4] =	wrdreg $0x9  }
0xb1: {  	_ =	task.clear_ibuf [dreg:s6], $0x5FFFF;
	_ =	strace $0x9000004C  }
0xb2: {  	s29 =	simm.s32 $0x9;
	_ =	strace $0x8000004E  }
0xb3: {  	_ =	swait.ge [sflag:s29], $0x1  }
0xb4: {  	[sflag:s29] =	ssyncadd.s32 $0xFFFFFFFF  }
0xb5: {  	_ =	strace $0x9000004E  }
0xb6: {  	_ =	sfence  }
0xb7: {  	s30 =	sld [smem:$0x0];
	_ =	sdelay $0x2  }
0xb8: {  	s31 =	sshll.u32 s1, $0xD;
	s1 =	sshrl.u32 s1, $0x2  }
0xb9: {  	s3 =	sand.u32 $0x4000, s31;
	s1 =	sadd.s32 s1, s30  }
0xba: {  	s0 =	sor.u32 s3, s0;
	s1 =	sshll.u32 s1, $0x11  }
0xbb: {  	s0 =	sor.u32 s1, s0  }
0xbc: {  	s0 =	sadd.s32 $0x8F2B, s0  }
0xbd: {  	[sflag:s0] =	ssyncadd.remote.s32 $0x1  }
0xbe: {  	_ =	sfence.sel $0xFFFF  }
0xbf: {  	[dreg:$0x0] =	wrdreg $0xFFFFFFFF;
	(pc) =	sbr.abs _section_cstart, $3  }
0xc0: {  	[dreg:$0x1] =	wrdreg $0xFFFFFFFF  }
0xc1: {  	_ =	task.clear_ibuf [dreg:s6], $0x2FFFF;
	_ =	strace $0x9FFFFFFF  }
0xc2: {  	(tm) =	ssettm $0x7FFFFFFF  }
0xc3: {  	_ =	shalt  }
tec
execute0_lowered:
.L_overlay_start_1:
0x0: {  	(tag) =	ssettag $0x1  }
0x1: {  	s0 =	rddreg [dreg:$0x0]  }
0x2: {  	s1 =	rddreg [dreg:$0x1]  }
0x3: {  	s2 =	simm.s32 $0x0;
	s3 =	srdreg.scid;
	s15 =	stileid.u32  }
0x4: {  	s28 =	simm.s32 $0x8B00;
	s29 =	simm.s32 $0x3;
	s30 =	simm.s32 $0x80  }
0x5: {  	[smem:$0x7FF] =	sst s2;
	s4 =	sadd.s32 $0x15A00, s0;
	s3 =	sand.u32 $0x1, s3  }
0x6: {  	s5 =	sadd.s32 $0x1E00, s0;
	s8 =	smul.u32 $0x4E000, s15;
	s6 =	sadd.s32 $0xBC00, s0  }
0x7: {  	s0 =	sadd.s32 $0x3CC00, s0;
	s10 =	sshll.u32 s15, $0x1;
	s11 =	smul.u32 $0x13800, s15  }
0x8: {  	s21 =	smul.u32 $0x4E20, s15;
	p0 =	sne.s32 s15, $0xF;
	s15 =	simm.s32 $0x8300  }
0x9: {  	s31 =	simm.s32 $0x100;
	_ =	strace $0x8000004D;
	s18 =	smul.u32 $0x138800, s3  }
0xa: {  	s7 =	ssub.s32 $0x2, s3;
	s10 =	sor.u32 s3, s10;
	s3 =	smul.u32 $0x2710, s3  }
0xb: {  	s9 =	sshrl.u32 s7, $0x1;
	s8 =	sshrl.u32 s8, $0x2;
	s26 =	sadd.s32 $0x9C00, s11  }
0xc: {  	s12 =	smul.u32 $0x2710, s10;
	s9 =	ssub.s32 s7, s9;
	s7 =	sadd.s32 s8, s1  }
0xd: {  	s10 =	sadd.s32 s26, s1;
	s11 =	sadd.s32 s11, s18;
	s3 =	sadd.s32 s3, s21  }
0xe: {  	s8 =	sadd.s32 $0x3400, s7;
	s16 =	sadd.s32 $0x6800, s7;
	s13 =	sadd.s32 $0xD000, s7  }
0xf: {  	s17 =	sadd.s32 $0x10400, s7;
	s12 =	sshrl.u32 s12, $0x3;
	[dreg:$0x3] =	wrdreg s8  }
0x10: {  	s11 =	sshrl.u32 s11, $0x3;
	s23 =	smax.u32 s9, $0x1;
	[dreg:$0x4] =	wrdreg s16  }
0x11: {  	s25 =	sadd.s32 $0x80, s3;
	s9 =	simm.s32 $0x1;
	[dreg:$0x5] =	wrdreg s13  }
0x12: {  	[dreg:$0x6] =	wrdreg s17;
	s14 =	sadd.s32 s5, s12;
	s19 =	sadd.s32 s6, s12  }
0x13: {  	s20 =	sadd.s32 $0x4E0, s12;
	s8 =	sadd.s32 s18, s26;
	s13 =	sshrl.u32 s18, $0x3  }
0x14: {  	s11 =	sadd.s32 s0, s11;
	s22 =	sadd.s32 $0x4D0, s12;
	[dreg:$0xe] =	wrdreg s23  }
0x15: {  	s23 =	sadd.s32 $0x100, s3;
	s26 =	sshrl.u32 s25, $0x3;
	[dreg:$0x7] =	wrdreg s14  }
0x16: {  	s3 =	simm.s32 $0x4180;
	s12 =	simm.s32 $0x8200;
	[dreg:$0x8] =	wrdreg s19  }
0x17: {  	s16 =	sadd.s32 s5, s20;
	s14 =	sadd.s32 s6, s20;
	[dreg:$0xb] =	wrdreg s11  }
0x18: {  	s8 =	sshrl.u32 s8, $0x3;
	s24 =	sadd.s32 s5, s22;
	[dreg:$0x9] =	wrdreg s16  }
0x19: {  	s25 =	sadd.s32 s26, s5;
	s11 =	simm.s32 $0x2;
	[dreg:$0xa] =	wrdreg s14  }
0x1a: {  	s8 =	sadd.s32 s0, s8;
	s0 =	sadd.s32 s0, s13;
	[dreg:$0xf] =	wrdreg s24  }
0x1b: {  	s24 =	sadd.s32 s26, s6;
	s26 =	sadd.s32 $0x138000, s1;
	s13 =	simm.s32 $0x8280  }
0x1c: {  	s14 =	simm.s32 $0x10;
	[dreg:$0xc] =	wrdreg s8;
	s0 =	sadd.s32 $0x27000, s0  }
0x1d: {  	s16 =	simm.s32 $0x0;
	[dreg:$0xd] =	wrdreg s0;
	s0 =	sadd.s32 s6, s22  }
0x1e: {  	v0 =	vimm.f32 $0.0e+00;
	s8 =	simm.s32 $0x4200;
	[dreg:$0x10] =	wrdreg s0;
	s0 =	simm.s32 $0x4100  }
.LBB2_1:
0x1f: {  	s17 =	sand.u32 $0xFE00, s2  }
0x20: {  	s18 =	sand.u32 $0x70, s2;
	s19 =	sshrl.u32 s17, $0x2  }
0x21: {  	s17 =	simm.s32 $0x40;
	s19 =	sor.u32 s18, s19;
	s18 =	simm.s32 $0x0  }
.LBB2_2:
0x22: {  	p1 =	sne.s32 s17, $0xCFC0  }
0x23: {  	[tilespmem:s19+$0x8B00] =	vst v0;
	s18 =	sadd.s32 $0x10, s18;
	s19 =	smov.u32 s17;
	s17 =	sadd.s32 $0x40, s17  }
.Ltmp0:
0x24: {  	(pc) =	sbr.rel @p1 .LBB2_2-.Ltmp0, $4  }
0x25: {  	_ = 	snop  }
0x26: {  	s19 =	sand.u32 $0xFE00, s19  }
0x27: {  	s20 =	sand.u32 $0x70, s18;
	s19 =	sshrl.u32 s19, $0x2  }
0x28: {  	s19 =	sor.u32 s20, s19  }
0x29: {  	[tilespmem:s19+$0x8B00] =	vst v0  }
0x2a: {  	[spmem:s7] =	stream.linear.scatter [tilespmem:s28], [sflag:$0x3], $0x3400, $0x38;
	[tilespmem:$0x1F780] =	vst v63  }
0x2b: {  	_ =	swait.ge [sflag:s29], $0x3400  }
0x2c: {  	[sflag:s29] =	ssyncset.done $0x0  }
0x2d: {  	s17 =	rddreg [dreg:$0x3];
	[sflag:s29] =	ssyncadd.s32 $0xFFFFCC00  }
0x2e: {  	[spmem:s17] =	stream.linear.scatter [tilespmem:s28], [sflag:$0x3], $0x3400, $0x38;
	[tilespmem:$0x1F780] =	vst v63  }
0x2f: {  	_ =	swait.ge [sflag:s29], $0x3400  }
0x30: {  	[sflag:s29] =	ssyncset.done $0x0  }
0x31: {  	s18 =	rddreg [dreg:$0x4];
	[sflag:s29] =	ssyncadd.s32 $0xFFFFCC00  }
0x32: {  	[spmem:s18] =	stream.linear.scatter [tilespmem:s28], [sflag:$0x3], $0x3400, $0x38;
	[tilespmem:$0x1F780] =	vst v63  }
0x33: {  	_ =	swait.ge [sflag:s29], $0x3400  }
0x34: {  	[sflag:s29] =	ssyncset.done $0x0  }
0x35: {  	[sflag:s29] =	ssyncadd.s32 $0xFFFFCC00  }
0x36: {  	[spmem:s10] =	stream.linear.scatter [tilespmem:s28], [sflag:$0x3], $0x3400, $0x38;
	[tilespmem:$0x1F780] =	vst v63  }
0x37: {  	_ =	swait.ge [sflag:s29], $0x3400  }
0x38: {  	[sflag:s29] =	ssyncset.done $0x0  }
0x39: {  	s19 =	rddreg [dreg:$0x5];
	[sflag:s29] =	ssyncadd.s32 $0xFFFFCC00  }
0x3a: {  	[spmem:s19] =	stream.linear.scatter [tilespmem:s28], [sflag:$0x3], $0x3400, $0x38;
	[tilespmem:$0x1F780] =	vst v63  }
0x3b: {  	_ =	swait.ge [sflag:s29], $0x3400  }
0x3c: {  	[sflag:s29] =	ssyncset.done $0x0  }
0x3d: {  	s20 =	rddreg [dreg:$0x6];
	[sflag:s29] =	ssyncadd.s32 $0xFFFFCC00  }
0x3e: {  	[spmem:s20] =	stream.linear.scatter [tilespmem:s28], [sflag:$0x3], $0x3400, $0x38;
	[tilespmem:$0x1F780] =	vst v63  }
0x3f: {  	_ =	swait.ge [sflag:s29], $0x3400  }
0x40: {  	[sflag:s29] =	ssyncset.done $0x0  }
0x41: {  	s17 =	simm.s32 @!p0 $0x8B00;
	[sflag:s29] =	ssyncadd.s32 $0xFFFFCC00  }
0x42: {  	[spmem:s26] =	stream.linear.scatter @!p0 [tilespmem:s17], [sflag:$0x3], $0x800, $0x38;
	[tilespmem:$0x1F780] =	vst v63  }
0x43: {  	s17 =	simm.s32 @!p0 $0x3  }
0x44: {  	_ =	swait.ge @!p0 [sflag:s17], $0x800  }
0x45: {  	[sflag:s17] =	ssyncset.done @!p0 $0x0  }
0x46: {  	[sflag:s17] =	ssyncadd.s32 @!p0 $0xFFFFF800  }
0x47: {  	[bflag:$0x0] =	sbarrier.arrive $0xFFFF  }
0x48: {  	s21 =	simm.s32 $0x0;
	s18 =	rddreg [dreg:$0x7]  }
0x49: {  	[tilespmem:s21], [sflag:$0x3] =	stream.linear.gather [hbm4b:s18+s21], $0x80, $0x38;
	[tilespmem:$0x1F780] =	vst v63  }
0x4a: {  	_ =	swait.ge [sflag:s29], $0x80  }
0x4b: {  	[sflag:s29] =	ssyncset.done $0x0  }
0x4c: {  	s22 =	rddreg [dreg:$0x8];
	[sflag:s29] =	ssyncadd.s32 $0xFFFFFF80  }
0x4d: {  	[tilespmem:s30], [sflag:$0x3] =	stream.linear.gather [hbm4b:s22+s21], $0x80, $0x38;
	[tilespmem:$0x1F780] =	vst v63  }
0x4e: {  	_ =	swait.ge [sflag:s29], $0x80  }
0x4f: {  	[sflag:s29] =	ssyncset.done $0x0  }
0x50: {  	[sflag:s29] =	ssyncadd.s32 $0xFFFFFF80  }
0x51: {  	[tilespmem:s31], [sflag:$0x1] =	stream.indirect.gather [hbm4b:s4+s30], $0x80, s21, s30, $0xb8;
	[tilespmem:$0x1F780] =	vst v63  }
0x52: {  	s19 =	sadd.s32 $0x0, s25  }
0x53: {  	[tilespmem:s0], [sflag:$0x3] =	stream.linear.gather [hbm4b:s19+s2], $0x80, $0x38;
	[tilespmem:$0x1F780] =	vst v63  }
0x54: {  	_ =	swait.ge [sflag:s29], $0x80  }
0x55: {  	[sflag:s29] =	ssyncset.done $0x0  }
0x56: {  	s20 =	sadd.s32 $0x0, s24;
	[sflag:s29] =	ssyncadd.s32 $0xFFFFFF80  }
0x57: {  	[tilespmem:s3], [sflag:$0x3] =	stream.linear.gather [hbm4b:s20+s2], $0x80, $0x38;
	[tilespmem:$0x1F780] =	vst v63  }
0x58: {  	_ =	swait.ge [sflag:s29], $0x80  }
0x59: {  	[sflag:s29] =	ssyncset.done $0x0  }
0x5a: {  	[sflag:s29] =	ssyncadd.s32 $0xFFFFFF80  }
0x5b: {  	[tilespmem:s8], [sflag:$0x2] =	stream.indirect.gather [hbm4b:s4+s30], $0x80, s0, s30, $0xb8;
	[tilespmem:$0x1F780] =	vst v63  }
0x5c: {  	_ =	swait.ge [sflag:s9], $0x4000  }
0x5d: {  	[sflag:s9] =	ssyncset.done $0x0  }
0x5e: {  	[sflag:s9] =	ssyncadd.s32 $0xFFFFC000  }
0x5f: {  	[spmem:s1] =	stream.indirect.scatter.add.f32 [tilespmem:s31], [sflag:$0x3], $0x80, s30, s30, $0xb8;
	[tilespmem:$0x1F780] =	vst v63  }
0x60: {  	_ =	swait.ge [sflag:s29], $0x4000  }
0x61: {  	s21 =	sshrl.u32 s23, $0x3;
	[sflag:s29] =	ssyncset.done $0x0  }
0x62: {  	s22 =	sadd.s32 s5, s21;
	[sflag:s29] =	ssyncadd.s32 $0xFFFFC000  }
0x63: {  	[tilespmem:s2], [sflag:$0x3] =	stream.linear.gather [hbm4b:s22+s2], $0x80, $0x38;
	[tilespmem:$0x1F780] =	vst v63  }
0x64: {  	_ =	swait.ge [sflag:s29], $0x80  }
0x65: {  	[sflag:s29] =	ssyncset.done $0x0  }
0x66: {  	s17 =	sadd.s32 s6, s21;
	[sflag:s29] =	ssyncadd.s32 $0xFFFFFF80  }
0x67: {  	[tilespmem:s30], [sflag:$0x3] =	stream.linear.gather [hbm4b:s17+s2], $0x80, $0x38;
	[tilespmem:$0x1F780] =	vst v63  }
0x68: {  	_ =	swait.ge [sflag:s29], $0x80  }
0x69: {  	[sflag:s29] =	ssyncset.done $0x0  }
0x6a: {  	[sflag:s29] =	ssyncadd.s32 $0xFFFFFF80  }
0x6b: {  	[tilespmem:s31], [sflag:$0x1] =	stream.indirect.gather [hbm4b:s4+s30], $0x80, s2, s30, $0xb8;
	[tilespmem:$0x1F780] =	vst v63  }
0x6c: {  	_ =	swait.ge [sflag:s11], $0x4000  }
0x6d: {  	[sflag:s11] =	ssyncset.done $0x0  }
0x6e: {  	[sflag:s11] =	ssyncadd.s32 $0xFFFFC000  }
0x6f: {  	[spmem:s1] =	stream.indirect.scatter.add.f32 [tilespmem:s8], [sflag:$0x3], $0x80, s3, s30, $0xb8;
	[tilespmem:$0x1F780] =	vst v63  }
0x70: {  	s18 =	simm.s32 $0x20;
	_ =	swait.ge [sflag:s29], $0x4000  }
0x71: {  	s19 =	simm.s32 $0x40;
	s17 =	sadd.s32 $0x100, s23;
	[sflag:s29] =	ssyncset.done $0x0  }
.LBB2_4:
0x72: {  	s21 =	sadd.s32 s18, s25  }
0x73: {  	[sflag:s29] =	ssyncadd.s32 $0xFFFFC000;
	s22 =	smov.u32 s19;
	s20 =	sadd.s32 $0x20, s19  }
0x74: {  	[tilespmem:s0], [sflag:$0x3] =	stream.linear.gather [hbm4b:s21+s2], $0x80, $0x38;
	[tilespmem:$0x1F780] =	vst v63  }
0x75: {  	p1 =	sne.s32 s19, $0x4A0;
	_ =	swait.ge [sflag:s29], $0x80  }
0x76: {  	[sflag:s29] =	ssyncset.done $0x0  }
0x77: {  	s19 =	sadd.s32 s18, s24;
	s18 =	smov.u32 s22;
	[sflag:s29] =	ssyncadd.s32 $0xFFFFFF80  }
0x78: {  	[tilespmem:s3], [sflag:$0x3] =	stream.linear.gather [hbm4b:s19+s2], $0x80, $0x38;
	[tilespmem:$0x1F780] =	vst v63  }
0x79: {  	_ =	swait.ge [sflag:s29], $0x80  }
0x7a: {  	[sflag:s29] =	ssyncset.done $0x0  }
0x7b: {  	[sflag:s29] =	ssyncadd.s32 $0xFFFFFF80  }
0x7c: {  	[tilespmem:s8], [sflag:$0x2] =	stream.indirect.gather [hbm4b:s4+s30], $0x80, s0, s30, $0xb8;
	[tilespmem:$0x1F780] =	vst v63  }
0x7d: {  	_ =	swait.ge [sflag:s9], $0x4000  }
0x7e: {  	[sflag:s9] =	ssyncset.done $0x0  }
0x7f: {  	[sflag:s9] =	ssyncadd.s32 $0xFFFFC000  }
0x80: {  	[spmem:s1] =	stream.indirect.scatter.add.f32 [tilespmem:s31], [sflag:$0x3], $0x80, s30, s30, $0xb8;
	[tilespmem:$0x1F780] =	vst v63  }
0x81: {  	_ =	swait.ge [sflag:s29], $0x4000  }
0x82: {  	s19 =	sshrl.u32 s17, $0x3;
	[sflag:s29] =	ssyncset.done $0x0  }
0x83: {  	s21 =	sadd.s32 s5, s19;
	[sflag:s29] =	ssyncadd.s32 $0xFFFFC000  }
0x84: {  	[tilespmem:s2], [sflag:$0x3] =	stream.linear.gather [hbm4b:s21+s2], $0x80, $0x38;
	[tilespmem:$0x1F780] =	vst v63  }
0x85: {  	_ =	swait.ge [sflag:s29], $0x80  }
0x86: {  	[sflag:s29] =	ssyncset.done $0x0  }
0x87: {  	s19 =	sadd.s32 s6, s19;
	[sflag:s29] =	ssyncadd.s32 $0xFFFFFF80  }
0x88: {  	[tilespmem:s30], [sflag:$0x3] =	stream.linear.gather [hbm4b:s19+s2], $0x80, $0x38;
	[tilespmem:$0x1F780] =	vst v63  }
0x89: {  	_ =	swait.ge [sflag:s29], $0x80  }
0x8a: {  	[sflag:s29] =	ssyncset.done $0x0  }
0x8b: {  	[sflag:s29] =	ssyncadd.s32 $0xFFFFFF80  }
0x8c: {  	[tilespmem:s31], [sflag:$0x1] =	stream.indirect.gather [hbm4b:s4+s30], $0x80, s2, s30, $0xb8;
	[tilespmem:$0x1F780] =	vst v63  }
0x8d: {  	_ =	swait.ge [sflag:s11], $0x4000  }
.Ltmp1:
0x8e: {  	[sflag:s11] =	ssyncset.done $0x0;
	(pc) =	sbr.rel @p1 .LBB2_4-.Ltmp1, $4  }
0x8f: {  	[sflag:s11] =	ssyncadd.s32 $0xFFFFC000  }
0x90: {  	[spmem:s1] =	stream.indirect.scatter.add.f32 [tilespmem:s8], [sflag:$0x3], $0x80, s3, s30, $0xb8;
	[tilespmem:$0x1F780] =	vst v63  }
0x91: {  	_ =	swait.ge [sflag:s29], $0x4000  }
0x92: {  	s17 =	sadd.s32 $0x100, s17;
	s19 =	smov.u32 s20;
	[sflag:s29] =	ssyncset.done $0x0  }
0x93: {  	s19 =	sadd.s32 s18, s25;
	[sflag:s29] =	ssyncadd.s32 $0xFFFFC000  }
0x94: {  	[tilespmem:s0], [sflag:$0x3] =	stream.linear.gather [hbm4b:s19+s2], $0x80, $0x38;
	[tilespmem:$0x1F780] =	vst v63  }
0x95: {  	_ =	swait.ge [sflag:s29], $0x80  }
0x96: {  	[sflag:s29] =	ssyncset.done $0x0  }
0x97: {  	s19 =	sadd.s32 s18, s24;
	[sflag:s29] =	ssyncadd.s32 $0xFFFFFF80  }
0x98: {  	[tilespmem:s3], [sflag:$0x3] =	stream.linear.gather [hbm4b:s19+s2], $0x80, $0x38;
	[tilespmem:$0x1F780] =	vst v63  }
0x99: {  	_ =	swait.ge [sflag:s29], $0x80  }
0x9a: {  	[sflag:s29] =	ssyncset.done $0x0  }
0x9b: {  	[sflag:s29] =	ssyncadd.s32 $0xFFFFFF80  }
0x9c: {  	[tilespmem:s8], [sflag:$0x2] =	stream.indirect.gather [hbm4b:s4+s30], $0x80, s0, s30, $0xb8;
	[tilespmem:$0x1F780] =	vst v63  }
0x9d: {  	_ =	swait.ge [sflag:s9], $0x4000  }
0x9e: {  	[sflag:s9] =	ssyncset.done $0x0  }
0x9f: {  	[sflag:s9] =	ssyncadd.s32 $0xFFFFC000  }
0xa0: {  	[spmem:s1] =	stream.indirect.scatter.add.f32 [tilespmem:s31], [sflag:$0x3], $0x80, s30, s30, $0xb8;
	[tilespmem:$0x1F780] =	vst v63  }
0xa1: {  	_ =	swait.ge [sflag:s29], $0x4000  }
0xa2: {  	s17 =	sshrl.u32 s17, $0x3;
	[sflag:s29] =	ssyncset.done $0x0  }
0xa3: {  	s20 =	sadd.s32 s5, s17;
	[sflag:s29] =	ssyncadd.s32 $0xFFFFC000  }
0xa4: {  	[tilespmem:s2], [sflag:$0x3] =	stream.linear.gather [hbm4b:s20+s2], $0x80, $0x38;
	[tilespmem:$0x1F780] =	vst v63  }
0xa5: {  	_ =	swait.ge [sflag:s29], $0x80  }
0xa6: {  	[sflag:s29] =	ssyncset.done $0x0  }
0xa7: {  	s17 =	sadd.s32 s6, s17;
	[sflag:s29] =	ssyncadd.s32 $0xFFFFFF80  }
0xa8: {  	[tilespmem:s30], [sflag:$0x3] =	stream.linear.gather [hbm4b:s17+s2], $0x80, $0x38;
	[tilespmem:$0x1F780] =	vst v63  }
0xa9: {  	_ =	swait.ge [sflag:s29], $0x80  }
0xaa: {  	[sflag:s29] =	ssyncset.done $0x0  }
0xab: {  	[sflag:s29] =	ssyncadd.s32 $0xFFFFFF80  }
0xac: {  	[tilespmem:s31], [sflag:$0x1] =	stream.indirect.gather [hbm4b:s4+s30], $0x80, s2, s30, $0xb8;
	[tilespmem:$0x1F780] =	vst v63  }
0xad: {  	_ =	swait.ge [sflag:s11], $0x4000  }
0xae: {  	[sflag:s11] =	ssyncset.done $0x0  }
0xaf: {  	[sflag:s11] =	ssyncadd.s32 $0xFFFFC000  }
0xb0: {  	[spmem:s1] =	stream.indirect.scatter.add.f32 [tilespmem:s8], [sflag:$0x3], $0x80, s3, s30, $0xb8;
	[tilespmem:$0x1F780] =	vst v63  }
0xb1: {  	_ =	swait.ge [sflag:s29], $0x4000  }
0xb2: {  	[sflag:s29] =	ssyncset.done $0x0  }
0xb3: {  	s21 =	rddreg [dreg:$0xf];
	[sflag:s29] =	ssyncadd.s32 $0xFFFFC000  }
0xb4: {  	[tilespmem:s0], [sflag:$0x3] =	stream.linear.gather [hbm4b:s21+s2], $0x80, $0x38;
	[tilespmem:$0x1F780] =	vst v63  }
0xb5: {  	_ =	swait.ge [sflag:s29], $0x80  }
0xb6: {  	[sflag:s29] =	ssyncset.done $0x0  }
0xb7: {  	s22 =	rddreg [dreg:$0x10];
	[sflag:s29] =	ssyncadd.s32 $0xFFFFFF80  }
0xb8: {  	[tilespmem:s3], [sflag:$0x3] =	stream.linear.gather [hbm4b:s22+s2], $0x80, $0x38;
	[tilespmem:$0x1F780] =	vst v63  }
0xb9: {  	_ =	swait.ge [sflag:s29], $0x80  }
0xba: {  	[sflag:s29] =	ssyncset.done $0x0  }
0xbb: {  	[sflag:s29] =	ssyncadd.s32 $0xFFFFFF80  }
0xbc: {  	[tilespmem:s8], [sflag:$0x2] =	stream.indirect.gather [hbm4b:s4+s30], $0x80, s0, s30, $0xb8;
	[tilespmem:$0x1F780] =	vst v63  }
0xbd: {  	_ =	swait.ge [sflag:s9], $0x4000  }
0xbe: {  	[sflag:s9] =	ssyncset.done $0x0  }
0xbf: {  	[sflag:s9] =	ssyncadd.s32 $0xFFFFC000  }
0xc0: {  	[spmem:s1] =	stream.indirect.scatter.add.f32 [tilespmem:s31], [sflag:$0x3], $0x80, s30, s30, $0xb8;
	[tilespmem:$0x1F780] =	vst v63  }
0xc1: {  	_ =	swait.ge [sflag:s29], $0x4000  }
0xc2: {  	[sflag:s29] =	ssyncset.done $0x0  }
0xc3: {  	[sflag:s29] =	ssyncadd.s32 $0xFFFFC000  }
0xc4: {  	_ =	swait.ge [sflag:s11], $0x4000  }
0xc5: {  	[sflag:s11] =	ssyncset.done $0x0  }
0xc6: {  	[sflag:s11] =	ssyncadd.s32 $0xFFFFC000  }
0xc7: {  	[spmem:s1] =	stream.indirect.scatter.add.f32 [tilespmem:s8], [sflag:$0x3], $0x80, s3, s30, $0xb8;
	[tilespmem:$0x1F780] =	vst v63  }
0xc8: {  	_ =	swait.ge [sflag:s29], $0x4000  }
0xc9: {  	[sflag:s29] =	ssyncset.done $0x0  }
0xca: {  	s18 =	rddreg [dreg:$0x9];
	[sflag:s29] =	ssyncadd.s32 $0xFFFFC000  }
0xcb: {  	[tilespmem:s12], [sflag:$0x3] =	stream.linear.gather [hbm4b:s18+s2], $0x10, $0x38;
	[tilespmem:$0x1F780] =	vst v63  }
0xcc: {  	_ =	swait.ge [sflag:s29], $0x10  }
0xcd: {  	[sflag:s29] =	ssyncset.done $0x0  }
0xce: {  	s19 =	rddreg [dreg:$0xa];
	[sflag:s29] =	ssyncadd.s32 $0xFFFFFFF0  }
0xcf: {  	[tilespmem:s13], [sflag:$0x3] =	stream.linear.gather [hbm4b:s19+s2], $0x10, $0x38;
	[tilespmem:$0x1F780] =	vst v63  }
0xd0: {  	_ =	swait.ge [sflag:s29], $0x10  }
0xd1: {  	[sflag:s29] =	ssyncset.done $0x0  }
0xd2: {  	[sflag:s29] =	ssyncadd.s32 $0xFFFFFFF0  }
0xd3: {  	[tilespmem:s15], [sflag:$0x1] =	stream.indirect.gather [hbm4b:s4+s14], $0x80, s12, s14, $0xb8;
	[tilespmem:$0x1F780] =	vst v63  }
0xd4: {  	_ =	swait.ge [sflag:s9], $0x800  }
0xd5: {  	[sflag:s9] =	ssyncset.done $0x0  }
0xd6: {  	[sflag:s9] =	ssyncadd.s32 $0xFFFFF800  }
0xd7: {  	[spmem:s1] =	stream.indirect.scatter.add.f32 [tilespmem:s15], [sflag:$0x3], $0x80, s13, s14, $0xb8;
	[tilespmem:$0x1F780] =	vst v63  }
0xd8: {  	_ =	swait.ge [sflag:s29], $0x800  }
0xd9: {  	[sflag:s29] =	ssyncset.done $0x0  }
0xda: {  	s20 =	stileid.u32;
	[sflag:s29] =	ssyncadd.s32 $0xFFFFF800  }
0xdb: {  	s17 =	sshll.u32 s20, $0x6;
	[bflag:$0x0] =	sbarrier.arrive $0xFFFF  }
0xdc: {  	s17 =	sor.u32 $0x1C03, s17;
	s21 =	sshrl.u32 s7, $0x3;
	s22 =	rddreg [dreg:$0xb]  }
0xdd: {  	[hbm:s22], [sflag:s17] =	dma.local [spmem:s21], $0x1380  }
0xde: {  	_ =	swait.ge [sflag:s29], $0x1380  }
0xdf: {  	[sflag:s29] =	ssyncset.done $0x0  }
0xe0: {  	s20 =	sshrl.u32 s10, $0x3;
	s21 =	rddreg [dreg:$0xc];
	[sflag:s29] =	ssyncadd.s32 $0xFFFFEC80  }
0xe1: {  	[hbm:s21], [sflag:s17] =	dma.local [spmem:s20], $0x1380  }
0xe2: {  	_ =	swait.ge [sflag:s29], $0x1380  }
0xe3: {  	[sflag:s29] =	ssyncset.done $0x0  }
0xe4: {  	s18 =	sshrl.u32 @!p0 s26, $0x3;
	s19 =	rddreg [dreg:$0xd];
	[sflag:s29] =	ssyncadd.s32 $0xFFFFEC80  }
0xe5: {  	[hbm:s19], [sflag:s17] =	dma.local @!p0 [spmem:s18], $0x100  }
0xe6: {  	s17 =	simm.s32 @!p0 $0x3  }
0xe7: {  	_ =	swait.ge @!p0 [sflag:s17], $0x100  }
0xe8: {  	s16 =	sadd.s32 $0x1, s16;
	s22 =	rddreg [dreg:$0xe]  }
0xe9: {  	p1 =	sne.s32 s16, s22  }
.Ltmp2:
0xea: {  	_ = 	snop;
	(pc) =	sbr.rel @p1 .LBB2_1-.Ltmp2, $3  }
0xeb: {  	_ =	sdelay $0x1  }
0xec: {  	[sflag:s17] =	ssyncset.done @!p0 $0x0  }
0xed: {  	[sflag:s17] =	ssyncadd.s32 @!p0 $0xFFFFFF00  }
0xee: {  	_ =	sfence.sel $0x180000  }
0xef: {  	[bflag:$0x0] =	sbarrier.arrive $0xFFFF  }
0xf0: {  	_ =	strace $0x9000004D  }
0xf1: {  	s0 =	stileid.u32;
	[bflag:$0x2] =	sbarrier.arrive $0xFFFF  }
0xf2: {  	p0 =	sne.s32 s0, $0x0;
	s0 =	rddreg [dreg:$0x2]  }
0xf3: {  	s0 =	sadd.s32 @!p0 $0x100000, s0  }
0xf4: {  	[sflag:s0] =	ssyncadd.tile.s32 @!p0 $0x1;
	_ =	shalt  }
.Lfunc_end2:
_tile_overlayer_lowered:
.L_overlay_start_2:
0xf5: {  	(tag) =	ssettag $0x2  }
0xf6: {  	s0 =	rddreg [dreg:$0x0];
	s2 =	stileid.u32  }
0xf7: {  	s1 =	rddreg [dreg:$0x1];
	p0 =	sne.s32 s2, $0x0  }
0xf8: {  	s3 =	rddreg [dreg:$0x2];
	[bflag:$0x3] =	sbarrier.arrive $0xFFFF;
	s2 =	simm.s32 @!p0 $0x1C03  }
0xf9: {  	[timem:s3], [sflag:s2] =	dma.local @!p0 [hbm:s0], s1  }
0xfa: {  	s0 =	simm.s32 @!p0 $0x3  }
0xfb: {  	_ =	swait.ge @!p0 [sflag:s0], s1  }
0xfc: {  	s1 =	ssub.s32 @!p0 $0x0, s1;
	[sflag:s0] =	ssyncset.done @!p0 $0x0  }
0xfd: {  	[sflag:s0] =	ssyncadd.s32 @!p0 s1  }
0xfe: {  	[bflag:$0x3] =	sbarrier.arrive $0xFFFF  }
0xff: {  	_ =	shalt  }

// kernel: kernel.8.cloned.1.call-start
scs
__scs_entry_jumppad:
0x0: {  	(pc) =	sbr.rel $0x88, $3  }
0x1: {  	(tag) =	ssettag $0x0;
	lr =	simm.s32 $0x1  }
0x2: {  	[smem:$0x3F9B] =	sst lr;
	_ =	strace $0xD0000000  }
0x3: {  	_ = 	snop  }
0x4: {  	_ = 	snop  }
0x5: {  	_ = 	snop  }
0x6: {  	_ = 	snop  }
0x7: {  	_ = 	snop  }
__scs_overlays_trampoline_lowered:
0x8: {  	[smem:$0x3FAA] =	sst s0  }
0x9: {  	[smem:$0x3FAB] =	sst s1  }
0xa: {  	[smem:$0x3FAC] =	sst s2  }
0xb: {  	[smem:$0x3FAD] =	sst s3  }
0xc: {  	[smem:$0x3FAE] =	sst s4  }
0xd: {  	[smem:$0x3FAF] =	sst s5  }
0xe: {  	[smem:$0x3FB0] =	sst s6  }
0xf: {  	[smem:$0x3FB1] =	sst s7  }
0x10: {  	[smem:$0x3FB2] =	sst s8  }
0x11: {  	[smem:$0x3FB3] =	sst s9;
	s0 =	simm.s32 @!p0 $0x0  }
0x12: {  	s1 =	sld [smem:$0x3F99];
	s0 =	simm.s32 @p0 $0x1  }
0x13: {  	[smem:$0x3FB4] =	sst s0;
	s0 =	simm.s32 @!p1 $0x0  }
0x14: {  	s2 =	sld [smem:$0x3F98];
	s0 =	simm.s32 @p1 $0x1  }
0x15: {  	[smem:$0x3FB5] =	sst s0;
	s0 =	simm.s32 @!p2 $0x0  }
0x16: {  	s3 =	sld [smem:$0x3FDB];
	s0 =	simm.s32 @p2 $0x1  }
0x17: {  	s4 =	simm.s32 $0x1BF5;
	[smem:$0x3FB7] =	sst s0  }
0x18: {  	s0 =	sld [smem:$0x3F9A];
	_ =	swait.ge [sflag:s4], $0x0  }
0x19: {  	s7 =	sld [smem:$0x3F9B]  }
0x1a: {  	s8 =	sadd.s32 $0xFFFFE003, lr  }
0x1b: {  	s9 =	sadd.s32 $0xFFFFFEF7, lr;
	s5 =	simm.s32 $0xFFFFFFFF;
	p2 =	slt.u32 s8, $0xFFFFF086  }
0x1c: {  	p1 =	slt.u32 s9, $0xF7A;
	s5 =	simm.s32 @!p2 $0x0  }
0x1d: {  	s5 =	simm.s32 @p1 $0x1;
	p0 =	seq.s32 s7, s2  }
0x1e: {  	s7 =	smul.u32 @!p0 $0xF7A, s2;
	p2 =	seq.s32 @!p0 s5, $0x0  }
0x1f: {  	s9 =	smul.u32 $0xF7A, s1;
	s8 =	simm.s32 @!p0 $0x1BF5;
	p2 =	por !p2, p0  }
0x20: {  	[sflag:s8] =	ssyncset.s32 @!p0 $0xFFFFF086;
	s6 =	sadd.s32 @!p0 s3, s7;
	s7 =	simm.s32 @!p0 $0x108  }
0x21: {  	s3 =	sadd.s32 s3, s9;
	s6 =	sadd.s32 @!p0 $0x88, s6;
	s7 =	simm.s32 @p2 $0x1082  }
0x22: {  	[simem:s7], [sflag:s8] =	dma.local @!p0 [hbm:s6], $0xF7A  }
0x23: {  	s9 =	sor.u32 $0xD0000000, s2;
	s6 =	simm.s32 $0x108;
	_ =	swait.ge @!p0 [sflag:s8], $0x0  }
0x24: {  	s3 =	sadd.s32 $0x88, s3;
	s6 =	simm.s32 @!p1 $0x1082;
	[sflag:s4] =	ssyncset.s32 $0xFFFFF086  }
0x25: {  	[simem:s6], [sflag:s4] =	dma.local [hbm:s3], $0xF7A  }
0x26: {  	[smem:$0x3F9B] =	sst s1;
	(tag) =	ssettag s2;
	_ =	strace s9  }
0x27: {  	s1 =	sld [smem:$0x3FAB]  }
0x28: {  	s2 =	sld [smem:$0x3FAC]  }
0x29: {  	s4 =	sld [smem:$0x3FAE]  }
0x2a: {  	p0 =	seq.s32 s5, $0x0;
	s5 =	sld [smem:$0x3FAF]  }
0x2b: {  	s6 =	sld [smem:$0x3FB0]  }
0x2c: {  	s7 =	sld [smem:$0x3FB1]  }
0x2d: {  	s3 =	simm.s32 $0x108;
	s8 =	sld [smem:$0x3FB2]  }
0x2e: {  	s3 =	simm.s32 @!p0 $0x1082;
	s9 =	sld [smem:$0x3FB3]  }
0x2f: {  	lr =	sadd.s32 s0, s3;
	s0 =	sld [smem:$0x3FAA]  }
0x30: {  	s3 =	sld [smem:$0x3FAD]  }
0x31: {  	[smem:$0x3FB6] =	sst s10  }
0x32: {  	s10 =	sld [smem:$0x3FB4];
	_ =	sdelay $0x3  }
0x33: {  	p0 =	seq.s32 s10, $0x1;
	s10 =	sld [smem:$0x3FB6];
	_ =	sdelay $0x3  }
0x34: {  	[smem:$0x3FB6] =	sst s10  }
0x35: {  	s10 =	sld [smem:$0x3FB5];
	_ =	sdelay $0x3  }
0x36: {  	p1 =	seq.s32 s10, $0x1;
	s10 =	sld [smem:$0x3FB6];
	_ =	sdelay $0x3  }
0x37: {  	[smem:$0x3FB6] =	sst s10  }
0x38: {  	s10 =	sld [smem:$0x3FB7]  }
0x39: {  	_ = 	snop;
	(pc) =	sbr.ind lr, $3  }
0x3a: {  	_ = 	snop  }
0x3b: {  	_ = 	snop  }
0x3c: {  	p2 =	seq.s32 s10, $0x1;
	s10 =	sld [smem:$0x3FB6]  }
0x3d: {  	_ =	shalt  }
0x3e: {  	_ =	shalt  }
0x3f: {  	_ =	shalt  }
0x40: {  	_ =	shalt  }
0x41: {  	_ =	shalt  }
0x42: {  	_ =	shalt  }
0x43: {  	_ =	shalt  }
0x44: {  	_ =	shalt  }
0x45: {  	_ =	shalt  }
0x46: {  	_ =	shalt  }
0x47: {  	_ =	shalt  }
0x48: {  	_ =	shalt  }
0x49: {  	_ =	shalt  }
0x4a: {  	_ =	shalt  }
0x4b: {  	_ =	shalt  }
0x4c: {  	_ =	shalt  }
0x4d: {  	_ =	shalt  }
0x4e: {  	_ =	shalt  }
0x4f: {  	_ =	shalt  }
0x50: {  	_ =	shalt  }
0x51: {  	_ =	shalt  }
0x52: {  	_ =	shalt  }
0x53: {  	_ =	shalt  }
0x54: {  	_ =	shalt  }
0x55: {  	_ =	shalt  }
0x56: {  	_ =	shalt  }
0x57: {  	_ =	shalt  }
0x58: {  	_ =	shalt  }
0x59: {  	_ =	shalt  }
0x5a: {  	_ =	shalt  }
0x5b: {  	_ =	shalt  }
0x5c: {  	_ =	shalt  }
0x5d: {  	_ =	shalt  }
0x5e: {  	_ =	shalt  }
0x5f: {  	_ =	shalt  }
0x60: {  	_ =	shalt  }
0x61: {  	_ =	shalt  }
0x62: {  	_ =	shalt  }
0x63: {  	_ =	shalt  }
0x64: {  	_ =	shalt  }
0x65: {  	_ =	shalt  }
0x66: {  	_ =	shalt  }
0x67: {  	_ =	shalt  }
0x68: {  	_ =	shalt  }
0x69: {  	_ =	shalt  }
0x6a: {  	_ =	shalt  }
0x6b: {  	_ =	shalt  }
0x6c: {  	_ =	shalt  }
0x6d: {  	_ =	shalt  }
0x6e: {  	_ =	shalt  }
0x6f: {  	_ =	shalt  }
0x70: {  	_ =	shalt  }
0x71: {  	_ =	shalt  }
0x72: {  	_ =	shalt  }
0x73: {  	_ =	shalt  }
0x74: {  	_ =	shalt  }
0x75: {  	_ =	shalt  }
0x76: {  	_ =	shalt  }
0x77: {  	_ =	shalt  }
0x78: {  	_ =	shalt  }
0x79: {  	_ =	shalt  }
0x7a: {  	_ =	shalt  }
0x7b: {  	_ =	shalt  }
0x7c: {  	_ =	shalt  }
0x7d: {  	_ =	shalt  }
0x7e: {  	_ =	shalt  }
0x7f: {  	_ =	shalt  }
0x80: {  	_ =	shalt  }
0x81: {  	_ =	shalt  }
0x82: {  	_ =	shalt  }
0x83: {  	_ =	shalt  }
0x84: {  	_ =	shalt  }
0x85: {  	_ =	shalt  }
0x86: {  	_ =	shalt  }
0x87: {  	_ =	shalt  }
.Lfunc_end0:
.L_simem_size_0:
called_computation_lowered:
.L_overlay_start_0:
0x88: {  	s2 =	sld [smem:$0x3FD9]  }
0x89: {  	s3 =	sld [smem:$0x3FFE];
	_ =	sdelay $0x1  }
0x8a: {  	s1 =	srdreg.scid  }
0x8b: {  	s0 =	sand.u32 $0x1, s1  }
0x8c: {  	s16 =	sshll.u32 s0, $0xA;
	s2 =	sadd.s32 s3, s2  }
0x8d: {  	s2 =	sadd.s32 s2, s16  }
0x8e: {  	[smem:$0x3FC2] =	sst s2  }
0x8f: {  	_ = 	snop  }
0x90: {  	(tm) =	ssettm $0x1  }
0x91: {  	s17 =	sld [smem:$0x3FFB];
	_ =	sdelay $0x3  }
0x92: {  	_ =	strace s17  }
0x93: {  	s2 =	sld [smem:$0x3FFC];
	_ =	sdelay $0x3  }
0x94: {  	_ =	strace s2  }
0x95: {  	s2 =	sld [smem:$0x3FFD];
	_ =	sdelay $0x3  }
0x96: {  	_ =	strace s2  }
0x97: {  	_ =	strace $0x8FFFFFFF  }
0x98: {  	s18 =	sld [smem:$0x3FDB];
	_ =	sdelay $0x1  }
0x99: {  	s19 =	simm.s32 $_scs_section_size  }
0x9a: {  	s4 =	simm.s32 $_size__tile_overlayer_lowered;
	s5 =	simm.s32 $_tile_overlayer_lowered  }
0x9b: {  	s22 =	simm.s32 $0x1BFF;
	s21 =	sshll.u32 s5, $0x1;
	s2 =	sadd.s32 s19, s18  }
0x9c: {  	s6 =	simm.s32 $0x0;
	s20 =	sshll.u32 s4, $0x1;
	s4 =	sadd.s32 s21, s2  }
0x9d: {  	[timem:s6], [sflag:s22] =	dma.local [hbm:s4], s20  }
0x9e: {  	_ =	swait.ge [sflag:s22], s20  }
0x9f: {  	s3 =	ssub.s32 $0x0, s20;
	[sflag:s22] =	ssyncset.done $0x0  }
0xa0: {  	[sflag:s22] =	ssyncadd.s32 s3;
	_ =	sdelay $0x1  }
0xa1: {  	s23 =	simm.s32 $0x1B8B  }
0xa2: {  	_ =	swait.ge [sflag:s23], $0x1  }
0xa3: {  	[sflag:s23] =	ssyncset.done $0x0  }
0xa4: {  	s25 =	simm.s32 $0x1B8E;
	s24 =	sld [smem:$0x3FFE];
	[sflag:s23] =	ssyncadd.s32 $0xFFFFFFFF  }
0xa5: {  	s26 =	simm.s32 $execute0_lowered;
	[smem:$0x3FD2] =	sst s25  }
0xa6: {  	s4 =	sshll.u32 s26, $0x1;
	_ =	strace $0x80000046;
	[dreg:$0x1] =	wrdreg $0xFFFFFFFF  }
0xa7: {  	s28 =	simm.s32 $_size_execute0_lowered;
	s2 =	sadd.s32 s2, s4;
	[dreg:$0x0] =	wrdreg $0x0  }
0xa8: {  	s4 =	sshll.u32 s28, $0x1;
	[dreg:$0x2] =	wrdreg s2  }
0xa9: {  	[dreg:$0x3] =	wrdreg s4  }
0xaa: {  	[dreg:$0x4] =	wrdreg $0xC0  }
0xab: {  	_ =	task [dreg:s6], $0x5FFFF  }
0xac: {  	[dreg:$0x1] =	wrdreg $0xFFFFFFFF  }
0xad: {  	[dreg:$0x0] =	wrdreg $0x60  }
0xae: {  	[dreg:$0x2] =	wrdreg s24  }
0xaf: {  	[dreg:$0x3] =	wrdreg $0xB7000  }
0xb0: {  	[dreg:$0x4] =	wrdreg $0x9  }
0xb1: {  	_ =	task.clear_ibuf [dreg:s6], $0x5FFFF;
	_ =	strace $0x90000046  }
0xb2: {  	s29 =	simm.s32 $0x9;
	_ =	strace $0x80000048  }
0xb3: {  	_ =	swait.ge [sflag:s29], $0x1  }
0xb4: {  	[sflag:s29] =	ssyncadd.s32 $0xFFFFFFFF  }
0xb5: {  	_ =	strace $0x90000048  }
0xb6: {  	_ =	sfence  }
0xb7: {  	s30 =	sld [smem:$0x0];
	_ =	sdelay $0x2  }
0xb8: {  	s31 =	sshll.u32 s1, $0xD;
	s1 =	sshrl.u32 s1, $0x2  }
0xb9: {  	s3 =	sand.u32 $0x4000, s31;
	s1 =	sadd.s32 s1, s30  }
0xba: {  	s0 =	sor.u32 s3, s0;
	s1 =	sshll.u32 s1, $0x11  }
0xbb: {  	s0 =	sor.u32 s1, s0  }
0xbc: {  	s0 =	sadd.s32 $0x8F2B, s0  }
0xbd: {  	[sflag:s0] =	ssyncadd.remote.s32 $0x1  }
0xbe: {  	_ =	sfence.sel $0xFFFF  }
0xbf: {  	[dreg:$0x0] =	wrdreg $0xFFFFFFFF;
	(pc) =	sbr.abs _section_cstart, $3  }
0xc0: {  	[dreg:$0x1] =	wrdreg $0xFFFFFFFF  }
0xc1: {  	_ =	task.clear_ibuf [dreg:s6], $0x2FFFF;
	_ =	strace $0x9FFFFFFF  }
0xc2: {  	(tm) =	ssettm $0x7FFFFFFF  }
0xc3: {  	_ =	shalt  }
tec
execute0_lowered:
.L_overlay_start_1:
0x0: {  	(tag) =	ssettag $0x1  }
0x1: {  	s0 =	rddreg [dreg:$0x0]  }
0x2: {  	s1 =	rddreg [dreg:$0x1]  }
0x3: {  	s3 =	simm.s32 $0x0;
	s2 =	srdreg.scid;
	s15 =	stileid.u32  }
0x4: {  	s28 =	simm.s32 $0x5;
	s29 =	simm.s32 $0x80;
	s30 =	simm.s32 $0x300  }
0x5: {  	s31 =	simm.s32 $0x4300;
	[smem:$0x7FF] =	sst s3;
	s2 =	sand.u32 $0x1, s2  }
0x6: {  	s6 =	smul.u32 $0x4E000, s15;
	s4 =	sadd.s32 $0xBC00, s0;
	s5 =	sadd.s32 $0x1E00, s0  }
0x7: {  	s0 =	sadd.s32 $0x15A00, s0;
	s9 =	sshll.u32 s15, $0x1;
	s10 =	smul.u32 $0x13800, s15  }
0x8: {  	s21 =	smul.u32 $0x4E20, s15;
	p0 =	sne.s32 s15, $0xF;
	s15 =	simm.s32 $0x10  }
0x9: {  	_ =	strace $0x80000047;
	s7 =	ssub.s32 $0x2, s2;
	s13 =	smul.u32 $0x138800, s2  }
0xa: {  	s14 =	sor.u32 s2, s9;
	s2 =	smul.u32 $0x2710, s2;
	s6 =	sshrl.u32 s6, $0x2  }
0xb: {  	s8 =	sshrl.u32 s7, $0x1;
	s11 =	sadd.s32 $0x9C00, s10;
	s6 =	sadd.s32 s6, s1  }
0xc: {  	s7 =	ssub.s32 s7, s8;
	s8 =	smul.u32 $0x2710, s14;
	s9 =	sadd.s32 s11, s1  }
0xd: {  	s10 =	sadd.s32 s10, s13;
	s11 =	sadd.s32 s13, s11;
	s13 =	sshrl.u32 s13, $0x3  }
0xe: {  	s2 =	sadd.s32 s2, s21;
	s16 =	sadd.s32 $0x3400, s6;
	s17 =	sadd.s32 $0x6800, s6  }
0xf: {  	s12 =	sadd.s32 $0xD000, s6;
	s18 =	sadd.s32 $0x10400, s6;
	[dreg:$0x3] =	wrdreg s16  }
0x10: {  	s10 =	sshrl.u32 s10, $0x3;
	s11 =	sshrl.u32 s11, $0x3;
	[dreg:$0x4] =	wrdreg s17  }
0x11: {  	s7 =	smax.u32 s7, $0x1;
	s25 =	sadd.s32 $0x80, s2;
	[dreg:$0x5] =	wrdreg s12  }
0x12: {  	[dreg:$0x6] =	wrdreg s18;
	s12 =	sadd.s32 $0x138000, s1;
	s8 =	sshrl.u32 s8, $0x3  }
0x13: {  	s10 =	sadd.s32 s0, s10;
	s22 =	sadd.s32 s0, s11;
	s0 =	sadd.s32 s0, s13  }
0x14: {  	[dreg:$0xe] =	wrdreg s7;
	s26 =	sshrl.u32 s25, $0x3;
	s7 =	simm.s32 $0x1  }
0x15: {  	s11 =	simm.s32 $0x4;
	s13 =	simm.s32 $0x200;
	[dreg:$0xb] =	wrdreg s10  }
0x16: {  	s14 =	sadd.s32 s4, s8;
	s19 =	sadd.s32 s5, s8;
	[dreg:$0xc] =	wrdreg s22  }
0x17: {  	s20 =	sadd.s32 $0x4E0, s8;
	s0 =	sadd.s32 $0x27000, s0;
	[dreg:$0x7] =	wrdreg s14  }
0x18: {  	s23 =	sadd.s32 $0x4D0, s8;
	s25 =	sadd.s32 s26, s4;
	[dreg:$0x8] =	wrdreg s19  }
0x19: {  	s8 =	simm.s32 $0x2;
	s16 =	sadd.s32 s4, s20;
	[dreg:$0xd] =	wrdreg s0  }
0x1a: {  	s10 =	simm.s32 $0x3;
	s14 =	sadd.s32 s5, s20;
	[dreg:$0x9] =	wrdreg s16  }
0x1b: {  	s24 =	sadd.s32 s4, s23;
	s0 =	sadd.s32 s5, s23;
	[dreg:$0xa] =	wrdreg s14  }
0x1c: {  	s23 =	sadd.s32 $0x100, s2;
	s2 =	simm.s32 $0x180;
	[dreg:$0xf] =	wrdreg s24  }
0x1d: {  	[dreg:$0x10] =	wrdreg s0;
	s24 =	sadd.s32 s26, s5;
	s26 =	simm.s32 $0x8300  }
0x1e: {  	v0 =	vimm.f32 $0.0e+00;
	v1 =	vimm.f32 $1.000000000e+00;
	s0 =	simm.s32 $0x100;
	s14 =	simm.s32 $0x280;
	s16 =	simm.s32 $0x0  }
.LBB2_1:
0x1f: {  	s17 =	simm.s32 $0x40;
	s18 =	simm.s32 $0x0  }
.LBB2_2:
0x20: {  	p1 =	sne.s32 s17, $0xFFC0;
	[tilespmem:s18+$0x300] =	vst v0;
	s19 =	smov.u32 s17;
	s17 =	sadd.s32 $0x40, s17  }
.Ltmp0:
0x21: {  	[tilespmem:s18+$0x4300] =	vst v0;
	(pc) =	sbr.rel @p1 .LBB2_2-.Ltmp0, $2  }
0x22: {  	_ =	sdelay $0x2  }
0x23: {  	s18 =	sshra.s32 s19, $0x2  }
0x24: {  	[tilespmem:s18+$0x300] =	vst v0  }
0x25: {  	s17 =	simm.s32 $0x0;
	[tilespmem:s18+$0x4300] =	vst v0;
	s18 =	simm.s32 $0x200;
	s19 =	simm.s32 $0x0  }
.LBB2_4:
0x26: {  	p1 =	sne.s32 s18, $0xFE00;
	[tilespmem:s19+$0x300] =	vst v1;
	s20 =	smov.u32 s18;
	s18 =	sadd.s32 $0x200, s18  }
.Ltmp1:
0x27: {  	[tilespmem:s19+$0x4340] =	vst v1;
	(pc) =	sbr.rel @p1 .LBB2_4-.Ltmp1, $2  }
0x28: {  	_ =	sdelay $0x2  }
0x29: {  	s19 =	sshra.s32 s20, $0x2  }
0x2a: {  	s18 =	sand.u32 $0xFE00, s17  }
0x2b: {  	[tilespmem:s19+$0x300] =	vst v1;
	s20 =	sand.u32 $0x70, s17;
	s21 =	sshrl.u32 s18, $0x2  }
0x2c: {  	[tilespmem:s19+$0x4340] =	vst v1;
	s18 =	simm.s32 $0x40;
	s19 =	sor.u32 s20, s21  }
.LBB2_6:
0x2d: {  	p1 =	sne.s32 s18, $0xCFC0  }
0x2e: {  	[tilespmem:s19+$0x8300] =	vst v0;
	s17 =	sadd.s32 $0x10, s17;
	s19 =	smov.u32 s18;
	s18 =	sadd.s32 $0x40, s18  }
.Ltmp2:
0x2f: {  	(pc) =	sbr.rel @p1 .LBB2_6-.Ltmp2, $4  }
0x30: {  	_ = 	snop  }
0x31: {  	s19 =	sand.u32 $0xFE00, s19  }
0x32: {  	s20 =	sand.u32 $0x70, s17;
	s19 =	sshrl.u32 s19, $0x2  }
0x33: {  	s19 =	sor.u32 s20, s19  }
0x34: {  	[tilespmem:s19+$0x8300] =	vst v0  }
0x35: {  	[spmem:s6] =	stream.linear.scatter [tilespmem:s26], [sflag:$0x5], $0x3400, $0x38;
	[tilespmem:$0x1EF80] =	vst v63  }
0x36: {  	_ =	swait.ge [sflag:s28], $0x3400  }
0x37: {  	[sflag:s28] =	ssyncset.done $0x0  }
0x38: {  	s17 =	rddreg [dreg:$0x3];
	[sflag:s28] =	ssyncadd.s32 $0xFFFFCC00  }
0x39: {  	[spmem:s17] =	stream.linear.scatter [tilespmem:s26], [sflag:$0x5], $0x3400, $0x38;
	[tilespmem:$0x1EF80] =	vst v63  }
0x3a: {  	_ =	swait.ge [sflag:s28], $0x3400  }
0x3b: {  	[sflag:s28] =	ssyncset.done $0x0  }
0x3c: {  	s18 =	rddreg [dreg:$0x4];
	[sflag:s28] =	ssyncadd.s32 $0xFFFFCC00  }
0x3d: {  	[spmem:s18] =	stream.linear.scatter [tilespmem:s26], [sflag:$0x5], $0x3400, $0x38;
	[tilespmem:$0x1EF80] =	vst v63  }
0x3e: {  	_ =	swait.ge [sflag:s28], $0x3400  }
0x3f: {  	[sflag:s28] =	ssyncset.done $0x0  }
0x40: {  	[sflag:s28] =	ssyncadd.s32 $0xFFFFCC00  }
0x41: {  	[spmem:s9] =	stream.linear.scatter [tilespmem:s26], [sflag:$0x5], $0x3400, $0x38;
	[tilespmem:$0x1EF80] =	vst v63  }
0x42: {  	_ =	swait.ge [sflag:s28], $0x3400  }
0x43: {  	[sflag:s28] =	ssyncset.done $0x0  }
0x44: {  	s19 =	rddreg [dreg:$0x5];
	[sflag:s28] =	ssyncadd.s32 $0xFFFFCC00  }
0x45: {  	[spmem:s19] =	stream.linear.scatter [tilespmem:s26], [sflag:$0x5], $0x3400, $0x38;
	[tilespmem:$0x1EF80] =	vst v63  }
0x46: {  	_ =	swait.ge [sflag:s28], $0x3400  }
0x47: {  	[sflag:s28] =	ssyncset.done $0x0  }
0x48: {  	s20 =	rddreg [dreg:$0x6];
	[sflag:s28] =	ssyncadd.s32 $0xFFFFCC00  }
0x49: {  	[spmem:s20] =	stream.linear.scatter [tilespmem:s26], [sflag:$0x5], $0x3400, $0x38;
	[tilespmem:$0x1EF80] =	vst v63  }
0x4a: {  	_ =	swait.ge [sflag:s28], $0x3400  }
0x4b: {  	[sflag:s28] =	ssyncset.done $0x0  }
0x4c: {  	s17 =	simm.s32 @!p0 $0x8300;
	[sflag:s28] =	ssyncadd.s32 $0xFFFFCC00  }
0x4d: {  	[spmem:s12] =	stream.linear.scatter @!p0 [tilespmem:s17], [sflag:$0x5], $0x800, $0x38;
	[tilespmem:$0x1EF80] =	vst v63  }
0x4e: {  	s17 =	simm.s32 @!p0 $0x5  }
0x4f: {  	_ =	swait.ge @!p0 [sflag:s17], $0x800  }
0x50: {  	[sflag:s17] =	ssyncset.done @!p0 $0x0  }
0x51: {  	[sflag:s17] =	ssyncadd.s32 @!p0 $0xFFFFF800  }
0x52: {  	[bflag:$0x0] =	sbarrier.arrive $0xFFFF  }
0x53: {  	s21 =	simm.s32 $0x0;
	s18 =	rddreg [dreg:$0x7]  }
0x54: {  	[tilespmem:s21], [sflag:$0x5] =	stream.linear.gather [hbm4b:s18+s21], $0x80, $0x38;
	[tilespmem:$0x1EF80] =	vst v63  }
0x55: {  	_ =	swait.ge [sflag:s28], $0x80  }
0x56: {  	[sflag:s28] =	ssyncset.done $0x0  }
0x57: {  	s22 =	rddreg [dreg:$0x8];
	[sflag:s28] =	ssyncadd.s32 $0xFFFFFF80  }
0x58: {  	[tilespmem:s29], [sflag:$0x5] =	stream.linear.gather [hbm4b:s22+s21], $0x80, $0x38;
	[tilespmem:$0x1EF80] =	vst v63  }
0x59: {  	_ =	swait.ge [sflag:s28], $0x80  }
0x5a: {  	[sflag:s28] =	ssyncset.done $0x0  }
0x5b: {  	[sflag:s28] =	ssyncadd.s32 $0xFFFFFF80  }
0x5c: {  	[spmem:s1] =	stream.indirect.scatter.add.f32 [tilespmem:s30], [sflag:$0x1], $0x80, s21, s29, $0xb8;
	[tilespmem:$0x1EF80] =	vst v63  }
0x5d: {  	_ = 	snop  }
0x5e: {  	[spmem:s1] =	stream.indirect.scatter.add.f32 [tilespmem:s31], [sflag:$0x2], $0x80, s29, s29, $0xb8;
	[tilespmem:$0x1EF80] =	vst v63  }
0x5f: {  	s19 =	sadd.s32 $0x0, s25  }
0x60: {  	[tilespmem:s0], [sflag:$0x5] =	stream.linear.gather [hbm4b:s19+s3], $0x80, $0x38;
	[tilespmem:$0x1EF80] =	vst v63  }
0x61: {  	_ =	swait.ge [sflag:s28], $0x80  }
0x62: {  	[sflag:s28] =	ssyncset.done $0x0  }
0x63: {  	s20 =	sadd.s32 $0x0, s24;
	[sflag:s28] =	ssyncadd.s32 $0xFFFFFF80  }
0x64: {  	[tilespmem:s2], [sflag:$0x5] =	stream.linear.gather [hbm4b:s20+s3], $0x80, $0x38;
	[tilespmem:$0x1EF80] =	vst v63  }
0x65: {  	_ =	swait.ge [sflag:s28], $0x80  }
0x66: {  	[sflag:s28] =	ssyncset.done $0x0  }
0x67: {  	[sflag:s28] =	ssyncadd.s32 $0xFFFFFF80  }
0x68: {  	[spmem:s1] =	stream.indirect.scatter.add.f32 [tilespmem:s30], [sflag:$0x3], $0x80, s0, s29, $0xb8;
	[tilespmem:$0x1EF80] =	vst v63  }
0x69: {  	_ = 	snop  }
0x6a: {  	[spmem:s1] =	stream.indirect.scatter.add.f32 [tilespmem:s31], [sflag:$0x4], $0x80, s2, s29, $0xb8;
	[tilespmem:$0x1EF80] =	vst v63  }
0x6b: {  	_ =	swait.ge [sflag:s7], $0x4000  }
0x6c: {  	[sflag:s7] =	ssyncset.done $0x0  }
0x6d: {  	[sflag:s7] =	ssyncadd.s32 $0xFFFFC000  }
0x6e: {  	_ =	swait.ge [sflag:s8], $0x4000  }
0x6f: {  	s21 =	sshrl.u32 s23, $0x3;
	[sflag:s8] =	ssyncset.done $0x0  }
0x70: {  	s22 =	sadd.s32 s4, s21;
	[sflag:s8] =	ssyncadd.s32 $0xFFFFC000  }
0x71: {  	[tilespmem:s3], [sflag:$0x5] =	stream.linear.gather [hbm4b:s22+s3], $0x80, $0x38;
	[tilespmem:$0x1EF80] =	vst v63  }
0x72: {  	_ =	swait.ge [sflag:s28], $0x80  }
0x73: {  	[sflag:s28] =	ssyncset.done $0x0  }
0x74: {  	s17 =	sadd.s32 s5, s21;
	[sflag:s28] =	ssyncadd.s32 $0xFFFFFF80  }
0x75: {  	[tilespmem:s29], [sflag:$0x5] =	stream.linear.gather [hbm4b:s17+s3], $0x80, $0x38;
	[tilespmem:$0x1EF80] =	vst v63  }
0x76: {  	_ =	swait.ge [sflag:s28], $0x80  }
0x77: {  	[sflag:s28] =	ssyncset.done $0x0  }
0x78: {  	[sflag:s28] =	ssyncadd.s32 $0xFFFFFF80  }
0x79: {  	[spmem:s1] =	stream.indirect.scatter.add.f32 [tilespmem:s30], [sflag:$0x1], $0x80, s3, s29, $0xb8;
	[tilespmem:$0x1EF80] =	vst v63  }
0x7a: {  	_ = 	snop  }
0x7b: {  	[spmem:s1] =	stream.indirect.scatter.add.f32 [tilespmem:s31], [sflag:$0x2], $0x80, s29, s29, $0xb8;
	[tilespmem:$0x1EF80] =	vst v63  }
0x7c: {  	_ =	swait.ge [sflag:s10], $0x4000  }
0x7d: {  	[sflag:s10] =	ssyncset.done $0x0  }
0x7e: {  	[sflag:s10] =	ssyncadd.s32 $0xFFFFC000  }
0x7f: {  	s18 =	simm.s32 $0x20;
	_ =	swait.ge [sflag:s11], $0x4000  }
0x80: {  	s19 =	simm.s32 $0x40;
	s17 =	sadd.s32 $0x100, s23;
	[sflag:s11] =	ssyncset.done $0x0  }
.LBB2_8:
0x81: {  	s21 =	sadd.s32 s18, s25  }
0x82: {  	[sflag:s11] =	ssyncadd.s32 $0xFFFFC000;
	s22 =	smov.u32 s19;
	s20 =	sadd.s32 $0x20, s19  }
0x83: {  	[tilespmem:s0], [sflag:$0x5] =	stream.linear.gather [hbm4b:s21+s3], $0x80, $0x38;
	[tilespmem:$0x1EF80] =	vst v63  }
0x84: {  	p1 =	sne.s32 s19, $0x4A0;
	_ =	swait.ge [sflag:s28], $0x80  }
0x85: {  	[sflag:s28] =	ssyncset.done $0x0  }
0x86: {  	s19 =	sadd.s32 s18, s24;
	s18 =	smov.u32 s22;
	[sflag:s28] =	ssyncadd.s32 $0xFFFFFF80  }
0x87: {  	[tilespmem:s2], [sflag:$0x5] =	stream.linear.gather [hbm4b:s19+s3], $0x80, $0x38;
	[tilespmem:$0x1EF80] =	vst v63  }
0x88: {  	_ =	swait.ge [sflag:s28], $0x80  }
0x89: {  	[sflag:s28] =	ssyncset.done $0x0  }
0x8a: {  	[sflag:s28] =	ssyncadd.s32 $0xFFFFFF80  }
0x8b: {  	[spmem:s1] =	stream.indirect.scatter.add.f32 [tilespmem:s30], [sflag:$0x3], $0x80, s0, s29, $0xb8;
	[tilespmem:$0x1EF80] =	vst v63  }
0x8c: {  	_ = 	snop  }
0x8d: {  	[spmem:s1] =	stream.indirect.scatter.add.f32 [tilespmem:s31], [sflag:$0x4], $0x80, s2, s29, $0xb8;
	[tilespmem:$0x1EF80] =	vst v63  }
0x8e: {  	_ =	swait.ge [sflag:s7], $0x4000  }
0x8f: {  	[sflag:s7] =	ssyncset.done $0x0  }
0x90: {  	[sflag:s7] =	ssyncadd.s32 $0xFFFFC000  }
0x91: {  	_ =	swait.ge [sflag:s8], $0x4000  }
0x92: {  	s19 =	sshrl.u32 s17, $0x3;
	[sflag:s8] =	ssyncset.done $0x0  }
0x93: {  	s21 =	sadd.s32 s4, s19;
	[sflag:s8] =	ssyncadd.s32 $0xFFFFC000  }
0x94: {  	[tilespmem:s3], [sflag:$0x5] =	stream.linear.gather [hbm4b:s21+s3], $0x80, $0x38;
	[tilespmem:$0x1EF80] =	vst v63  }
0x95: {  	_ =	swait.ge [sflag:s28], $0x80  }
0x96: {  	[sflag:s28] =	ssyncset.done $0x0  }
0x97: {  	s19 =	sadd.s32 s5, s19;
	[sflag:s28] =	ssyncadd.s32 $0xFFFFFF80  }
0x98: {  	[tilespmem:s29], [sflag:$0x5] =	stream.linear.gather [hbm4b:s19+s3], $0x80, $0x38;
	[tilespmem:$0x1EF80] =	vst v63  }
0x99: {  	_ =	swait.ge [sflag:s28], $0x80  }
0x9a: {  	[sflag:s28] =	ssyncset.done $0x0  }
0x9b: {  	[sflag:s28] =	ssyncadd.s32 $0xFFFFFF80  }
0x9c: {  	[spmem:s1] =	stream.indirect.scatter.add.f32 [tilespmem:s30], [sflag:$0x1], $0x80, s3, s29, $0xb8;
	[tilespmem:$0x1EF80] =	vst v63  }
0x9d: {  	_ = 	snop  }
0x9e: {  	[spmem:s1] =	stream.indirect.scatter.add.f32 [tilespmem:s31], [sflag:$0x2], $0x80, s29, s29, $0xb8;
	[tilespmem:$0x1EF80] =	vst v63  }
.Ltmp3:
0x9f: {  	_ =	swait.ge [sflag:s10], $0x4000;
	(pc) =	sbr.rel @p1 .LBB2_8-.Ltmp3, $4  }
0xa0: {  	[sflag:s10] =	ssyncset.done $0x0  }
0xa1: {  	[sflag:s10] =	ssyncadd.s32 $0xFFFFC000  }
0xa2: {  	_ =	swait.ge [sflag:s11], $0x4000  }
0xa3: {  	s17 =	sadd.s32 $0x100, s17;
	s19 =	smov.u32 s20;
	[sflag:s11] =	ssyncset.done $0x0  }
0xa4: {  	s19 =	sadd.s32 s18, s25;
	[sflag:s11] =	ssyncadd.s32 $0xFFFFC000  }
0xa5: {  	[tilespmem:s0], [sflag:$0x5] =	stream.linear.gather [hbm4b:s19+s3], $0x80, $0x38;
	[tilespmem:$0x1EF80] =	vst v63  }
0xa6: {  	_ =	swait.ge [sflag:s28], $0x80  }
0xa7: {  	[sflag:s28] =	ssyncset.done $0x0  }
0xa8: {  	s19 =	sadd.s32 s18, s24;
	[sflag:s28] =	ssyncadd.s32 $0xFFFFFF80  }
0xa9: {  	[tilespmem:s2], [sflag:$0x5] =	stream.linear.gather [hbm4b:s19+s3], $0x80, $0x38;
	[tilespmem:$0x1EF80] =	vst v63  }
0xaa: {  	_ =	swait.ge [sflag:s28], $0x80  }
0xab: {  	[sflag:s28] =	ssyncset.done $0x0  }
0xac: {  	[sflag:s28] =	ssyncadd.s32 $0xFFFFFF80  }
0xad: {  	[spmem:s1] =	stream.indirect.scatter.add.f32 [tilespmem:s30], [sflag:$0x3], $0x80, s0, s29, $0xb8;
	[tilespmem:$0x1EF80] =	vst v63  }
0xae: {  	_ = 	snop  }
0xaf: {  	[spmem:s1] =	stream.indirect.scatter.add.f32 [tilespmem:s31], [sflag:$0x4], $0x80, s2, s29, $0xb8;
	[tilespmem:$0x1EF80] =	vst v63  }
0xb0: {  	_ =	swait.ge [sflag:s7], $0x4000  }
0xb1: {  	[sflag:s7] =	ssyncset.done $0x0  }
0xb2: {  	[sflag:s7] =	ssyncadd.s32 $0xFFFFC000  }
0xb3: {  	_ =	swait.ge [sflag:s8], $0x4000  }
0xb4: {  	s17 =	sshrl.u32 s17, $0x3;
	[sflag:s8] =	ssyncset.done $0x0  }
0xb5: {  	s20 =	sadd.s32 s4, s17;
	[sflag:s8] =	ssyncadd.s32 $0xFFFFC000  }
0xb6: {  	[tilespmem:s3], [sflag:$0x5] =	stream.linear.gather [hbm4b:s20+s3], $0x80, $0x38;
	[tilespmem:$0x1EF80] =	vst v63  }
0xb7: {  	_ =	swait.ge [sflag:s28], $0x80  }
0xb8: {  	[sflag:s28] =	ssyncset.done $0x0  }
0xb9: {  	s17 =	sadd.s32 s5, s17;
	[sflag:s28] =	ssyncadd.s32 $0xFFFFFF80  }
0xba: {  	[tilespmem:s29], [sflag:$0x5] =	stream.linear.gather [hbm4b:s17+s3], $0x80, $0x38;
	[tilespmem:$0x1EF80] =	vst v63  }
0xbb: {  	_ =	swait.ge [sflag:s28], $0x80  }
0xbc: {  	[sflag:s28] =	ssyncset.done $0x0  }
0xbd: {  	[sflag:s28] =	ssyncadd.s32 $0xFFFFFF80  }
0xbe: {  	[spmem:s1] =	stream.indirect.scatter.add.f32 [tilespmem:s30], [sflag:$0x1], $0x80, s3, s29, $0xb8;
	[tilespmem:$0x1EF80] =	vst v63  }
0xbf: {  	_ = 	snop  }
0xc0: {  	[spmem:s1] =	stream.indirect.scatter.add.f32 [tilespmem:s31], [sflag:$0x2], $0x80, s29, s29, $0xb8;
	[tilespmem:$0x1EF80] =	vst v63  }
0xc1: {  	_ =	swait.ge [sflag:s10], $0x4000  }
0xc2: {  	[sflag:s10] =	ssyncset.done $0x0  }
0xc3: {  	[sflag:s10] =	ssyncadd.s32 $0xFFFFC000  }
0xc4: {  	_ =	swait.ge [sflag:s11], $0x4000  }
0xc5: {  	[sflag:s11] =	ssyncset.done $0x0  }
0xc6: {  	s21 =	rddreg [dreg:$0xf];
	[sflag:s11] =	ssyncadd.s32 $0xFFFFC000  }
0xc7: {  	[tilespmem:s0], [sflag:$0x5] =	stream.linear.gather [hbm4b:s21+s3], $0x80, $0x38;
	[tilespmem:$0x1EF80] =	vst v63  }
0xc8: {  	_ =	swait.ge [sflag:s28], $0x80  }
0xc9: {  	[sflag:s28] =	ssyncset.done $0x0  }
0xca: {  	s22 =	rddreg [dreg:$0x10];
	[sflag:s28] =	ssyncadd.s32 $0xFFFFFF80  }
0xcb: {  	[tilespmem:s2], [sflag:$0x5] =	stream.linear.gather [hbm4b:s22+s3], $0x80, $0x38;
	[tilespmem:$0x1EF80] =	vst v63  }
0xcc: {  	_ =	swait.ge [sflag:s28], $0x80  }
0xcd: {  	[sflag:s28] =	ssyncset.done $0x0  }
0xce: {  	[sflag:s28] =	ssyncadd.s32 $0xFFFFFF80  }
0xcf: {  	[spmem:s1] =	stream.indirect.scatter.add.f32 [tilespmem:s30], [sflag:$0x3], $0x80, s0, s29, $0xb8;
	[tilespmem:$0x1EF80] =	vst v63  }
0xd0: {  	_ = 	snop  }
0xd1: {  	[spmem:s1] =	stream.indirect.scatter.add.f32 [tilespmem:s31], [sflag:$0x4], $0x80, s2, s29, $0xb8;
	[tilespmem:$0x1EF80] =	vst v63  }
0xd2: {  	_ =	swait.ge [sflag:s7], $0x4000  }
0xd3: {  	[sflag:s7] =	ssyncset.done $0x0  }
0xd4: {  	[sflag:s7] =	ssyncadd.s32 $0xFFFFC000  }
0xd5: {  	_ =	swait.ge [sflag:s8], $0x4000  }
0xd6: {  	[sflag:s8] =	ssyncset.done $0x0  }
0xd7: {  	[sflag:s8] =	ssyncadd.s32 $0xFFFFC000  }
0xd8: {  	_ =	swait.ge [sflag:s10], $0x4000  }
0xd9: {  	[sflag:s10] =	ssyncset.done $0x0  }
0xda: {  	[sflag:s10] =	ssyncadd.s32 $0xFFFFC000  }
0xdb: {  	_ =	swait.ge [sflag:s11], $0x4000  }
0xdc: {  	[sflag:s11] =	ssyncset.done $0x0  }
0xdd: {  	s18 =	rddreg [dreg:$0x9];
	[sflag:s11] =	ssyncadd.s32 $0xFFFFC000  }
0xde: {  	[tilespmem:s13], [sflag:$0x5] =	stream.linear.gather [hbm4b:s18+s3], $0x10, $0x38;
	[tilespmem:$0x1EF80] =	vst v63  }
0xdf: {  	_ =	swait.ge [sflag:s28], $0x10  }
0xe0: {  	[sflag:s28] =	ssyncset.done $0x0  }
0xe1: {  	s19 =	rddreg [dreg:$0xa];
	[sflag:s28] =	ssyncadd.s32 $0xFFFFFFF0  }
0xe2: {  	[tilespmem:s14], [sflag:$0x5] =	stream.linear.gather [hbm4b:s19+s3], $0x10, $0x38;
	[tilespmem:$0x1EF80] =	vst v63  }
0xe3: {  	_ =	swait.ge [sflag:s28], $0x10  }
0xe4: {  	[sflag:s28] =	ssyncset.done $0x0  }
0xe5: {  	[sflag:s28] =	ssyncadd.s32 $0xFFFFFFF0  }
0xe6: {  	[spmem:s1] =	stream.indirect.scatter.add.f32 [tilespmem:s30], [sflag:$0x5], $0x80, s13, s15, $0xb8;
	[tilespmem:$0x1EF80] =	vst v63  }
0xe7: {  	_ =	swait.ge [sflag:s28], $0x800  }
0xe8: {  	[sflag:s28] =	ssyncset.done $0x0  }
0xe9: {  	[sflag:s28] =	ssyncadd.s32 $0xFFFFF800  }
0xea: {  	[spmem:s1] =	stream.indirect.scatter.add.f32 [tilespmem:s31], [sflag:$0x5], $0x80, s14, s15, $0xb8;
	[tilespmem:$0x1EF80] =	vst v63  }
0xeb: {  	_ =	swait.ge [sflag:s28], $0x800  }
0xec: {  	[sflag:s28] =	ssyncset.done $0x0  }
0xed: {  	s20 =	stileid.u32;
	[sflag:s28] =	ssyncadd.s32 $0xFFFFF800  }
0xee: {  	s17 =	sshll.u32 s20, $0x6;
	[bflag:$0x0] =	sbarrier.arrive $0xFFFF  }
0xef: {  	s17 =	sor.u32 $0x1C05, s17;
	s21 =	sshrl.u32 s6, $0x3;
	s22 =	rddreg [dreg:$0xb]  }
0xf0: {  	[hbm:s22], [sflag:s17] =	dma.local [spmem:s21], $0x1380  }
0xf1: {  	_ =	swait.ge [sflag:s28], $0x1380  }
0xf2: {  	[sflag:s28] =	ssyncset.done $0x0  }
0xf3: {  	s20 =	sshrl.u32 s9, $0x3;
	s21 =	rddreg [dreg:$0xc];
	[sflag:s28] =	ssyncadd.s32 $0xFFFFEC80  }
0xf4: {  	[hbm:s21], [sflag:s17] =	dma.local [spmem:s20], $0x1380  }
0xf5: {  	_ =	swait.ge [sflag:s28], $0x1380  }
0xf6: {  	[sflag:s28] =	ssyncset.done $0x0  }
0xf7: {  	s18 =	sshrl.u32 @!p0 s12, $0x3;
	s19 =	rddreg [dreg:$0xd];
	[sflag:s28] =	ssyncadd.s32 $0xFFFFEC80  }
0xf8: {  	[hbm:s19], [sflag:s17] =	dma.local @!p0 [spmem:s18], $0x100  }
0xf9: {  	s17 =	simm.s32 @!p0 $0x5  }
0xfa: {  	_ =	swait.ge @!p0 [sflag:s17], $0x100  }
0xfb: {  	s16 =	sadd.s32 $0x1, s16;
	s22 =	rddreg [dreg:$0xe]  }
0xfc: {  	p1 =	sne.s32 s16, s22  }
.Ltmp4:
0xfd: {  	_ = 	snop;
	(pc) =	sbr.rel @p1 .LBB2_1-.Ltmp4, $3  }
0xfe: {  	_ =	sdelay $0x1  }
0xff: {  	[sflag:s17] =	ssyncset.done @!p0 $0x0  }
0x100: {  	[sflag:s17] =	ssyncadd.s32 @!p0 $0xFFFFFF00  }
0x101: {  	_ =	sfence.sel $0x180000  }
0x102: {  	[bflag:$0x0] =	sbarrier.arrive $0xFFFF  }
0x103: {  	_ =	strace $0x90000047  }
0x104: {  	s0 =	stileid.u32;
	[bflag:$0x2] =	sbarrier.arrive $0xFFFF  }
0x105: {  	p0 =	sne.s32 s0, $0x0;
	s0 =	rddreg [dreg:$0x2]  }
0x106: {  	s0 =	sadd.s32 @!p0 $0x100000, s0  }
0x107: {  	[sflag:s0] =	ssyncadd.tile.s32 @!p0 $0x1;
	_ =	shalt  }
.Lfunc_end2:
_tile_overlayer_lowered:
.L_overlay_start_2:
0x108: {  	(tag) =	ssettag $0x2  }
0x109: {  	s0 =	rddreg [dreg:$0x0];
	s2 =	stileid.u32  }
0x10a: {  	s1 =	rddreg [dreg:$0x1];
	p0 =	sne.s32 s2, $0x0  }
0x10b: {  	s3 =	rddreg [dreg:$0x2];
	[bflag:$0x3] =	sbarrier.arrive $0xFFFF;
	s2 =	simm.s32 @!p0 $0x1C05  }
0x10c: {  	[timem:s3], [sflag:s2] =	dma.local @!p0 [hbm:s0], s1  }
0x10d: {  	s0 =	simm.s32 @!p0 $0x5  }
0x10e: {  	_ =	swait.ge @!p0 [sflag:s0], s1  }
0x10f: {  	s1 =	ssub.s32 @!p0 $0x0, s1;
	[sflag:s0] =	ssyncset.done @!p0 $0x0  }
0x110: {  	[sflag:s0] =	ssyncadd.s32 @!p0 s1  }
0x111: {  	[bflag:$0x3] =	sbarrier.arrive $0xFFFF  }
0x112: {  	_ =	shalt  }

</sc_bundles>
